<compile_context>
chip_gen: v7x
topology: tpu7x:2x2x1
jax: 0.10.2.dev20260603
libtpu: 0.0.44.dev20260713+nightly
codegen_flags: <defaults>
</compile_context>

<pallas_src>
import jax
import jax.numpy as jnp
from jax import lax
from jax.experimental import pallas as pl
from jax.experimental.pallas import tpu as pltpu
from jax.experimental.pallas import tpu_sc as plsc

N = 10000
E = 320000
D = 128
H = 256
BETA_L = 0.5
C_CONST = 1.0
EPS_MSG = 1e-7
BN_EPS = 1e-5
LN_EPS = 1e-5

CHUNK = 64
NBUF = 5
RING = 2 * NBUF
EPAD = 327680
NCHUNKS = EPAD // CHUNK
NTILES = 16
NCH_T = NCHUNKS // NTILES
ACC_ROWS = 10112
ZROWS = ACC_ROWS // NTILES

NB = 10
BLK = N // NB


def _tab_body(x_ref, t_ref, em_ref, g_ref, mx_ref):
    p = pl.program_id(0)
    i = pl.program_id(1)
    t = t_ref[0, 0]
    m = jnp.maximum(x_ref[...], 0.0) + EPS_MSG

    @pl.when((p == 0) & (i == 0))
    def _():
        mx_ref[0] = jnp.max(t * m)

    @pl.when((p == 0) & (i != 0))
    def _():
        mx_ref[0] = jnp.maximum(mx_ref[0], jnp.max(t * m))

    @pl.when(p == 1)
    def _():
        em = jnp.exp(t * m - mx_ref[0])
        em_ref[...] = em
        g_ref[...] = m * em


def _sc_body(em_hbm, g_hbm, eidx_hbm, zeros_hbm, out_hbm, idx_t, *rest):
    bufs = rest[0:NBUF]
    acc = rest[NBUF]
    isems = rest[NBUF + 1:NBUF + 1 + RING]
    gsems = rest[NBUF + 1 + RING:NBUF + 1 + RING + NBUF]
    c = lax.axis_index("c")
    s = lax.axis_index("s")
    t0 = s * NCH_T

    def idx_fire(ci, k):
        pltpu.async_copy(eidx_hbm.at[ci], idx_t.at[k], isems[k])

    def idx_wait(ci, k):
        pltpu.make_async_copy(eidx_hbm.at[ci], idx_t.at[k], isems[k]).wait()

    def gather_fire(ki, kb):
        @pl.when(c == 0)
        def _():
            pltpu.async_copy(em_hbm.at[idx_t.at[ki, 0]], bufs[kb], gsems[kb])

        @pl.when(c != 0)
        def _():
            pltpu.async_copy(g_hbm.at[idx_t.at[ki, 0]], bufs[kb], gsems[kb])

    def gather_wait(ki, kb):
        @pl.when(c == 0)
        def _():
            pltpu.make_async_copy(em_hbm.at[idx_t.at[ki, 0]], bufs[kb],
                                  gsems[kb]).wait()

        @pl.when(c != 0)
        def _():
            pltpu.make_async_copy(g_hbm.at[idx_t.at[ki, 0]], bufs[kb],
                                  gsems[kb]).wait()

    for k in range(RING):
        idx_fire(t0 + k, k)
    pltpu.sync_copy(zeros_hbm, acc.at[pl.ds(s * ZROWS, ZROWS)])
    for k in range(NBUF):
        idx_wait(t0 + k, k)
        gather_fire(k, k)
    plsc.subcore_barrier()

    @pl.loop(0, NCH_T, step=RING)
    def _(j0):
        for k in range(RING):
            kb = k % NBUF
            j = j0 + k
            ci = t0 + j
            gather_wait(k, kb)
            pltpu.sync_copy(bufs[kb], acc.at[idx_t.at[k, 1]], add=True)

            @pl.when(j + RING < NCH_T)
            def _(ci=ci, k=k):
                idx_fire(ci + RING, k)

            @pl.when(j + NBUF < NCH_T)
            def _(ci=ci, k=k, kb=kb):
                k2 = (k + NBUF) % RING
                idx_wait(ci + NBUF, k2)
                gather_fire(k2, kb)

    plsc.subcore_barrier()

    base = s * ZROWS

    @pl.when(s < NTILES - 1)
    def _():
        pltpu.sync_copy(acc.at[pl.ds(base, ZROWS)],
                        out_hbm.at[pl.ds(c * N + base, ZROWS)])

    @pl.when(s == NTILES - 1)
    def _():
        last = (NTILES - 1) * ZROWS
        pltpu.sync_copy(acc.at[pl.ds(last, N - last)],
                        out_hbm.at[pl.ds(c * N + last, N - last)])


def _mlp_body(es_ref, gs_ref, x_ref, w1_ref, b1_ref, bng_ref, bnb_ref, w2_ref,
              b2_ref, lng_ref, lnb_ref, o_ref, h_scr, cs_ref, css_ref):
    p = pl.program_id(0)
    i = pl.program_id(1)

    @pl.when(p == 0)
    def _():
        agg = gs_ref[...] / (es_ref[...] + 1e-16)
        o = agg + x_ref[...]
        h = jnp.dot(o, w1_ref[...],
                    preferred_element_type=jnp.float32) + b1_ref[...]
        h_scr[pl.ds(i * BLK, BLK), :] = h
        bs = jnp.sum(h, axis=0, keepdims=True)
        bss = jnp.sum(h * h, axis=0, keepdims=True)

        @pl.when(i == 0)
        def _():
            cs_ref[...] = bs
            css_ref[...] = bss

        @pl.when(i != 0)
        def _():
            cs_ref[...] += bs
            css_ref[...] += bss

    @pl.when(p == 1)
    def _():
        inv_n = 1.0 / N
        mean = cs_ref[...] * inv_n
        var = css_ref[...] * inv_n - mean * mean
        h = h_scr[pl.ds(i * BLK, BLK), :]
        hn = (h - mean) * lax.rsqrt(var + BN_EPS) * bng_ref[...] + bnb_ref[...]
        hn = jnp.maximum(hn, 0.0)
        y = jnp.dot(hn, w2_ref[...],
                    preferred_element_type=jnp.float32) + b2_ref[...]
        mu = jnp.mean(y, axis=-1, keepdims=True)
        v = jnp.mean((y - mu) ** 2, axis=-1, keepdims=True)
        z = (y - mu) * lax.rsqrt(v + LN_EPS) * lng_ref[...] + lnb_ref[...]
        mix = (C_CONST - BETA_L) * jnp.maximum(z, 0.0) + BETA_L * z
        o_ref[...] = (C_CONST - BETA_L) * x_ref[...] + mix


def kernel(x, edge_index, t, W1, b1, bn_g, bn_b, W2, b2, ln_g, ln_b):
    f32 = jnp.float32
    t2 = t.reshape(1, 1).astype(f32)

    src = edge_index[0]
    dst = edge_index[1]
    pad = EPAD - E
    srcp = jnp.concatenate([src, jnp.zeros((pad,), jnp.int32)]).reshape(NCHUNKS, CHUNK)
    dstp = jnp.concatenate([dst, jnp.full((pad,), N, jnp.int32)]).reshape(NCHUNKS, CHUNK)
    eidx = jnp.stack([srcp, dstp], axis=1)
    zeros = jnp.zeros((ZROWS, D), f32)

    smem11 = pl.BlockSpec((1, 1), lambda p, i: (0, 0), memory_space=pltpu.SMEM)
    em, g = pl.pallas_call(
        _tab_body,
        grid=(2, NB),
        in_specs=[pl.BlockSpec((BLK, D), lambda p, i: (i, 0)),
                  smem11],
        out_specs=[pl.BlockSpec((BLK, D), lambda p, i: (i * p, 0)),
                   pl.BlockSpec((BLK, D), lambda p, i: (i * p, 0))],
        out_shape=[jax.ShapeDtypeStruct((N, D), f32),
                   jax.ShapeDtypeStruct((N, D), f32)],
        scratch_shapes=[pltpu.SMEM((1,), f32)],
    )(x, t2)

    mesh = plsc.VectorSubcoreMesh(core_axis_name="c", subcore_axis_name="s")
    sums = pl.kernel(
        _sc_body,
        out_type=jax.ShapeDtypeStruct((2 * N, D), f32),
        mesh=mesh,
        scratch_types=(
            [pltpu.VMEM((RING, 2, CHUNK), jnp.int32)]
            + [pltpu.VMEM((CHUNK, D), f32) for _ in range(NBUF)]
            + [pltpu.VMEM_SHARED((ACC_ROWS, D), f32)]
            + [pltpu.SemaphoreType.DMA for _ in range(RING + NBUF)]
        ),
    )(em, g, eidx, zeros)

    full = lambda shape: pl.BlockSpec(shape, lambda p, i: (0, 0))
    out = pl.pallas_call(
        _mlp_body,
        grid=(2, NB),
        in_specs=[pl.BlockSpec((BLK, D), lambda p, i: (i, 0)),
                  pl.BlockSpec((BLK, D), lambda p, i: (NB + i, 0)),
                  pl.BlockSpec((BLK, D), lambda p, i: (i, 0)),
                  full((D, H)),
                  full((1, H)),
                  full((1, H)),
                  full((1, H)),
                  full((H, D)),
                  full((1, D)),
                  full((1, D)),
                  full((1, D))],
        out_specs=pl.BlockSpec((BLK, D), lambda p, i: (i * p, 0)),
        out_shape=jax.ShapeDtypeStruct((N, D), f32),
        scratch_shapes=[pltpu.VMEM((N, H), f32),
                        pltpu.VMEM((1, H), f32),
                        pltpu.VMEM((1, H), f32)],
    )(sums, sums, x, W1, b1.reshape(1, H), bn_g.reshape(1, H),
      bn_b.reshape(1, H), W2, b2.reshape(1, D), ln_g.reshape(1, D),
      ln_b.reshape(1, D))

    return out

# --- scband reference (transcript-rebuilt; emitter-appended) ---
"""Pipeline reference for scband-deeper-gcnlayer-mix-14697378087224 (READ-ONLY COPY).

The authoritative reference and input builder live on the scoring server;
editing this copy changes nothing except your own understanding.
"""

import jax, jax.numpy as jnp
import numpy as np

N = 10000
E = 320000
D = 128
H = 256  # GENConv MLP hidden = dim * expansion(2)
BETA_L = 0.5
C_CONST = 1.0
EPS_MSG = 1e-7
BN_EPS = 1e-5
LN_EPS = 1e-5


def setup_inputs(seed: int = 0):
    key = jax.random.key(seed)
    ks = jax.random.split(key, 10)
    x = jax.random.normal(ks[0], (N, D), dtype=jnp.float32)
    edge_index = jax.random.randint(ks[1], (2, E), 0, N, dtype=jnp.int32)
    # GENConv learnable temperature (learn_t=True, init t=1.0)
    t = jnp.ones((), dtype=jnp.float32)
    # GENConv MLP (num_layers=2): Linear(D, 2D) -> BatchNorm1d -> ReLU -> Linear(2D, D)
    W1 = jax.random.normal(ks[2], (D, H), dtype=jnp.float32) * (1.0 / np.sqrt(D))
    b1 = jnp.zeros((H,), dtype=jnp.float32)
    bn_g = jnp.ones((H,), dtype=jnp.float32)
    bn_b = jnp.zeros((H,), dtype=jnp.float32)
    W2 = jax.random.normal(ks[3], (H, D), dtype=jnp.float32) * (1.0 / np.sqrt(H))
    b2 = jnp.zeros((D,), dtype=jnp.float32)
    # outer LayerNorm
    ln_g = jnp.ones((D,), dtype=jnp.float32)
    ln_b = jnp.zeros((D,), dtype=jnp.float32)
    return {"x": x, "edge_index": edge_index, "t": t, "W1": W1, "b1": b1,
            "bn_g": bn_g, "bn_b": bn_b, "W2": W2, "b2": b2,
            "ln_g": ln_g, "ln_b": ln_b}


def _genconv(x, edge_index, t, W1, b1, bn_g, bn_b, W2, b2):
    src = edge_index[0]
    dst = edge_index[1]
    # message: relu(x_j) + eps  (edge_attr is None)
    msg = jnp.maximum(x[src], 0.0) + EPS_MSG
    # softmax aggregation with temperature t over incoming edges per dst node
    logits = msg * t
    max_per = jax.ops.segment_max(logits, dst, num_segments=N)
    max_per = jnp.where(jnp.isfinite(max_per), max_per, 0.0)
    ex = jnp.exp(logits - max_per[dst])
    denom = jax.ops.segment_sum(ex, dst, num_segments=N)
    alpha = ex / (denom[dst] + 1e-16)
    agg = jax.ops.segment_sum(msg * alpha, dst, num_segments=N)
    out = agg + x  # add x_dst
    # MLP: Linear -> BatchNorm1d (training-mode batch stats) -> ReLU -> Linear
    h = out @ W1 + b1
    mean = jnp.mean(h, axis=0)
    var = jnp.mean((h - mean) ** 2, axis=0)
    h = (h - mean) / jnp.sqrt(var + BN_EPS) * bn_g + bn_b
    h = jnp.maximum(h, 0.0)
    h = h @ W2 + b2
    return h


def reference(x, edge_index, t, W1, b1, bn_g, bn_b, W2, b2, ln_g, ln_b):
    y = _genconv(x, edge_index, t, W1, b1, bn_g, bn_b, W2, b2)
    # LayerNorm
    mu = jnp.mean(y, axis=-1, keepdims=True)
    var = jnp.mean((y - mu) ** 2, axis=-1, keepdims=True)
    z = (y - mu) / jnp.sqrt(var + LN_EPS) * ln_g + ln_b
    # mix: tilde = (C - beta_l) * relu(z) + beta_l * z
    tilde = (C_CONST - BETA_L) * jnp.maximum(z, 0.0) + BETA_L * z
    # dropout p=0.0 is a no-op
    return (C_CONST - BETA_L) * x + tilde

if __name__ == "__main__":
    import jax
    _d = setup_inputs()
    print(jax.jit(kernel)(*tuple(_d.values())))

</pallas_src>

<mosaic_0001>
#map = affine_map<(d0, d1) -> (0, 0)>
#map1 = affine_map<(d0, d1) -> (0, 0, 0)>
module attributes {stable_mosaic.version = 14 : i64} {
  func.func @_sc_body(%arg0: i32, %arg1: i32, %arg2: memref<10000x128xf32, #tpu.memory_space<hbm>>, %arg3: memref<10000x128xf32, #tpu.memory_space<hbm>>, %arg4: memref<5120x2x64xi32, #tpu.memory_space<hbm>>, %arg5: memref<632x128xf32, #tpu.memory_space<hbm>>, %arg6: memref<20000x128xf32, #tpu.memory_space<hbm>>, %arg7: memref<10x2x64xi32, #tpu.memory_space<vmem>>, %arg8: memref<64x128xf32, #tpu.memory_space<vmem>>, %arg9: memref<64x128xf32, #tpu.memory_space<vmem>>, %arg10: memref<64x128xf32, #tpu.memory_space<vmem>>, %arg11: memref<64x128xf32, #tpu.memory_space<vmem>>, %arg12: memref<64x128xf32, #tpu.memory_space<vmem>>, %arg13: memref<10112x128xf32, #tpu.memory_space<vmem_shared>>, %arg14: memref<!tpu.dma_semaphore, #tpu.memory_space<semaphore_mem>>, %arg15: memref<!tpu.dma_semaphore, #tpu.memory_space<semaphore_mem>>, %arg16: memref<!tpu.dma_semaphore, #tpu.memory_space<semaphore_mem>>, %arg17: memref<!tpu.dma_semaphore, #tpu.memory_space<semaphore_mem>>, %arg18: memref<!tpu.dma_semaphore, #tpu.memory_space<semaphore_mem>>, %arg19: memref<!tpu.dma_semaphore, #tpu.memory_space<semaphore_mem>>, %arg20: memref<!tpu.dma_semaphore, #tpu.memory_space<semaphore_mem>>, %arg21: memref<!tpu.dma_semaphore, #tpu.memory_space<semaphore_mem>>, %arg22: memref<!tpu.dma_semaphore, #tpu.memory_space<semaphore_mem>>, %arg23: memref<!tpu.dma_semaphore, #tpu.memory_space<semaphore_mem>>, %arg24: memref<!tpu.dma_semaphore, #tpu.memory_space<semaphore_mem>>, %arg25: memref<!tpu.dma_semaphore, #tpu.memory_space<semaphore_mem>>, %arg26: memref<!tpu.dma_semaphore, #tpu.memory_space<semaphore_mem>>, %arg27: memref<!tpu.dma_semaphore, #tpu.memory_space<semaphore_mem>>, %arg28: memref<!tpu.dma_semaphore, #tpu.memory_space<semaphore_mem>>) attributes {dimension_semantics = [#tpu.dimension_semantics<core_parallel>, #tpu.dimension_semantics<subcore_parallel>], iteration_bounds = array<i64: 2, 16>, scalar_prefetch = 0 : i64, scratch_operands = 22 : i64, tpu.core_type = #tpu.core_type<sc_vector_subcore>, window_params = [{transform_indices = #map}, {transform_indices = #map}, {transform_indices = #map1}, {transform_indices = #map}, {transform_indices = #map}]} {
    %mul3A = arith.constant 320 : i32
    %mul3A_0 = arith.muli %arg1, %mul3A : i32
    %add3A = arith.constant 0 : i32
    %add3A_1 = arith.addi %mul3A_0, %add3A : i32
    %dma_start3A = arith.constant 0 : i32
    %dma_start3A_2 = arith.constant 0 : i32
    %dma_start3A_3 = arith.constant 0 : i32
    %dma_start3A_4 = tpu.memref_slice %arg7[%dma_start3A, %dma_start3A_2, %dma_start3A_3] : memref<10x2x64xi32, #tpu.memory_space<vmem>> -> memref<1x2x64xi32, #tpu.memory_space<vmem>>
    %dma_start3A_5 = tpu.memref_squeeze %dma_start3A_4 : memref<1x2x64xi32, #tpu.memory_space<vmem>> -> memref<2x64xi32, #tpu.memory_space<vmem>>
    %dma_start3A_6 = arith.constant 0 : i32
    %dma_start3A_7 = arith.constant 0 : i32
    %dma_start3A_8 = tpu.memref_slice %arg4[%add3A_1, %dma_start3A_6, %dma_start3A_7] : memref<5120x2x64xi32, #tpu.memory_space<hbm>> -> memref<1x2x64xi32, #tpu.memory_space<hbm>>
    %dma_start3A_9 = tpu.memref_squeeze %dma_start3A_8 : memref<1x2x64xi32, #tpu.memory_space<hbm>> -> memref<2x64xi32, #tpu.memory_space<hbm>>
    %dma_start3A_10 = arith.constant 0 : i32
    %dma_start3A_11 = arith.constant 0 : i32
    %dma_start3A_12 = tpu.memref_slice %arg7[%dma_start3A, %dma_start3A_10, %dma_start3A_11] : memref<10x2x64xi32, #tpu.memory_space<vmem>> -> memref<1x2x64xi32, #tpu.memory_space<vmem>>
    %dma_start3A_13 = tpu.memref_squeeze %dma_start3A_12 : memref<1x2x64xi32, #tpu.memory_space<vmem>> -> memref<2x64xi32, #tpu.memory_space<vmem>>
    %dma_start3A_14 = arith.constant 0 : i32
    %dma_start3A_15 = arith.constant 0 : i32
    %dma_start3A_16 = tpu.memref_slice %arg4[%add3A_1, %dma_start3A_14, %dma_start3A_15] : memref<5120x2x64xi32, #tpu.memory_space<hbm>> -> memref<1x2x64xi32, #tpu.memory_space<hbm>>
    %dma_start3A_17 = tpu.memref_squeeze %dma_start3A_16 : memref<1x2x64xi32, #tpu.memory_space<hbm>> -> memref<2x64xi32, #tpu.memory_space<hbm>>
    tpu.enqueue_dma source(%dma_start3A_17 : memref<2x64xi32, #tpu.memory_space<hbm>>) target(%dma_start3A_13 : memref<2x64xi32, #tpu.memory_space<vmem>>) target_semaphore(%arg14 : memref<!tpu.dma_semaphore, #tpu.memory_space<semaphore_mem>>)
    %add3A_18 = arith.constant 1 : i32
    %add3A_19 = arith.addi %mul3A_0, %add3A_18 : i32
    %dma_start3A_20 = arith.constant 1 : i32
    %dma_start3A_21 = arith.constant 0 : i32
    %dma_start3A_22 = arith.constant 0 : i32
    %dma_start3A_23 = tpu.memref_slice %arg7[%dma_start3A_20, %dma_start3A_21, %dma_start3A_22] : memref<10x2x64xi32, #tpu.memory_space<vmem>> -> memref<1x2x64xi32, #tpu.memory_space<vmem>>
    %dma_start3A_24 = tpu.memref_squeeze %dma_start3A_23 : memref<1x2x64xi32, #tpu.memory_space<vmem>> -> memref<2x64xi32, #tpu.memory_space<vmem>>
    %dma_start3A_25 = arith.constant 0 : i32
    %dma_start3A_26 = arith.constant 0 : i32
    %dma_start3A_27 = tpu.memref_slice %arg4[%add3A_19, %dma_start3A_25, %dma_start3A_26] : memref<5120x2x64xi32, #tpu.memory_space<hbm>> -> memref<1x2x64xi32, #tpu.memory_space<hbm>>
    %dma_start3A_28 = tpu.memref_squeeze %dma_start3A_27 : memref<1x2x64xi32, #tpu.memory_space<hbm>> -> memref<2x64xi32, #tpu.memory_space<hbm>>
    %dma_start3A_29 = arith.constant 0 : i32
    %dma_start3A_30 = arith.constant 0 : i32
    %dma_start3A_31 = tpu.memref_slice %arg7[%dma_start3A_20, %dma_start3A_29, %dma_start3A_30] : memref<10x2x64xi32, #tpu.memory_space<vmem>> -> memref<1x2x64xi32, #tpu.memory_space<vmem>>
    %dma_start3A_32 = tpu.memref_squeeze %dma_start3A_31 : memref<1x2x64xi32, #tpu.memory_space<vmem>> -> memref<2x64xi32, #tpu.memory_space<vmem>>
    %dma_start3A_33 = arith.constant 0 : i32
    %dma_start3A_34 = arith.constant 0 : i32
    %dma_start3A_35 = tpu.memref_slice %arg4[%add3A_19, %dma_start3A_33, %dma_start3A_34] : memref<5120x2x64xi32, #tpu.memory_space<hbm>> -> memref<1x2x64xi32, #tpu.memory_space<hbm>>
    %dma_start3A_36 = tpu.memref_squeeze %dma_start3A_35 : memref<1x2x64xi32, #tpu.memory_space<hbm>> -> memref<2x64xi32, #tpu.memory_space<hbm>>
    tpu.enqueue_dma source(%dma_start3A_36 : memref<2x64xi32, #tpu.memory_space<hbm>>) target(%dma_start3A_32 : memref<2x64xi32, #tpu.memory_space<vmem>>) target_semaphore(%arg15 : memref<!tpu.dma_semaphore, #tpu.memory_space<semaphore_mem>>)
    %add3A_37 = arith.constant 2 : i32
    %add3A_38 = arith.addi %mul3A_0, %add3A_37 : i32
    %dma_start3A_39 = arith.constant 2 : i32
    %dma_start3A_40 = arith.constant 0 : i32
    %dma_start3A_41 = arith.constant 0 : i32
    %dma_start3A_42 = tpu.memref_slice %arg7[%dma_start3A_39, %dma_start3A_40, %dma_start3A_41] : memref<10x2x64xi32, #tpu.memory_space<vmem>> -> memref<1x2x64xi32, #tpu.memory_space<vmem>>
    %dma_start3A_43 = tpu.memref_squeeze %dma_start3A_42 : memref<1x2x64xi32, #tpu.memory_space<vmem>> -> memref<2x64xi32, #tpu.memory_space<vmem>>
    %dma_start3A_44 = arith.constant 0 : i32
    %dma_start3A_45 = arith.constant 0 : i32
    %dma_start3A_46 = tpu.memref_slice %arg4[%add3A_38, %dma_start3A_44, %dma_start3A_45] : memref<5120x2x64xi32, #tpu.memory_space<hbm>> -> memref<1x2x64xi32, #tpu.memory_space<hbm>>
    %dma_start3A_47 = tpu.memref_squeeze %dma_start3A_46 : memref<1x2x64xi32, #tpu.memory_space<hbm>> -> memref<2x64xi32, #tpu.memory_space<hbm>>
    %dma_start3A_48 = arith.constant 0 : i32
    %dma_start3A_49 = arith.constant 0 : i32
    %dma_start3A_50 = tpu.memref_slice %arg7[%dma_start3A_39, %dma_start3A_48, %dma_start3A_49] : memref<10x2x64xi32, #tpu.memory_space<vmem>> -> memref<1x2x64xi32, #tpu.memory_space<vmem>>
    %dma_start3A_51 = tpu.memref_squeeze %dma_start3A_50 : memref<1x2x64xi32, #tpu.memory_space<vmem>> -> memref<2x64xi32, #tpu.memory_space<vmem>>
    %dma_start3A_52 = arith.constant 0 : i32
    %dma_start3A_53 = arith.constant 0 : i32
    %dma_start3A_54 = tpu.memref_slice %arg4[%add3A_38, %dma_start3A_52, %dma_start3A_53] : memref<5120x2x64xi32, #tpu.memory_space<hbm>> -> memref<1x2x64xi32, #tpu.memory_space<hbm>>
    %dma_start3A_55 = tpu.memref_squeeze %dma_start3A_54 : memref<1x2x64xi32, #tpu.memory_space<hbm>> -> memref<2x64xi32, #tpu.memory_space<hbm>>
    tpu.enqueue_dma source(%dma_start3A_55 : memref<2x64xi32, #tpu.memory_space<hbm>>) target(%dma_start3A_51 : memref<2x64xi32, #tpu.memory_space<vmem>>) target_semaphore(%arg16 : memref<!tpu.dma_semaphore, #tpu.memory_space<semaphore_mem>>)
    %add3A_56 = arith.constant 3 : i32
    %add3A_57 = arith.addi %mul3A_0, %add3A_56 : i32
    %dma_start3A_58 = arith.constant 3 : i32
    %dma_start3A_59 = arith.constant 0 : i32
    %dma_start3A_60 = arith.constant 0 : i32
    %dma_start3A_61 = tpu.memref_slice %arg7[%dma_start3A_58, %dma_start3A_59, %dma_start3A_60] : memref<10x2x64xi32, #tpu.memory_space<vmem>> -> memref<1x2x64xi32, #tpu.memory_space<vmem>>
    %dma_start3A_62 = tpu.memref_squeeze %dma_start3A_61 : memref<1x2x64xi32, #tpu.memory_space<vmem>> -> memref<2x64xi32, #tpu.memory_space<vmem>>
    %dma_start3A_63 = arith.constant 0 : i32
    %dma_start3A_64 = arith.constant 0 : i32
    %dma_start3A_65 = tpu.memref_slice %arg4[%add3A_57, %dma_start3A_63, %dma_start3A_64] : memref<5120x2x64xi32, #tpu.memory_space<hbm>> -> memref<1x2x64xi32, #tpu.memory_space<hbm>>
    %dma_start3A_66 = tpu.memref_squeeze %dma_start3A_65 : memref<1x2x64xi32, #tpu.memory_space<hbm>> -> memref<2x64xi32, #tpu.memory_space<hbm>>
    %dma_start3A_67 = arith.constant 0 : i32
    %dma_start3A_68 = arith.constant 0 : i32
    %dma_start3A_69 = tpu.memref_slice %arg7[%dma_start3A_58, %dma_start3A_67, %dma_start3A_68] : memref<10x2x64xi32, #tpu.memory_space<vmem>> -> memref<1x2x64xi32, #tpu.memory_space<vmem>>
    %dma_start3A_70 = tpu.memref_squeeze %dma_start3A_69 : memref<1x2x64xi32, #tpu.memory_space<vmem>> -> memref<2x64xi32, #tpu.memory_space<vmem>>
    %dma_start3A_71 = arith.constant 0 : i32
    %dma_start3A_72 = arith.constant 0 : i32
    %dma_start3A_73 = tpu.memref_slice %arg4[%add3A_57, %dma_start3A_71, %dma_start3A_72] : memref<5120x2x64xi32, #tpu.memory_space<hbm>> -> memref<1x2x64xi32, #tpu.memory_space<hbm>>
    %dma_start3A_74 = tpu.memref_squeeze %dma_start3A_73 : memref<1x2x64xi32, #tpu.memory_space<hbm>> -> memref<2x64xi32, #tpu.memory_space<hbm>>
    tpu.enqueue_dma source(%dma_start3A_74 : memref<2x64xi32, #tpu.memory_space<hbm>>) target(%dma_start3A_70 : memref<2x64xi32, #tpu.memory_space<vmem>>) target_semaphore(%arg17 : memref<!tpu.dma_semaphore, #tpu.memory_space<semaphore_mem>>)
    %add3A_75 = arith.constant 4 : i32
    %add3A_76 = arith.addi %mul3A_0, %add3A_75 : i32
    %dma_start3A_77 = arith.constant 4 : i32
    %dma_start3A_78 = arith.constant 0 : i32
    %dma_start3A_79 = arith.constant 0 : i32
    %dma_start3A_80 = tpu.memref_slice %arg7[%dma_start3A_77, %dma_start3A_78, %dma_start3A_79] : memref<10x2x64xi32, #tpu.memory_space<vmem>> -> memref<1x2x64xi32, #tpu.memory_space<vmem>>
    %dma_start3A_81 = tpu.memref_squeeze %dma_start3A_80 : memref<1x2x64xi32, #tpu.memory_space<vmem>> -> memref<2x64xi32, #tpu.memory_space<vmem>>
    %dma_start3A_82 = arith.constant 0 : i32
    %dma_start3A_83 = arith.constant 0 : i32
    %dma_start3A_84 = tpu.memref_slice %arg4[%add3A_76, %dma_start3A_82, %dma_start3A_83] : memref<5120x2x64xi32, #tpu.memory_space<hbm>> -> memref<1x2x64xi32, #tpu.memory_space<hbm>>
    %dma_start3A_85 = tpu.memref_squeeze %dma_start3A_84 : memref<1x2x64xi32, #tpu.memory_space<hbm>> -> memref<2x64xi32, #tpu.memory_space<hbm>>
    %dma_start3A_86 = arith.constant 0 : i32
    %dma_start3A_87 = arith.constant 0 : i32
    %dma_start3A_88 = tpu.memref_slice %arg7[%dma_start3A_77, %dma_start3A_86, %dma_start3A_87] : memref<10x2x64xi32, #tpu.memory_space<vmem>> -> memref<1x2x64xi32, #tpu.memory_space<vmem>>
    %dma_start3A_89 = tpu.memref_squeeze %dma_start3A_88 : memref<1x2x64xi32, #tpu.memory_space<vmem>> -> memref<2x64xi32, #tpu.memory_space<vmem>>
    %dma_start3A_90 = arith.constant 0 : i32
    %dma_start3A_91 = arith.constant 0 : i32
    %dma_start3A_92 = tpu.memref_slice %arg4[%add3A_76, %dma_start3A_90, %dma_start3A_91] : memref<5120x2x64xi32, #tpu.memory_space<hbm>> -> memref<1x2x64xi32, #tpu.memory_space<hbm>>
    %dma_start3A_93 = tpu.memref_squeeze %dma_start3A_92 : memref<1x2x64xi32, #tpu.memory_space<hbm>> -> memref<2x64xi32, #tpu.memory_space<hbm>>
    tpu.enqueue_dma source(%dma_start3A_93 : memref<2x64xi32, #tpu.memory_space<hbm>>) target(%dma_start3A_89 : memref<2x64xi32, #tpu.memory_space<vmem>>) target_semaphore(%arg18 : memref<!tpu.dma_semaphore, #tpu.memory_space<semaphore_mem>>)
    %add3A_94 = arith.constant 5 : i32
    %add3A_95 = arith.addi %mul3A_0, %add3A_94 : i32
    %dma_start3A_96 = arith.constant 5 : i32
    %dma_start3A_97 = arith.constant 0 : i32
    %dma_start3A_98 = arith.constant 0 : i32
    %dma_start3A_99 = tpu.memref_slice %arg7[%dma_start3A_96, %dma_start3A_97, %dma_start3A_98] : memref<10x2x64xi32, #tpu.memory_space<vmem>> -> memref<1x2x64xi32, #tpu.memory_space<vmem>>
    %dma_start3A_100 = tpu.memref_squeeze %dma_start3A_99 : memref<1x2x64xi32, #tpu.memory_space<vmem>> -> memref<2x64xi32, #tpu.memory_space<vmem>>
    %dma_start3A_101 = arith.constant 0 : i32
    %dma_start3A_102 = arith.constant 0 : i32
    %dma_start3A_103 = tpu.memref_slice %arg4[%add3A_95, %dma_start3A_101, %dma_start3A_102] : memref<5120x2x64xi32, #tpu.memory_space<hbm>> -> memref<1x2x64xi32, #tpu.memory_space<hbm>>
    %dma_start3A_104 = tpu.memref_squeeze %dma_start3A_103 : memref<1x2x64xi32, #tpu.memory_space<hbm>> -> memref<2x64xi32, #tpu.memory_space<hbm>>
    %dma_start3A_105 = arith.constant 0 : i32
    %dma_start3A_106 = arith.constant 0 : i32
    %dma_start3A_107 = tpu.memref_slice %arg7[%dma_start3A_96, %dma_start3A_105, %dma_start3A_106] : memref<10x2x64xi32, #tpu.memory_space<vmem>> -> memref<1x2x64xi32, #tpu.memory_space<vmem>>
    %dma_start3A_108 = tpu.memref_squeeze %dma_start3A_107 : memref<1x2x64xi32, #tpu.memory_space<vmem>> -> memref<2x64xi32, #tpu.memory_space<vmem>>
    %dma_start3A_109 = arith.constant 0 : i32
    %dma_start3A_110 = arith.constant 0 : i32
    %dma_start3A_111 = tpu.memref_slice %arg4[%add3A_95, %dma_start3A_109, %dma_start3A_110] : memref<5120x2x64xi32, #tpu.memory_space<hbm>> -> memref<1x2x64xi32, #tpu.memory_space<hbm>>
    %dma_start3A_112 = tpu.memref_squeeze %dma_start3A_111 : memref<1x2x64xi32, #tpu.memory_space<hbm>> -> memref<2x64xi32, #tpu.memory_space<hbm>>
    tpu.enqueue_dma source(%dma_start3A_112 : memref<2x64xi32, #tpu.memory_space<hbm>>) target(%dma_start3A_108 : memref<2x64xi32, #tpu.memory_space<vmem>>) target_semaphore(%arg19 : memref<!tpu.dma_semaphore, #tpu.memory_space<semaphore_mem>>)
    %add3A_113 = arith.constant 6 : i32
    %add3A_114 = arith.addi %mul3A_0, %add3A_113 : i32
    %dma_start3A_115 = arith.constant 6 : i32
    %dma_start3A_116 = arith.constant 0 : i32
    %dma_start3A_117 = arith.constant 0 : i32
    %dma_start3A_118 = tpu.memref_slice %arg7[%dma_start3A_115, %dma_start3A_116, %dma_start3A_117] : memref<10x2x64xi32, #tpu.memory_space<vmem>> -> memref<1x2x64xi32, #tpu.memory_space<vmem>>
    %dma_start3A_119 = tpu.memref_squeeze %dma_start3A_118 : memref<1x2x64xi32, #tpu.memory_space<vmem>> -> memref<2x64xi32, #tpu.memory_space<vmem>>
    %dma_start3A_120 = arith.constant 0 : i32
    %dma_start3A_121 = arith.constant 0 : i32
    %dma_start3A_122 = tpu.memref_slice %arg4[%add3A_114, %dma_start3A_120, %dma_start3A_121] : memref<5120x2x64xi32, #tpu.memory_space<hbm>> -> memref<1x2x64xi32, #tpu.memory_space<hbm>>
    %dma_start3A_123 = tpu.memref_squeeze %dma_start3A_122 : memref<1x2x64xi32, #tpu.memory_space<hbm>> -> memref<2x64xi32, #tpu.memory_space<hbm>>
    %dma_start3A_124 = arith.constant 0 : i32
    %dma_start3A_125 = arith.constant 0 : i32
    %dma_start3A_126 = tpu.memref_slice %arg7[%dma_start3A_115, %dma_start3A_124, %dma_start3A_125] : memref<10x2x64xi32, #tpu.memory_space<vmem>> -> memref<1x2x64xi32, #tpu.memory_space<vmem>>
    %dma_start3A_127 = tpu.memref_squeeze %dma_start3A_126 : memref<1x2x64xi32, #tpu.memory_space<vmem>> -> memref<2x64xi32, #tpu.memory_space<vmem>>
    %dma_start3A_128 = arith.constant 0 : i32
    %dma_start3A_129 = arith.constant 0 : i32
    %dma_start3A_130 = tpu.memref_slice %arg4[%add3A_114, %dma_start3A_128, %dma_start3A_129] : memref<5120x2x64xi32, #tpu.memory_space<hbm>> -> memref<1x2x64xi32, #tpu.memory_space<hbm>>
    %dma_start3A_131 = tpu.memref_squeeze %dma_start3A_130 : memref<1x2x64xi32, #tpu.memory_space<hbm>> -> memref<2x64xi32, #tpu.memory_space<hbm>>
    tpu.enqueue_dma source(%dma_start3A_131 : memref<2x64xi32, #tpu.memory_space<hbm>>) target(%dma_start3A_127 : memref<2x64xi32, #tpu.memory_space<vmem>>) target_semaphore(%arg20 : memref<!tpu.dma_semaphore, #tpu.memory_space<semaphore_mem>>)
    %add3A_132 = arith.constant 7 : i32
    %add3A_133 = arith.addi %mul3A_0, %add3A_132 : i32
    %dma_start3A_134 = arith.constant 7 : i32
    %dma_start3A_135 = arith.constant 0 : i32
    %dma_start3A_136 = arith.constant 0 : i32
    %dma_start3A_137 = tpu.memref_slice %arg7[%dma_start3A_134, %dma_start3A_135, %dma_start3A_136] : memref<10x2x64xi32, #tpu.memory_space<vmem>> -> memref<1x2x64xi32, #tpu.memory_space<vmem>>
    %dma_start3A_138 = tpu.memref_squeeze %dma_start3A_137 : memref<1x2x64xi32, #tpu.memory_space<vmem>> -> memref<2x64xi32, #tpu.memory_space<vmem>>
    %dma_start3A_139 = arith.constant 0 : i32
    %dma_start3A_140 = arith.constant 0 : i32
    %dma_start3A_141 = tpu.memref_slice %arg4[%add3A_133, %dma_start3A_139, %dma_start3A_140] : memref<5120x2x64xi32, #tpu.memory_space<hbm>> -> memref<1x2x64xi32, #tpu.memory_space<hbm>>
    %dma_start3A_142 = tpu.memref_squeeze %dma_start3A_141 : memref<1x2x64xi32, #tpu.memory_space<hbm>> -> memref<2x64xi32, #tpu.memory_space<hbm>>
    %dma_start3A_143 = arith.constant 0 : i32
    %dma_start3A_144 = arith.constant 0 : i32
    %dma_start3A_145 = tpu.memref_slice %arg7[%dma_start3A_134, %dma_start3A_143, %dma_start3A_144] : memref<10x2x64xi32, #tpu.memory_space<vmem>> -> memref<1x2x64xi32, #tpu.memory_space<vmem>>
    %dma_start3A_146 = tpu.memref_squeeze %dma_start3A_145 : memref<1x2x64xi32, #tpu.memory_space<vmem>> -> memref<2x64xi32, #tpu.memory_space<vmem>>
    %dma_start3A_147 = arith.constant 0 : i32
    %dma_start3A_148 = arith.constant 0 : i32
    %dma_start3A_149 = tpu.memref_slice %arg4[%add3A_133, %dma_start3A_147, %dma_start3A_148] : memref<5120x2x64xi32, #tpu.memory_space<hbm>> -> memref<1x2x64xi32, #tpu.memory_space<hbm>>
    %dma_start3A_150 = tpu.memref_squeeze %dma_start3A_149 : memref<1x2x64xi32, #tpu.memory_space<hbm>> -> memref<2x64xi32, #tpu.memory_space<hbm>>
    tpu.enqueue_dma source(%dma_start3A_150 : memref<2x64xi32, #tpu.memory_space<hbm>>) target(%dma_start3A_146 : memref<2x64xi32, #tpu.memory_space<vmem>>) target_semaphore(%arg21 : memref<!tpu.dma_semaphore, #tpu.memory_space<semaphore_mem>>)
    %add3A_151 = arith.constant 8 : i32
    %add3A_152 = arith.addi %mul3A_0, %add3A_151 : i32
    %dma_start3A_153 = arith.constant 8 : i32
    %dma_start3A_154 = arith.constant 0 : i32
    %dma_start3A_155 = arith.constant 0 : i32
    %dma_start3A_156 = tpu.memref_slice %arg7[%dma_start3A_153, %dma_start3A_154, %dma_start3A_155] : memref<10x2x64xi32, #tpu.memory_space<vmem>> -> memref<1x2x64xi32, #tpu.memory_space<vmem>>
    %dma_start3A_157 = tpu.memref_squeeze %dma_start3A_156 : memref<1x2x64xi32, #tpu.memory_space<vmem>> -> memref<2x64xi32, #tpu.memory_space<vmem>>
    %dma_start3A_158 = arith.constant 0 : i32
    %dma_start3A_159 = arith.constant 0 : i32
    %dma_start3A_160 = tpu.memref_slice %arg4[%add3A_152, %dma_start3A_158, %dma_start3A_159] : memref<5120x2x64xi32, #tpu.memory_space<hbm>> -> memref<1x2x64xi32, #tpu.memory_space<hbm>>
    %dma_start3A_161 = tpu.memref_squeeze %dma_start3A_160 : memref<1x2x64xi32, #tpu.memory_space<hbm>> -> memref<2x64xi32, #tpu.memory_space<hbm>>
    %dma_start3A_162 = arith.constant 0 : i32
    %dma_start3A_163 = arith.constant 0 : i32
    %dma_start3A_164 = tpu.memref_slice %arg7[%dma_start3A_153, %dma_start3A_162, %dma_start3A_163] : memref<10x2x64xi32, #tpu.memory_space<vmem>> -> memref<1x2x64xi32, #tpu.memory_space<vmem>>
    %dma_start3A_165 = tpu.memref_squeeze %dma_start3A_164 : memref<1x2x64xi32, #tpu.memory_space<vmem>> -> memref<2x64xi32, #tpu.memory_space<vmem>>
    %dma_start3A_166 = arith.constant 0 : i32
    %dma_start3A_167 = arith.constant 0 : i32
    %dma_start3A_168 = tpu.memref_slice %arg4[%add3A_152, %dma_start3A_166, %dma_start3A_167] : memref<5120x2x64xi32, #tpu.memory_space<hbm>> -> memref<1x2x64xi32, #tpu.memory_space<hbm>>
    %dma_start3A_169 = tpu.memref_squeeze %dma_start3A_168 : memref<1x2x64xi32, #tpu.memory_space<hbm>> -> memref<2x64xi32, #tpu.memory_space<hbm>>
    tpu.enqueue_dma source(%dma_start3A_169 : memref<2x64xi32, #tpu.memory_space<hbm>>) target(%dma_start3A_165 : memref<2x64xi32, #tpu.memory_space<vmem>>) target_semaphore(%arg22 : memref<!tpu.dma_semaphore, #tpu.memory_space<semaphore_mem>>)
    %add3A_170 = arith.constant 9 : i32
    %add3A_171 = arith.addi %mul3A_0, %add3A_170 : i32
    %dma_start3A_172 = arith.constant 9 : i32
    %dma_start3A_173 = arith.constant 0 : i32
    %dma_start3A_174 = arith.constant 0 : i32
    %dma_start3A_175 = tpu.memref_slice %arg7[%dma_start3A_172, %dma_start3A_173, %dma_start3A_174] : memref<10x2x64xi32, #tpu.memory_space<vmem>> -> memref<1x2x64xi32, #tpu.memory_space<vmem>>
    %dma_start3A_176 = tpu.memref_squeeze %dma_start3A_175 : memref<1x2x64xi32, #tpu.memory_space<vmem>> -> memref<2x64xi32, #tpu.memory_space<vmem>>
    %dma_start3A_177 = arith.constant 0 : i32
    %dma_start3A_178 = arith.constant 0 : i32
    %dma_start3A_179 = tpu.memref_slice %arg4[%add3A_171, %dma_start3A_177, %dma_start3A_178] : memref<5120x2x64xi32, #tpu.memory_space<hbm>> -> memref<1x2x64xi32, #tpu.memory_space<hbm>>
    %dma_start3A_180 = tpu.memref_squeeze %dma_start3A_179 : memref<1x2x64xi32, #tpu.memory_space<hbm>> -> memref<2x64xi32, #tpu.memory_space<hbm>>
    %dma_start3A_181 = arith.constant 0 : i32
    %dma_start3A_182 = arith.constant 0 : i32
    %dma_start3A_183 = tpu.memref_slice %arg7[%dma_start3A_172, %dma_start3A_181, %dma_start3A_182] : memref<10x2x64xi32, #tpu.memory_space<vmem>> -> memref<1x2x64xi32, #tpu.memory_space<vmem>>
    %dma_start3A_184 = tpu.memref_squeeze %dma_start3A_183 : memref<1x2x64xi32, #tpu.memory_space<vmem>> -> memref<2x64xi32, #tpu.memory_space<vmem>>
    %dma_start3A_185 = arith.constant 0 : i32
    %dma_start3A_186 = arith.constant 0 : i32
    %dma_start3A_187 = tpu.memref_slice %arg4[%add3A_171, %dma_start3A_185, %dma_start3A_186] : memref<5120x2x64xi32, #tpu.memory_space<hbm>> -> memref<1x2x64xi32, #tpu.memory_space<hbm>>
    %dma_start3A_188 = tpu.memref_squeeze %dma_start3A_187 : memref<1x2x64xi32, #tpu.memory_space<hbm>> -> memref<2x64xi32, #tpu.memory_space<hbm>>
    tpu.enqueue_dma source(%dma_start3A_188 : memref<2x64xi32, #tpu.memory_space<hbm>>) target(%dma_start3A_184 : memref<2x64xi32, #tpu.memory_space<vmem>>) target_semaphore(%arg23 : memref<!tpu.dma_semaphore, #tpu.memory_space<semaphore_mem>>)
    %mul3A_189 = arith.constant 632 : i32
    %mul3A_190 = arith.muli %arg1, %mul3A_189 : i32
    "tpu.region"() ({
      %run_scoped3A = tpu.sem_alloc : memref<!tpu.dma_semaphore, #tpu.memory_space<semaphore_mem>>
      %dma_start3A_347 = arith.constant 0 : i32
      %dma_start3A_348 = tpu.memref_slice %arg13[%mul3A_190, %dma_start3A_347] : memref<10112x128xf32, #tpu.memory_space<vmem_shared>> -> memref<632x128xf32, #tpu.memory_space<vmem_shared>>
      tpu.enqueue_dma source(%arg5 : memref<632x128xf32, #tpu.memory_space<hbm>>) target(%dma_start3A_348 : memref<632x128xf32, #tpu.memory_space<vmem_shared>>) target_semaphore(%run_scoped3A : memref<!tpu.dma_semaphore, #tpu.memory_space<semaphore_mem>>)
      %dma_wait3A_349 = arith.constant 0 : i32
      %dma_wait3A_350 = tpu.memref_slice %arg13[%mul3A_190, %dma_wait3A_349] : memref<10112x128xf32, #tpu.memory_space<vmem_shared>> -> memref<632x128xf32, #tpu.memory_space<vmem_shared>>
      tpu.wait_dma2 semaphore(%run_scoped3A : memref<!tpu.dma_semaphore, #tpu.memory_space<semaphore_mem>>) src(%arg5 : memref<632x128xf32, #tpu.memory_space<hbm>>) dst(%dma_wait3A_350 : memref<632x128xf32, #tpu.memory_space<vmem_shared>>)
      tpu.yield
    }) : () -> ()
    %add3A_191 = arith.constant 0 : i32
    %add3A_192 = arith.addi %mul3A_0, %add3A_191 : i32
    %dma_wait3A = arith.constant 0 : i32
    %dma_wait3A_193 = arith.constant 0 : i32
    %dma_wait3A_194 = arith.constant 0 : i32
    %dma_wait3A_195 = tpu.memref_slice %arg7[%dma_wait3A, %dma_wait3A_193, %dma_wait3A_194] : memref<10x2x64xi32, #tpu.memory_space<vmem>> -> memref<1x2x64xi32, #tpu.memory_space<vmem>>
    %dma_wait3A_196 = tpu.memref_squeeze %dma_wait3A_195 : memref<1x2x64xi32, #tpu.memory_space<vmem>> -> memref<2x64xi32, #tpu.memory_space<vmem>>
    %dma_wait3A_197 = arith.constant 0 : i32
    %dma_wait3A_198 = arith.constant 0 : i32
    %dma_wait3A_199 = tpu.memref_slice %arg4[%add3A_192, %dma_wait3A_197, %dma_wait3A_198] : memref<5120x2x64xi32, #tpu.memory_space<hbm>> -> memref<1x2x64xi32, #tpu.memory_space<hbm>>
    %dma_wait3A_200 = tpu.memref_squeeze %dma_wait3A_199 : memref<1x2x64xi32, #tpu.memory_space<hbm>> -> memref<2x64xi32, #tpu.memory_space<hbm>>
    %dma_wait3A_201 = arith.constant 0 : i32
    %dma_wait3A_202 = arith.constant 0 : i32
    %dma_wait3A_203 = tpu.memref_slice %arg7[%dma_wait3A, %dma_wait3A_201, %dma_wait3A_202] : memref<10x2x64xi32, #tpu.memory_space<vmem>> -> memref<1x2x64xi32, #tpu.memory_space<vmem>>
    %dma_wait3A_204 = tpu.memref_squeeze %dma_wait3A_203 : memref<1x2x64xi32, #tpu.memory_space<vmem>> -> memref<2x64xi32, #tpu.memory_space<vmem>>
    %dma_wait3A_205 = arith.constant 0 : i32
    %dma_wait3A_206 = arith.constant 0 : i32
    %dma_wait3A_207 = tpu.memref_slice %arg4[%add3A_192, %dma_wait3A_205, %dma_wait3A_206] : memref<5120x2x64xi32, #tpu.memory_space<hbm>> -> memref<1x2x64xi32, #tpu.memory_space<hbm>>
    %dma_wait3A_208 = tpu.memref_squeeze %dma_wait3A_207 : memref<1x2x64xi32, #tpu.memory_space<hbm>> -> memref<2x64xi32, #tpu.memory_space<hbm>>
    tpu.wait_dma2 semaphore(%arg14 : memref<!tpu.dma_semaphore, #tpu.memory_space<semaphore_mem>>) src(%dma_wait3A_208 : memref<2x64xi32, #tpu.memory_space<hbm>>) dst(%dma_wait3A_204 : memref<2x64xi32, #tpu.memory_space<vmem>>)
    %eq3A = arith.constant 0 : i32
    %eq3A_209 = arith.cmpi eq, %arg0, %eq3A : i32
    %convert_element_type3A = arith.extui %eq3A_209 : i1 to i32
    %cond3A = arith.constant 0 : i32
    %cond3A_210 = arith.cmpi ne, %convert_element_type3A, %cond3A : i32
    scf.if %cond3A_210 {
      %dma_start3A_347 = arith.constant 0 : i32
      %dma_start3A_348 = arith.constant 0 : i32
      %dma_start3A_349 = arith.constant 0 : i32
      %dma_start3A_350 = tpu.memref_slice %arg7[%dma_start3A_347, %dma_start3A_348, %dma_start3A_349] : memref<10x2x64xi32, #tpu.memory_space<vmem>> -> memref<1x1x64xi32, #tpu.memory_space<vmem>>
      %dma_start3A_351 = tpu.memref_squeeze %dma_start3A_350 : memref<1x1x64xi32, #tpu.memory_space<vmem>> -> memref<64xi32, #tpu.memory_space<vmem>>
      %dma_start3A_352 = arith.constant 0 : i32
      %dma_start3A_353 = arith.constant 0 : i32
      %dma_start3A_354 = tpu.memref_slice %arg2[%dma_start3A_352, %dma_start3A_353] : memref<10000x128xf32, #tpu.memory_space<hbm>> -> memref<10000x128xf32, #tpu.memory_space<hbm>>
      tpu.enqueue_indirect_dma source(%dma_start3A_354 : memref<10000x128xf32, #tpu.memory_space<hbm>>) target(%arg8 : memref<64x128xf32, #tpu.memory_space<vmem>>) offsets(%dma_start3A_351 : memref<64xi32, #tpu.memory_space<vmem>>) semaphore(%arg24 : memref<!tpu.dma_semaphore, #tpu.memory_space<semaphore_mem>>)
    } else {
    }
    %ne3A = arith.constant 0 : i32
    %ne3A_211 = arith.cmpi ne, %arg0, %ne3A : i32
    %convert_element_type3A_212 = arith.extui %ne3A_211 : i1 to i32
    %cond3A_213 = arith.constant 0 : i32
    %cond3A_214 = arith.cmpi ne, %convert_element_type3A_212, %cond3A_213 : i32
    scf.if %cond3A_214 {
      %dma_start3A_347 = arith.constant 0 : i32
      %dma_start3A_348 = arith.constant 0 : i32
      %dma_start3A_349 = arith.constant 0 : i32
      %dma_start3A_350 = tpu.memref_slice %arg7[%dma_start3A_347, %dma_start3A_348, %dma_start3A_349] : memref<10x2x64xi32, #tpu.memory_space<vmem>> -> memref<1x1x64xi32, #tpu.memory_space<vmem>>
      %dma_start3A_351 = tpu.memref_squeeze %dma_start3A_350 : memref<1x1x64xi32, #tpu.memory_space<vmem>> -> memref<64xi32, #tpu.memory_space<vmem>>
      %dma_start3A_352 = arith.constant 0 : i32
      %dma_start3A_353 = arith.constant 0 : i32
      %dma_start3A_354 = tpu.memref_slice %arg3[%dma_start3A_352, %dma_start3A_353] : memref<10000x128xf32, #tpu.memory_space<hbm>> -> memref<10000x128xf32, #tpu.memory_space<hbm>>
      tpu.enqueue_indirect_dma source(%dma_start3A_354 : memref<10000x128xf32, #tpu.memory_space<hbm>>) target(%arg8 : memref<64x128xf32, #tpu.memory_space<vmem>>) offsets(%dma_start3A_351 : memref<64xi32, #tpu.memory_space<vmem>>) semaphore(%arg24 : memref<!tpu.dma_semaphore, #tpu.memory_space<semaphore_mem>>)
    } else {
    }
    %add3A_215 = arith.constant 1 : i32
    %add3A_216 = arith.addi %mul3A_0, %add3A_215 : i32
    %dma_wait3A_217 = arith.constant 1 : i32
    %dma_wait3A_218 = arith.constant 0 : i32
    %dma_wait3A_219 = arith.constant 0 : i32
    %dma_wait3A_220 = tpu.memref_slice %arg7[%dma_wait3A_217, %dma_wait3A_218, %dma_wait3A_219] : memref<10x2x64xi32, #tpu.memory_space<vmem>> -> memref<1x2x64xi32, #tpu.memory_space<vmem>>
    %dma_wait3A_221 = tpu.memref_squeeze %dma_wait3A_220 : memref<1x2x64xi32, #tpu.memory_space<vmem>> -> memref<2x64xi32, #tpu.memory_space<vmem>>
    %dma_wait3A_222 = arith.constant 0 : i32
    %dma_wait3A_223 = arith.constant 0 : i32
    %dma_wait3A_224 = tpu.memref_slice %arg4[%add3A_216, %dma_wait3A_222, %dma_wait3A_223] : memref<5120x2x64xi32, #tpu.memory_space<hbm>> -> memref<1x2x64xi32, #tpu.memory_space<hbm>>
    %dma_wait3A_225 = tpu.memref_squeeze %dma_wait3A_224 : memref<1x2x64xi32, #tpu.memory_space<hbm>> -> memref<2x64xi32, #tpu.memory_space<hbm>>
    %dma_wait3A_226 = arith.constant 0 : i32
    %dma_wait3A_227 = arith.constant 0 : i32
    %dma_wait3A_228 = tpu.memref_slice %arg7[%dma_wait3A_217, %dma_wait3A_226, %dma_wait3A_227] : memref<10x2x64xi32, #tpu.memory_space<vmem>> -> memref<1x2x64xi32, #tpu.memory_space<vmem>>
    %dma_wait3A_229 = tpu.memref_squeeze %dma_wait3A_228 : memref<1x2x64xi32, #tpu.memory_space<vmem>> -> memref<2x64xi32, #tpu.memory_space<vmem>>
    %dma_wait3A_230 = arith.constant 0 : i32
    %dma_wait3A_231 = arith.constant 0 : i32
    %dma_wait3A_232 = tpu.memref_slice %arg4[%add3A_216, %dma_wait3A_230, %dma_wait3A_231] : memref<5120x2x64xi32, #tpu.memory_space<hbm>> -> memref<1x2x64xi32, #tpu.memory_space<hbm>>
    %dma_wait3A_233 = tpu.memref_squeeze %dma_wait3A_232 : memref<1x2x64xi32, #tpu.memory_space<hbm>> -> memref<2x64xi32, #tpu.memory_space<hbm>>
    tpu.wait_dma2 semaphore(%arg15 : memref<!tpu.dma_semaphore, #tpu.memory_space<semaphore_mem>>) src(%dma_wait3A_233 : memref<2x64xi32, #tpu.memory_space<hbm>>) dst(%dma_wait3A_229 : memref<2x64xi32, #tpu.memory_space<vmem>>)
    %eq3A_234 = arith.constant 0 : i32
    %eq3A_235 = arith.cmpi eq, %arg0, %eq3A_234 : i32
    %convert_element_type3A_236 = arith.extui %eq3A_235 : i1 to i32
    %cond3A_237 = arith.constant 0 : i32
    %cond3A_238 = arith.cmpi ne, %convert_element_type3A_236, %cond3A_237 : i32
    scf.if %cond3A_238 {
      %dma_start3A_347 = arith.constant 1 : i32
      %dma_start3A_348 = arith.constant 0 : i32
      %dma_start3A_349 = arith.constant 0 : i32
      %dma_start3A_350 = tpu.memref_slice %arg7[%dma_start3A_347, %dma_start3A_348, %dma_start3A_349] : memref<10x2x64xi32, #tpu.memory_space<vmem>> -> memref<1x1x64xi32, #tpu.memory_space<vmem>>
      %dma_start3A_351 = tpu.memref_squeeze %dma_start3A_350 : memref<1x1x64xi32, #tpu.memory_space<vmem>> -> memref<64xi32, #tpu.memory_space<vmem>>
      %dma_start3A_352 = arith.constant 0 : i32
      %dma_start3A_353 = arith.constant 0 : i32
      %dma_start3A_354 = tpu.memref_slice %arg2[%dma_start3A_352, %dma_start3A_353] : memref<10000x128xf32, #tpu.memory_space<hbm>> -> memref<10000x128xf32, #tpu.memory_space<hbm>>
      tpu.enqueue_indirect_dma source(%dma_start3A_354 : memref<10000x128xf32, #tpu.memory_space<hbm>>) target(%arg9 : memref<64x128xf32, #tpu.memory_space<vmem>>) offsets(%dma_start3A_351 : memref<64xi32, #tpu.memory_space<vmem>>) semaphore(%arg25 : memref<!tpu.dma_semaphore, #tpu.memory_space<semaphore_mem>>)
    } else {
    }
    %ne3A_239 = arith.constant 0 : i32
    %ne3A_240 = arith.cmpi ne, %arg0, %ne3A_239 : i32
    %convert_element_type3A_241 = arith.extui %ne3A_240 : i1 to i32
    %cond3A_242 = arith.constant 0 : i32
    %cond3A_243 = arith.cmpi ne, %convert_element_type3A_241, %cond3A_242 : i32
    scf.if %cond3A_243 {
      %dma_start3A_347 = arith.constant 1 : i32
      %dma_start3A_348 = arith.constant 0 : i32
      %dma_start3A_349 = arith.constant 0 : i32
      %dma_start3A_350 = tpu.memref_slice %arg7[%dma_start3A_347, %dma_start3A_348, %dma_start3A_349] : memref<10x2x64xi32, #tpu.memory_space<vmem>> -> memref<1x1x64xi32, #tpu.memory_space<vmem>>
      %dma_start3A_351 = tpu.memref_squeeze %dma_start3A_350 : memref<1x1x64xi32, #tpu.memory_space<vmem>> -> memref<64xi32, #tpu.memory_space<vmem>>
      %dma_start3A_352 = arith.constant 0 : i32
      %dma_start3A_353 = arith.constant 0 : i32
      %dma_start3A_354 = tpu.memref_slice %arg3[%dma_start3A_352, %dma_start3A_353] : memref<10000x128xf32, #tpu.memory_space<hbm>> -> memref<10000x128xf32, #tpu.memory_space<hbm>>
      tpu.enqueue_indirect_dma source(%dma_start3A_354 : memref<10000x128xf32, #tpu.memory_space<hbm>>) target(%arg9 : memref<64x128xf32, #tpu.memory_space<vmem>>) offsets(%dma_start3A_351 : memref<64xi32, #tpu.memory_space<vmem>>) semaphore(%arg25 : memref<!tpu.dma_semaphore, #tpu.memory_space<semaphore_mem>>)
    } else {
    }
    %add3A_244 = arith.constant 2 : i32
    %add3A_245 = arith.addi %mul3A_0, %add3A_244 : i32
    %dma_wait3A_246 = arith.constant 2 : i32
    %dma_wait3A_247 = arith.constant 0 : i32
    %dma_wait3A_248 = arith.constant 0 : i32
    %dma_wait3A_249 = tpu.memref_slice %arg7[%dma_wait3A_246, %dma_wait3A_247, %dma_wait3A_248] : memref<10x2x64xi32, #tpu.memory_space<vmem>> -> memref<1x2x64xi32, #tpu.memory_space<vmem>>
    %dma_wait3A_250 = tpu.memref_squeeze %dma_wait3A_249 : memref<1x2x64xi32, #tpu.memory_space<vmem>> -> memref<2x64xi32, #tpu.memory_space<vmem>>
    %dma_wait3A_251 = arith.constant 0 : i32
    %dma_wait3A_252 = arith.constant 0 : i32
    %dma_wait3A_253 = tpu.memref_slice %arg4[%add3A_245, %dma_wait3A_251, %dma_wait3A_252] : memref<5120x2x64xi32, #tpu.memory_space<hbm>> -> memref<1x2x64xi32, #tpu.memory_space<hbm>>
    %dma_wait3A_254 = tpu.memref_squeeze %dma_wait3A_253 : memref<1x2x64xi32, #tpu.memory_space<hbm>> -> memref<2x64xi32, #tpu.memory_space<hbm>>
    %dma_wait3A_255 = arith.constant 0 : i32
    %dma_wait3A_256 = arith.constant 0 : i32
    %dma_wait3A_257 = tpu.memref_slice %arg7[%dma_wait3A_246, %dma_wait3A_255, %dma_wait3A_256] : memref<10x2x64xi32, #tpu.memory_space<vmem>> -> memref<1x2x64xi32, #tpu.memory_space<vmem>>
    %dma_wait3A_258 = tpu.memref_squeeze %dma_wait3A_257 : memref<1x2x64xi32, #tpu.memory_space<vmem>> -> memref<2x64xi32, #tpu.memory_space<vmem>>
    %dma_wait3A_259 = arith.constant 0 : i32
    %dma_wait3A_260 = arith.constant 0 : i32
    %dma_wait3A_261 = tpu.memref_slice %arg4[%add3A_245, %dma_wait3A_259, %dma_wait3A_260] : memref<5120x2x64xi32, #tpu.memory_space<hbm>> -> memref<1x2x64xi32, #tpu.memory_space<hbm>>
    %dma_wait3A_262 = tpu.memref_squeeze %dma_wait3A_261 : memref<1x2x64xi32, #tpu.memory_space<hbm>> -> memref<2x64xi32, #tpu.memory_space<hbm>>
    tpu.wait_dma2 semaphore(%arg16 : memref<!tpu.dma_semaphore, #tpu.memory_space<semaphore_mem>>) src(%dma_wait3A_262 : memref<2x64xi32, #tpu.memory_space<hbm>>) dst(%dma_wait3A_258 : memref<2x64xi32, #tpu.memory_space<vmem>>)
    %eq3A_263 = arith.constant 0 : i32
    %eq3A_264 = arith.cmpi eq, %arg0, %eq3A_263 : i32
    %convert_element_type3A_265 = arith.extui %eq3A_264 : i1 to i32
    %cond3A_266 = arith.constant 0 : i32
    %cond3A_267 = arith.cmpi ne, %convert_element_type3A_265, %cond3A_266 : i32
    scf.if %cond3A_267 {
      %dma_start3A_347 = arith.constant 2 : i32
      %dma_start3A_348 = arith.constant 0 : i32
      %dma_start3A_349 = arith.constant 0 : i32
      %dma_start3A_350 = tpu.memref_slice %arg7[%dma_start3A_347, %dma_start3A_348, %dma_start3A_349] : memref<10x2x64xi32, #tpu.memory_space<vmem>> -> memref<1x1x64xi32, #tpu.memory_space<vmem>>
      %dma_start3A_351 = tpu.memref_squeeze %dma_start3A_350 : memref<1x1x64xi32, #tpu.memory_space<vmem>> -> memref<64xi32, #tpu.memory_space<vmem>>
      %dma_start3A_352 = arith.constant 0 : i32
      %dma_start3A_353 = arith.constant 0 : i32
      %dma_start3A_354 = tpu.memref_slice %arg2[%dma_start3A_352, %dma_start3A_353] : memref<10000x128xf32, #tpu.memory_space<hbm>> -> memref<10000x128xf32, #tpu.memory_space<hbm>>
      tpu.enqueue_indirect_dma source(%dma_start3A_354 : memref<10000x128xf32, #tpu.memory_space<hbm>>) target(%arg10 : memref<64x128xf32, #tpu.memory_space<vmem>>) offsets(%dma_start3A_351 : memref<64xi32, #tpu.memory_space<vmem>>) semaphore(%arg26 : memref<!tpu.dma_semaphore, #tpu.memory_space<semaphore_mem>>)
    } else {
    }
    %ne3A_268 = arith.constant 0 : i32
    %ne3A_269 = arith.cmpi ne, %arg0, %ne3A_268 : i32
    %convert_element_type3A_270 = arith.extui %ne3A_269 : i1 to i32
    %cond3A_271 = arith.constant 0 : i32
    %cond3A_272 = arith.cmpi ne, %convert_element_type3A_270, %cond3A_271 : i32
    scf.if %cond3A_272 {
      %dma_start3A_347 = arith.constant 2 : i32
      %dma_start3A_348 = arith.constant 0 : i32
      %dma_start3A_349 = arith.constant 0 : i32
      %dma_start3A_350 = tpu.memref_slice %arg7[%dma_start3A_347, %dma_start3A_348, %dma_start3A_349] : memref<10x2x64xi32, #tpu.memory_space<vmem>> -> memref<1x1x64xi32, #tpu.memory_space<vmem>>
      %dma_start3A_351 = tpu.memref_squeeze %dma_start3A_350 : memref<1x1x64xi32, #tpu.memory_space<vmem>> -> memref<64xi32, #tpu.memory_space<vmem>>
      %dma_start3A_352 = arith.constant 0 : i32
      %dma_start3A_353 = arith.constant 0 : i32
      %dma_start3A_354 = tpu.memref_slice %arg3[%dma_start3A_352, %dma_start3A_353] : memref<10000x128xf32, #tpu.memory_space<hbm>> -> memref<10000x128xf32, #tpu.memory_space<hbm>>
      tpu.enqueue_indirect_dma source(%dma_start3A_354 : memref<10000x128xf32, #tpu.memory_space<hbm>>) target(%arg10 : memref<64x128xf32, #tpu.memory_space<vmem>>) offsets(%dma_start3A_351 : memref<64xi32, #tpu.memory_space<vmem>>) semaphore(%arg26 : memref<!tpu.dma_semaphore, #tpu.memory_space<semaphore_mem>>)
    } else {
    }
    %add3A_273 = arith.constant 3 : i32
    %add3A_274 = arith.addi %mul3A_0, %add3A_273 : i32
    %dma_wait3A_275 = arith.constant 3 : i32
    %dma_wait3A_276 = arith.constant 0 : i32
    %dma_wait3A_277 = arith.constant 0 : i32
    %dma_wait3A_278 = tpu.memref_slice %arg7[%dma_wait3A_275, %dma_wait3A_276, %dma_wait3A_277] : memref<10x2x64xi32, #tpu.memory_space<vmem>> -> memref<1x2x64xi32, #tpu.memory_space<vmem>>
    %dma_wait3A_279 = tpu.memref_squeeze %dma_wait3A_278 : memref<1x2x64xi32, #tpu.memory_space<vmem>> -> memref<2x64xi32, #tpu.memory_space<vmem>>
    %dma_wait3A_280 = arith.constant 0 : i32
    %dma_wait3A_281 = arith.constant 0 : i32
    %dma_wait3A_282 = tpu.memref_slice %arg4[%add3A_274, %dma_wait3A_280, %dma_wait3A_281] : memref<5120x2x64xi32, #tpu.memory_space<hbm>> -> memref<1x2x64xi32, #tpu.memory_space<hbm>>
    %dma_wait3A_283 = tpu.memref_squeeze %dma_wait3A_282 : memref<1x2x64xi32, #tpu.memory_space<hbm>> -> memref<2x64xi32, #tpu.memory_space<hbm>>
    %dma_wait3A_284 = arith.constant 0 : i32
    %dma_wait3A_285 = arith.constant 0 : i32
    %dma_wait3A_286 = tpu.memref_slice %arg7[%dma_wait3A_275, %dma_wait3A_284, %dma_wait3A_285] : memref<10x2x64xi32, #tpu.memory_space<vmem>> -> memref<1x2x64xi32, #tpu.memory_space<vmem>>
    %dma_wait3A_287 = tpu.memref_squeeze %dma_wait3A_286 : memref<1x2x64xi32, #tpu.memory_space<vmem>> -> memref<2x64xi32, #tpu.memory_space<vmem>>
    %dma_wait3A_288 = arith.constant 0 : i32
    %dma_wait3A_289 = arith.constant 0 : i32
    %dma_wait3A_290 = tpu.memref_slice %arg4[%add3A_274, %dma_wait3A_288, %dma_wait3A_289] : memref<5120x2x64xi32, #tpu.memory_space<hbm>> -> memref<1x2x64xi32, #tpu.memory_space<hbm>>
    %dma_wait3A_291 = tpu.memref_squeeze %dma_wait3A_290 : memref<1x2x64xi32, #tpu.memory_space<hbm>> -> memref<2x64xi32, #tpu.memory_space<hbm>>
    tpu.wait_dma2 semaphore(%arg17 : memref<!tpu.dma_semaphore, #tpu.memory_space<semaphore_mem>>) src(%dma_wait3A_291 : memref<2x64xi32, #tpu.memory_space<hbm>>) dst(%dma_wait3A_287 : memref<2x64xi32, #tpu.memory_space<vmem>>)
    %eq3A_292 = arith.constant 0 : i32
    %eq3A_293 = arith.cmpi eq, %arg0, %eq3A_292 : i32
    %convert_element_type3A_294 = arith.extui %eq3A_293 : i1 to i32
    %cond3A_295 = arith.constant 0 : i32
    %cond3A_296 = arith.cmpi ne, %convert_element_type3A_294, %cond3A_295 : i32
    scf.if %cond3A_296 {
      %dma_start3A_347 = arith.constant 3 : i32
      %dma_start3A_348 = arith.constant 0 : i32
      %dma_start3A_349 = arith.constant 0 : i32
      %dma_start3A_350 = tpu.memref_slice %arg7[%dma_start3A_347, %dma_start3A_348, %dma_start3A_349] : memref<10x2x64xi32, #tpu.memory_space<vmem>> -> memref<1x1x64xi32, #tpu.memory_space<vmem>>
      %dma_start3A_351 = tpu.memref_squeeze %dma_start3A_350 : memref<1x1x64xi32, #tpu.memory_space<vmem>> -> memref<64xi32, #tpu.memory_space<vmem>>
      %dma_start3A_352 = arith.constant 0 : i32
      %dma_start3A_353 = arith.constant 0 : i32
      %dma_start3A_354 = tpu.memref_slice %arg2[%dma_start3A_352, %dma_start3A_353] : memref<10000x128xf32, #tpu.memory_space<hbm>> -> memref<10000x128xf32, #tpu.memory_space<hbm>>
      tpu.enqueue_indirect_dma source(%dma_start3A_354 : memref<10000x128xf32, #tpu.memory_space<hbm>>) target(%arg11 : memref<64x128xf32, #tpu.memory_space<vmem>>) offsets(%dma_start3A_351 : memref<64xi32, #tpu.memory_space<vmem>>) semaphore(%arg27 : memref<!tpu.dma_semaphore, #tpu.memory_space<semaphore_mem>>)
    } else {
    }
    %ne3A_297 = arith.constant 0 : i32
    %ne3A_298 = arith.cmpi ne, %arg0, %ne3A_297 : i32
    %convert_element_type3A_299 = arith.extui %ne3A_298 : i1 to i32
    %cond3A_300 = arith.constant 0 : i32
    %cond3A_301 = arith.cmpi ne, %convert_element_type3A_299, %cond3A_300 : i32
    scf.if %cond3A_301 {
      %dma_start3A_347 = arith.constant 3 : i32
      %dma_start3A_348 = arith.constant 0 : i32
      %dma_start3A_349 = arith.constant 0 : i32
      %dma_start3A_350 = tpu.memref_slice %arg7[%dma_start3A_347, %dma_start3A_348, %dma_start3A_349] : memref<10x2x64xi32, #tpu.memory_space<vmem>> -> memref<1x1x64xi32, #tpu.memory_space<vmem>>
      %dma_start3A_351 = tpu.memref_squeeze %dma_start3A_350 : memref<1x1x64xi32, #tpu.memory_space<vmem>> -> memref<64xi32, #tpu.memory_space<vmem>>
      %dma_start3A_352 = arith.constant 0 : i32
      %dma_start3A_353 = arith.constant 0 : i32
      %dma_start3A_354 = tpu.memref_slice %arg3[%dma_start3A_352, %dma_start3A_353] : memref<10000x128xf32, #tpu.memory_space<hbm>> -> memref<10000x128xf32, #tpu.memory_space<hbm>>
      tpu.enqueue_indirect_dma source(%dma_start3A_354 : memref<10000x128xf32, #tpu.memory_space<hbm>>) target(%arg11 : memref<64x128xf32, #tpu.memory_space<vmem>>) offsets(%dma_start3A_351 : memref<64xi32, #tpu.memory_space<vmem>>) semaphore(%arg27 : memref<!tpu.dma_semaphore, #tpu.memory_space<semaphore_mem>>)
    } else {
    }
    %add3A_302 = arith.constant 4 : i32
    %add3A_303 = arith.addi %mul3A_0, %add3A_302 : i32
    %dma_wait3A_304 = arith.constant 4 : i32
    %dma_wait3A_305 = arith.constant 0 : i32
    %dma_wait3A_306 = arith.constant 0 : i32
    %dma_wait3A_307 = tpu.memref_slice %arg7[%dma_wait3A_304, %dma_wait3A_305, %dma_wait3A_306] : memref<10x2x64xi32, #tpu.memory_space<vmem>> -> memref<1x2x64xi32, #tpu.memory_space<vmem>>
    %dma_wait3A_308 = tpu.memref_squeeze %dma_wait3A_307 : memref<1x2x64xi32, #tpu.memory_space<vmem>> -> memref<2x64xi32, #tpu.memory_space<vmem>>
    %dma_wait3A_309 = arith.constant 0 : i32
    %dma_wait3A_310 = arith.constant 0 : i32
    %dma_wait3A_311 = tpu.memref_slice %arg4[%add3A_303, %dma_wait3A_309, %dma_wait3A_310] : memref<5120x2x64xi32, #tpu.memory_space<hbm>> -> memref<1x2x64xi32, #tpu.memory_space<hbm>>
    %dma_wait3A_312 = tpu.memref_squeeze %dma_wait3A_311 : memref<1x2x64xi32, #tpu.memory_space<hbm>> -> memref<2x64xi32, #tpu.memory_space<hbm>>
    %dma_wait3A_313 = arith.constant 0 : i32
    %dma_wait3A_314 = arith.constant 0 : i32
    %dma_wait3A_315 = tpu.memref_slice %arg7[%dma_wait3A_304, %dma_wait3A_313, %dma_wait3A_314] : memref<10x2x64xi32, #tpu.memory_space<vmem>> -> memref<1x2x64xi32, #tpu.memory_space<vmem>>
    %dma_wait3A_316 = tpu.memref_squeeze %dma_wait3A_315 : memref<1x2x64xi32, #tpu.memory_space<vmem>> -> memref<2x64xi32, #tpu.memory_space<vmem>>
    %dma_wait3A_317 = arith.constant 0 : i32
    %dma_wait3A_318 = arith.constant 0 : i32
    %dma_wait3A_319 = tpu.memref_slice %arg4[%add3A_303, %dma_wait3A_317, %dma_wait3A_318] : memref<5120x2x64xi32, #tpu.memory_space<hbm>> -> memref<1x2x64xi32, #tpu.memory_space<hbm>>
    %dma_wait3A_320 = tpu.memref_squeeze %dma_wait3A_319 : memref<1x2x64xi32, #tpu.memory_space<hbm>> -> memref<2x64xi32, #tpu.memory_space<hbm>>
    tpu.wait_dma2 semaphore(%arg18 : memref<!tpu.dma_semaphore, #tpu.memory_space<semaphore_mem>>) src(%dma_wait3A_320 : memref<2x64xi32, #tpu.memory_space<hbm>>) dst(%dma_wait3A_316 : memref<2x64xi32, #tpu.memory_space<vmem>>)
    %eq3A_321 = arith.constant 0 : i32
    %eq3A_322 = arith.cmpi eq, %arg0, %eq3A_321 : i32
    %convert_element_type3A_323 = arith.extui %eq3A_322 : i1 to i32
    %cond3A_324 = arith.constant 0 : i32
    %cond3A_325 = arith.cmpi ne, %convert_element_type3A_323, %cond3A_324 : i32
    scf.if %cond3A_325 {
      %dma_start3A_347 = arith.constant 4 : i32
      %dma_start3A_348 = arith.constant 0 : i32
      %dma_start3A_349 = arith.constant 0 : i32
      %dma_start3A_350 = tpu.memref_slice %arg7[%dma_start3A_347, %dma_start3A_348, %dma_start3A_349] : memref<10x2x64xi32, #tpu.memory_space<vmem>> -> memref<1x1x64xi32, #tpu.memory_space<vmem>>
      %dma_start3A_351 = tpu.memref_squeeze %dma_start3A_350 : memref<1x1x64xi32, #tpu.memory_space<vmem>> -> memref<64xi32, #tpu.memory_space<vmem>>
      %dma_start3A_352 = arith.constant 0 : i32
      %dma_start3A_353 = arith.constant 0 : i32
      %dma_start3A_354 = tpu.memref_slice %arg2[%dma_start3A_352, %dma_start3A_353] : memref<10000x128xf32, #tpu.memory_space<hbm>> -> memref<10000x128xf32, #tpu.memory_space<hbm>>
      tpu.enqueue_indirect_dma source(%dma_start3A_354 : memref<10000x128xf32, #tpu.memory_space<hbm>>) target(%arg12 : memref<64x128xf32, #tpu.memory_space<vmem>>) offsets(%dma_start3A_351 : memref<64xi32, #tpu.memory_space<vmem>>) semaphore(%arg28 : memref<!tpu.dma_semaphore, #tpu.memory_space<semaphore_mem>>)
    } else {
    }
    %ne3A_326 = arith.constant 0 : i32
    %ne3A_327 = arith.cmpi ne, %arg0, %ne3A_326 : i32
    %convert_element_type3A_328 = arith.extui %ne3A_327 : i1 to i32
    %cond3A_329 = arith.constant 0 : i32
    %cond3A_330 = arith.cmpi ne, %convert_element_type3A_328, %cond3A_329 : i32
    scf.if %cond3A_330 {
      %dma_start3A_347 = arith.constant 4 : i32
      %dma_start3A_348 = arith.constant 0 : i32
      %dma_start3A_349 = arith.constant 0 : i32
      %dma_start3A_350 = tpu.memref_slice %arg7[%dma_start3A_347, %dma_start3A_348, %dma_start3A_349] : memref<10x2x64xi32, #tpu.memory_space<vmem>> -> memref<1x1x64xi32, #tpu.memory_space<vmem>>
      %dma_start3A_351 = tpu.memref_squeeze %dma_start3A_350 : memref<1x1x64xi32, #tpu.memory_space<vmem>> -> memref<64xi32, #tpu.memory_space<vmem>>
      %dma_start3A_352 = arith.constant 0 : i32
      %dma_start3A_353 = arith.constant 0 : i32
      %dma_start3A_354 = tpu.memref_slice %arg3[%dma_start3A_352, %dma_start3A_353] : memref<10000x128xf32, #tpu.memory_space<hbm>> -> memref<10000x128xf32, #tpu.memory_space<hbm>>
      tpu.enqueue_indirect_dma source(%dma_start3A_354 : memref<10000x128xf32, #tpu.memory_space<hbm>>) target(%arg12 : memref<64x128xf32, #tpu.memory_space<vmem>>) offsets(%dma_start3A_351 : memref<64xi32, #tpu.memory_space<vmem>>) semaphore(%arg28 : memref<!tpu.dma_semaphore, #tpu.memory_space<semaphore_mem>>)
    } else {
    }
    %barrier3A = arith.constant 0 : index
    tpu.barrier barrier_id(%barrier3A)
    %scan3A = arith.constant 0 : i32
    %scan3A_331 = arith.constant 32 : i32
    %scan3A_332 = arith.addi %scan3A, %scan3A_331 : i32
    %scan3A_333 = arith.constant 1 : i32
    scf.for %scan3A_347 = %scan3A to %scan3A_332 step %scan3A_333  : i32 {
      %mul3A_348 = arith.constant 10 : i32
      %mul3A_349 = arith.muli %scan3A_347, %mul3A_348 : i32
      %add3A_350 = arith.constant 0 : i32
      %add3A_351 = arith.addi %add3A_350, %mul3A_349 : i32
      %add3A_352 = arith.constant 0 : i32
      %add3A_353 = arith.addi %add3A_351, %add3A_352 : i32
      %add3A_354 = arith.addi %mul3A_0, %add3A_353 : i32
      %eq3A_355 = arith.constant 0 : i32
      %eq3A_356 = arith.cmpi eq, %arg0, %eq3A_355 : i32
      %convert_element_type3A_357 = arith.extui %eq3A_356 : i1 to i32
      %cond3A_358 = arith.constant 0 : i32
      %cond3A_359 = arith.cmpi ne, %convert_element_type3A_357, %cond3A_358 : i32
      scf.if %cond3A_359 {
        %dma_wait3A_641 = arith.constant 0 : i32
        %dma_wait3A_642 = arith.constant 0 : i32
        %dma_wait3A_643 = arith.constant 0 : i32
        %dma_wait3A_644 = tpu.memref_slice %arg7[%dma_wait3A_641, %dma_wait3A_642, %dma_wait3A_643] : memref<10x2x64xi32, #tpu.memory_space<vmem>> -> memref<1x1x64xi32, #tpu.memory_space<vmem>>
        %dma_wait3A_645 = tpu.memref_squeeze %dma_wait3A_644 : memref<1x1x64xi32, #tpu.memory_space<vmem>> -> memref<64xi32, #tpu.memory_space<vmem>>
        %dma_wait3A_646 = arith.constant 0 : i32
        %dma_wait3A_647 = arith.constant 0 : i32
        %dma_wait3A_648 = tpu.memref_slice %arg2[%dma_wait3A_646, %dma_wait3A_647] : memref<10000x128xf32, #tpu.memory_space<hbm>> -> memref<10000x128xf32, #tpu.memory_space<hbm>>
        tpu.wait_indirect_dma semaphore(%arg24 : memref<!tpu.dma_semaphore, #tpu.memory_space<semaphore_mem>>) src(%dma_wait3A_648 : memref<10000x128xf32, #tpu.memory_space<hbm>>) dst(%arg8 : memref<64x128xf32, #tpu.memory_space<vmem>>)
      } else {
      }
      %ne3A_360 = arith.constant 0 : i32
      %ne3A_361 = arith.cmpi ne, %arg0, %ne3A_360 : i32
      %convert_element_type3A_362 = arith.extui %ne3A_361 : i1 to i32
      %cond3A_363 = arith.constant 0 : i32
      %cond3A_364 = arith.cmpi ne, %convert_element_type3A_362, %cond3A_363 : i32
      scf.if %cond3A_364 {
        %dma_wait3A_641 = arith.constant 0 : i32
        %dma_wait3A_642 = arith.constant 0 : i32
        %dma_wait3A_643 = arith.constant 0 : i32
        %dma_wait3A_644 = tpu.memref_slice %arg7[%dma_wait3A_641, %dma_wait3A_642, %dma_wait3A_643] : memref<10x2x64xi32, #tpu.memory_space<vmem>> -> memref<1x1x64xi32, #tpu.memory_space<vmem>>
        %dma_wait3A_645 = tpu.memref_squeeze %dma_wait3A_644 : memref<1x1x64xi32, #tpu.memory_space<vmem>> -> memref<64xi32, #tpu.memory_space<vmem>>
        %dma_wait3A_646 = arith.constant 0 : i32
        %dma_wait3A_647 = arith.constant 0 : i32
        %dma_wait3A_648 = tpu.memref_slice %arg3[%dma_wait3A_646, %dma_wait3A_647] : memref<10000x128xf32, #tpu.memory_space<hbm>> -> memref<10000x128xf32, #tpu.memory_space<hbm>>
        tpu.wait_indirect_dma semaphore(%arg24 : memref<!tpu.dma_semaphore, #tpu.memory_space<semaphore_mem>>) src(%dma_wait3A_648 : memref<10000x128xf32, #tpu.memory_space<hbm>>) dst(%arg8 : memref<64x128xf32, #tpu.memory_space<vmem>>)
      } else {
      }
      %run_scoped3A = arith.constant 0 : i32
      %run_scoped3A_365 = arith.constant 1 : i32
      "tpu.region"() ({
        %run_scoped3A_641 = tpu.sem_alloc : memref<!tpu.dma_semaphore, #tpu.memory_space<semaphore_mem>>
        %dma_start3A_642 = arith.constant 0 : i32
        %dma_start3A_643 = tpu.memref_slice %arg7[%run_scoped3A, %run_scoped3A_365, %dma_start3A_642] : memref<10x2x64xi32, #tpu.memory_space<vmem>> -> memref<1x1x64xi32, #tpu.memory_space<vmem>>
        %dma_start3A_644 = tpu.memref_squeeze %dma_start3A_643 : memref<1x1x64xi32, #tpu.memory_space<vmem>> -> memref<64xi32, #tpu.memory_space<vmem>>
        %dma_start3A_645 = arith.constant 0 : i32
        %dma_start3A_646 = arith.constant 0 : i32
        %dma_start3A_647 = tpu.memref_slice %arg13[%dma_start3A_645, %dma_start3A_646] : memref<10112x128xf32, #tpu.memory_space<vmem_shared>> -> memref<10112x128xf32, #tpu.memory_space<vmem_shared>>
        tpu.enqueue_indirect_dma source(%arg8 : memref<64x128xf32, #tpu.memory_space<vmem>>) target(%dma_start3A_647 : memref<10112x128xf32, #tpu.memory_space<vmem_shared>>) offsets(%dma_start3A_644 : memref<64xi32, #tpu.memory_space<vmem>>) semaphore(%run_scoped3A_641 : memref<!tpu.dma_semaphore, #tpu.memory_space<semaphore_mem>>) {add = true}
        %dma_wait3A_648 = arith.constant 0 : i32
        %dma_wait3A_649 = tpu.memref_slice %arg7[%run_scoped3A, %run_scoped3A_365, %dma_wait3A_648] : memref<10x2x64xi32, #tpu.memory_space<vmem>> -> memref<1x1x64xi32, #tpu.memory_space<vmem>>
        %dma_wait3A_650 = tpu.memref_squeeze %dma_wait3A_649 : memref<1x1x64xi32, #tpu.memory_space<vmem>> -> memref<64xi32, #tpu.memory_space<vmem>>
        %dma_wait3A_651 = arith.constant 0 : i32
        %dma_wait3A_652 = arith.constant 0 : i32
        %dma_wait3A_653 = tpu.memref_slice %arg13[%dma_wait3A_651, %dma_wait3A_652] : memref<10112x128xf32, #tpu.memory_space<vmem_shared>> -> memref<10112x128xf32, #tpu.memory_space<vmem_shared>>
        tpu.wait_indirect_dma semaphore(%run_scoped3A_641 : memref<!tpu.dma_semaphore, #tpu.memory_space<semaphore_mem>>) src(%arg8 : memref<64x128xf32, #tpu.memory_space<vmem>>) dst(%dma_wait3A_653 : memref<10112x128xf32, #tpu.memory_space<vmem_shared>>)
        tpu.yield
      }) : () -> ()
      %add3A_366 = arith.constant 10 : i32
      %add3A_367 = arith.addi %add3A_353, %add3A_366 : i32
      %lt3A_368 = arith.constant 320 : i32
      %lt3A_369 = arith.cmpi slt, %add3A_367, %lt3A_368 : i32
      %convert_element_type3A_370 = arith.extui %lt3A_369 : i1 to i32
      %cond3A_371 = arith.constant 0 : i32
      %cond3A_372 = arith.cmpi ne, %convert_element_type3A_370, %cond3A_371 : i32
      scf.if %cond3A_372 {
        %add3A_641 = arith.constant 10 : i32
        %add3A_642 = arith.addi %add3A_354, %add3A_641 : i32
        %dma_start3A_643 = arith.constant 0 : i32
        %dma_start3A_644 = arith.constant 0 : i32
        %dma_start3A_645 = arith.constant 0 : i32
        %dma_start3A_646 = tpu.memref_slice %arg7[%dma_start3A_643, %dma_start3A_644, %dma_start3A_645] : memref<10x2x64xi32, #tpu.memory_space<vmem>> -> memref<1x2x64xi32, #tpu.memory_space<vmem>>
        %dma_start3A_647 = tpu.memref_squeeze %dma_start3A_646 : memref<1x2x64xi32, #tpu.memory_space<vmem>> -> memref<2x64xi32, #tpu.memory_space<vmem>>
        %dma_start3A_648 = arith.constant 0 : i32
        %dma_start3A_649 = arith.constant 0 : i32
        %dma_start3A_650 = tpu.memref_slice %arg4[%add3A_642, %dma_start3A_648, %dma_start3A_649] : memref<5120x2x64xi32, #tpu.memory_space<hbm>> -> memref<1x2x64xi32, #tpu.memory_space<hbm>>
        %dma_start3A_651 = tpu.memref_squeeze %dma_start3A_650 : memref<1x2x64xi32, #tpu.memory_space<hbm>> -> memref<2x64xi32, #tpu.memory_space<hbm>>
        %dma_start3A_652 = arith.constant 0 : i32
        %dma_start3A_653 = arith.constant 0 : i32
        %dma_start3A_654 = tpu.memref_slice %arg7[%dma_start3A_643, %dma_start3A_652, %dma_start3A_653] : memref<10x2x64xi32, #tpu.memory_space<vmem>> -> memref<1x2x64xi32, #tpu.memory_space<vmem>>
        %dma_start3A_655 = tpu.memref_squeeze %dma_start3A_654 : memref<1x2x64xi32, #tpu.memory_space<vmem>> -> memref<2x64xi32, #tpu.memory_space<vmem>>
        %dma_start3A_656 = arith.constant 0 : i32
        %dma_start3A_657 = arith.constant 0 : i32
        %dma_start3A_658 = tpu.memref_slice %arg4[%add3A_642, %dma_start3A_656, %dma_start3A_657] : memref<5120x2x64xi32, #tpu.memory_space<hbm>> -> memref<1x2x64xi32, #tpu.memory_space<hbm>>
        %dma_start3A_659 = tpu.memref_squeeze %dma_start3A_658 : memref<1x2x64xi32, #tpu.memory_space<hbm>> -> memref<2x64xi32, #tpu.memory_space<hbm>>
        tpu.enqueue_dma source(%dma_start3A_659 : memref<2x64xi32, #tpu.memory_space<hbm>>) target(%dma_start3A_655 : memref<2x64xi32, #tpu.memory_space<vmem>>) target_semaphore(%arg14 : memref<!tpu.dma_semaphore, #tpu.memory_space<semaphore_mem>>)
      } else {
      }
      %add3A_373 = arith.constant 5 : i32
      %add3A_374 = arith.addi %add3A_353, %add3A_373 : i32
      %lt3A_375 = arith.constant 320 : i32
      %lt3A_376 = arith.cmpi slt, %add3A_374, %lt3A_375 : i32
      %convert_element_type3A_377 = arith.extui %lt3A_376 : i1 to i32
      %cond3A_378 = arith.constant 0 : i32
      %cond3A_379 = arith.cmpi ne, %convert_element_type3A_377, %cond3A_378 : i32
      scf.if %cond3A_379 {
        %add3A_641 = arith.constant 5 : i32
        %add3A_642 = arith.addi %add3A_354, %add3A_641 : i32
        %dma_wait3A_643 = arith.constant 5 : i32
        %dma_wait3A_644 = arith.constant 0 : i32
        %dma_wait3A_645 = arith.constant 0 : i32
        %dma_wait3A_646 = tpu.memref_slice %arg7[%dma_wait3A_643, %dma_wait3A_644, %dma_wait3A_645] : memref<10x2x64xi32, #tpu.memory_space<vmem>> -> memref<1x2x64xi32, #tpu.memory_space<vmem>>
        %dma_wait3A_647 = tpu.memref_squeeze %dma_wait3A_646 : memref<1x2x64xi32, #tpu.memory_space<vmem>> -> memref<2x64xi32, #tpu.memory_space<vmem>>
        %dma_wait3A_648 = arith.constant 0 : i32
        %dma_wait3A_649 = arith.constant 0 : i32
        %dma_wait3A_650 = tpu.memref_slice %arg4[%add3A_642, %dma_wait3A_648, %dma_wait3A_649] : memref<5120x2x64xi32, #tpu.memory_space<hbm>> -> memref<1x2x64xi32, #tpu.memory_space<hbm>>
        %dma_wait3A_651 = tpu.memref_squeeze %dma_wait3A_650 : memref<1x2x64xi32, #tpu.memory_space<hbm>> -> memref<2x64xi32, #tpu.memory_space<hbm>>
        %dma_wait3A_652 = arith.constant 0 : i32
        %dma_wait3A_653 = arith.constant 0 : i32
        %dma_wait3A_654 = tpu.memref_slice %arg7[%dma_wait3A_643, %dma_wait3A_652, %dma_wait3A_653] : memref<10x2x64xi32, #tpu.memory_space<vmem>> -> memref<1x2x64xi32, #tpu.memory_space<vmem>>
        %dma_wait3A_655 = tpu.memref_squeeze %dma_wait3A_654 : memref<1x2x64xi32, #tpu.memory_space<vmem>> -> memref<2x64xi32, #tpu.memory_space<vmem>>
        %dma_wait3A_656 = arith.constant 0 : i32
        %dma_wait3A_657 = arith.constant 0 : i32
        %dma_wait3A_658 = tpu.memref_slice %arg4[%add3A_642, %dma_wait3A_656, %dma_wait3A_657] : memref<5120x2x64xi32, #tpu.memory_space<hbm>> -> memref<1x2x64xi32, #tpu.memory_space<hbm>>
        %dma_wait3A_659 = tpu.memref_squeeze %dma_wait3A_658 : memref<1x2x64xi32, #tpu.memory_space<hbm>> -> memref<2x64xi32, #tpu.memory_space<hbm>>
        tpu.wait_dma2 semaphore(%arg19 : memref<!tpu.dma_semaphore, #tpu.memory_space<semaphore_mem>>) src(%dma_wait3A_659 : memref<2x64xi32, #tpu.memory_space<hbm>>) dst(%dma_wait3A_655 : memref<2x64xi32, #tpu.memory_space<vmem>>)
        %eq3A_660 = arith.constant 0 : i32
        %eq3A_661 = arith.cmpi eq, %arg0, %eq3A_660 : i32
        %convert_element_type3A_662 = arith.extui %eq3A_661 : i1 to i32
        %cond3A_663 = arith.constant 0 : i32
        %cond3A_664 = arith.cmpi ne, %convert_element_type3A_662, %cond3A_663 : i32
        scf.if %cond3A_664 {
          %dma_start3A_670 = arith.constant 5 : i32
          %dma_start3A_671 = arith.constant 0 : i32
          %dma_start3A_672 = arith.constant 0 : i32
          %dma_start3A_673 = tpu.memref_slice %arg7[%dma_start3A_670, %dma_start3A_671, %dma_start3A_672] : memref<10x2x64xi32, #tpu.memory_space<vmem>> -> memref<1x1x64xi32, #tpu.memory_space<vmem>>
          %dma_start3A_674 = tpu.memref_squeeze %dma_start3A_673 : memref<1x1x64xi32, #tpu.memory_space<vmem>> -> memref<64xi32, #tpu.memory_space<vmem>>
          %dma_start3A_675 = arith.constant 0 : i32
          %dma_start3A_676 = arith.constant 0 : i32
          %dma_start3A_677 = tpu.memref_slice %arg2[%dma_start3A_675, %dma_start3A_676] : memref<10000x128xf32, #tpu.memory_space<hbm>> -> memref<10000x128xf32, #tpu.memory_space<hbm>>
          tpu.enqueue_indirect_dma source(%dma_start3A_677 : memref<10000x128xf32, #tpu.memory_space<hbm>>) target(%arg8 : memref<64x128xf32, #tpu.memory_space<vmem>>) offsets(%dma_start3A_674 : memref<64xi32, #tpu.memory_space<vmem>>) semaphore(%arg24 : memref<!tpu.dma_semaphore, #tpu.memory_space<semaphore_mem>>)
        } else {
        }
        %ne3A_665 = arith.constant 0 : i32
        %ne3A_666 = arith.cmpi ne, %arg0, %ne3A_665 : i32
        %convert_element_type3A_667 = arith.extui %ne3A_666 : i1 to i32
        %cond3A_668 = arith.constant 0 : i32
        %cond3A_669 = arith.cmpi ne, %convert_element_type3A_667, %cond3A_668 : i32
        scf.if %cond3A_669 {
          %dma_start3A_670 = arith.constant 5 : i32
          %dma_start3A_671 = arith.constant 0 : i32
          %dma_start3A_672 = arith.constant 0 : i32
          %dma_start3A_673 = tpu.memref_slice %arg7[%dma_start3A_670, %dma_start3A_671, %dma_start3A_672] : memref<10x2x64xi32, #tpu.memory_space<vmem>> -> memref<1x1x64xi32, #tpu.memory_space<vmem>>
          %dma_start3A_674 = tpu.memref_squeeze %dma_start3A_673 : memref<1x1x64xi32, #tpu.memory_space<vmem>> -> memref<64xi32, #tpu.memory_space<vmem>>
          %dma_start3A_675 = arith.constant 0 : i32
          %dma_start3A_676 = arith.constant 0 : i32
          %dma_start3A_677 = tpu.memref_slice %arg3[%dma_start3A_675, %dma_start3A_676] : memref<10000x128xf32, #tpu.memory_space<hbm>> -> memref<10000x128xf32, #tpu.memory_space<hbm>>
          tpu.enqueue_indirect_dma source(%dma_start3A_677 : memref<10000x128xf32, #tpu.memory_space<hbm>>) target(%arg8 : memref<64x128xf32, #tpu.memory_space<vmem>>) offsets(%dma_start3A_674 : memref<64xi32, #tpu.memory_space<vmem>>) semaphore(%arg24 : memref<!tpu.dma_semaphore, #tpu.memory_space<semaphore_mem>>)
        } else {
        }
      } else {
      }
      %add3A_380 = arith.constant 1 : i32
      %add3A_381 = arith.addi %add3A_351, %add3A_380 : i32
      %add3A_382 = arith.addi %mul3A_0, %add3A_381 : i32
      %eq3A_383 = arith.constant 0 : i32
      %eq3A_384 = arith.cmpi eq, %arg0, %eq3A_383 : i32
      %convert_element_type3A_385 = arith.extui %eq3A_384 : i1 to i32
      %cond3A_386 = arith.constant 0 : i32
      %cond3A_387 = arith.cmpi ne, %convert_element_type3A_385, %cond3A_386 : i32
      scf.if %cond3A_387 {
        %dma_wait3A_641 = arith.constant 1 : i32
        %dma_wait3A_642 = arith.constant 0 : i32
        %dma_wait3A_643 = arith.constant 0 : i32
        %dma_wait3A_644 = tpu.memref_slice %arg7[%dma_wait3A_641, %dma_wait3A_642, %dma_wait3A_643] : memref<10x2x64xi32, #tpu.memory_space<vmem>> -> memref<1x1x64xi32, #tpu.memory_space<vmem>>
        %dma_wait3A_645 = tpu.memref_squeeze %dma_wait3A_644 : memref<1x1x64xi32, #tpu.memory_space<vmem>> -> memref<64xi32, #tpu.memory_space<vmem>>
        %dma_wait3A_646 = arith.constant 0 : i32
        %dma_wait3A_647 = arith.constant 0 : i32
        %dma_wait3A_648 = tpu.memref_slice %arg2[%dma_wait3A_646, %dma_wait3A_647] : memref<10000x128xf32, #tpu.memory_space<hbm>> -> memref<10000x128xf32, #tpu.memory_space<hbm>>
        tpu.wait_indirect_dma semaphore(%arg25 : memref<!tpu.dma_semaphore, #tpu.memory_space<semaphore_mem>>) src(%dma_wait3A_648 : memref<10000x128xf32, #tpu.memory_space<hbm>>) dst(%arg9 : memref<64x128xf32, #tpu.memory_space<vmem>>)
      } else {
      }
      %ne3A_388 = arith.constant 0 : i32
      %ne3A_389 = arith.cmpi ne, %arg0, %ne3A_388 : i32
      %convert_element_type3A_390 = arith.extui %ne3A_389 : i1 to i32
      %cond3A_391 = arith.constant 0 : i32
      %cond3A_392 = arith.cmpi ne, %convert_element_type3A_390, %cond3A_391 : i32
      scf.if %cond3A_392 {
        %dma_wait3A_641 = arith.constant 1 : i32
        %dma_wait3A_642 = arith.constant 0 : i32
        %dma_wait3A_643 = arith.constant 0 : i32
        %dma_wait3A_644 = tpu.memref_slice %arg7[%dma_wait3A_641, %dma_wait3A_642, %dma_wait3A_643] : memref<10x2x64xi32, #tpu.memory_space<vmem>> -> memref<1x1x64xi32, #tpu.memory_space<vmem>>
        %dma_wait3A_645 = tpu.memref_squeeze %dma_wait3A_644 : memref<1x1x64xi32, #tpu.memory_space<vmem>> -> memref<64xi32, #tpu.memory_space<vmem>>
        %dma_wait3A_646 = arith.constant 0 : i32
        %dma_wait3A_647 = arith.constant 0 : i32
        %dma_wait3A_648 = tpu.memref_slice %arg3[%dma_wait3A_646, %dma_wait3A_647] : memref<10000x128xf32, #tpu.memory_space<hbm>> -> memref<10000x128xf32, #tpu.memory_space<hbm>>
        tpu.wait_indirect_dma semaphore(%arg25 : memref<!tpu.dma_semaphore, #tpu.memory_space<semaphore_mem>>) src(%dma_wait3A_648 : memref<10000x128xf32, #tpu.memory_space<hbm>>) dst(%arg9 : memref<64x128xf32, #tpu.memory_space<vmem>>)
      } else {
      }
      %run_scoped3A_393 = arith.constant 1 : i32
      %run_scoped3A_394 = arith.constant 1 : i32
      "tpu.region"() ({
        %run_scoped3A_641 = tpu.sem_alloc : memref<!tpu.dma_semaphore, #tpu.memory_space<semaphore_mem>>
        %dma_start3A_642 = arith.constant 0 : i32
        %dma_start3A_643 = tpu.memref_slice %arg7[%run_scoped3A_393, %run_scoped3A_394, %dma_start3A_642] : memref<10x2x64xi32, #tpu.memory_space<vmem>> -> memref<1x1x64xi32, #tpu.memory_space<vmem>>
        %dma_start3A_644 = tpu.memref_squeeze %dma_start3A_643 : memref<1x1x64xi32, #tpu.memory_space<vmem>> -> memref<64xi32, #tpu.memory_space<vmem>>
        %dma_start3A_645 = arith.constant 0 : i32
        %dma_start3A_646 = arith.constant 0 : i32
        %dma_start3A_647 = tpu.memref_slice %arg13[%dma_start3A_645, %dma_start3A_646] : memref<10112x128xf32, #tpu.memory_space<vmem_shared>> -> memref<10112x128xf32, #tpu.memory_space<vmem_shared>>
        tpu.enqueue_indirect_dma source(%arg9 : memref<64x128xf32, #tpu.memory_space<vmem>>) target(%dma_start3A_647 : memref<10112x128xf32, #tpu.memory_space<vmem_shared>>) offsets(%dma_start3A_644 : memref<64xi32, #tpu.memory_space<vmem>>) semaphore(%run_scoped3A_641 : memref<!tpu.dma_semaphore, #tpu.memory_space<semaphore_mem>>) {add = true}
        %dma_wait3A_648 = arith.constant 0 : i32
        %dma_wait3A_649 = tpu.memref_slice %arg7[%run_scoped3A_393, %run_scoped3A_394, %dma_wait3A_648] : memref<10x2x64xi32, #tpu.memory_space<vmem>> -> memref<1x1x64xi32, #tpu.memory_space<vmem>>
        %dma_wait3A_650 = tpu.memref_squeeze %dma_wait3A_649 : memref<1x1x64xi32, #tpu.memory_space<vmem>> -> memref<64xi32, #tpu.memory_space<vmem>>
        %dma_wait3A_651 = arith.constant 0 : i32
        %dma_wait3A_652 = arith.constant 0 : i32
        %dma_wait3A_653 = tpu.memref_slice %arg13[%dma_wait3A_651, %dma_wait3A_652] : memref<10112x128xf32, #tpu.memory_space<vmem_shared>> -> memref<10112x128xf32, #tpu.memory_space<vmem_shared>>
        tpu.wait_indirect_dma semaphore(%run_scoped3A_641 : memref<!tpu.dma_semaphore, #tpu.memory_space<semaphore_mem>>) src(%arg9 : memref<64x128xf32, #tpu.memory_space<vmem>>) dst(%dma_wait3A_653 : memref<10112x128xf32, #tpu.memory_space<vmem_shared>>)
        tpu.yield
      }) : () -> ()
      %add3A_395 = arith.constant 10 : i32
      %add3A_396 = arith.addi %add3A_381, %add3A_395 : i32
      %lt3A_397 = arith.constant 320 : i32
      %lt3A_398 = arith.cmpi slt, %add3A_396, %lt3A_397 : i32
      %convert_element_type3A_399 = arith.extui %lt3A_398 : i1 to i32
      %cond3A_400 = arith.constant 0 : i32
      %cond3A_401 = arith.cmpi ne, %convert_element_type3A_399, %cond3A_400 : i32
      scf.if %cond3A_401 {
        %add3A_641 = arith.constant 10 : i32
        %add3A_642 = arith.addi %add3A_382, %add3A_641 : i32
        %dma_start3A_643 = arith.constant 1 : i32
        %dma_start3A_644 = arith.constant 0 : i32
        %dma_start3A_645 = arith.constant 0 : i32
        %dma_start3A_646 = tpu.memref_slice %arg7[%dma_start3A_643, %dma_start3A_644, %dma_start3A_645] : memref<10x2x64xi32, #tpu.memory_space<vmem>> -> memref<1x2x64xi32, #tpu.memory_space<vmem>>
        %dma_start3A_647 = tpu.memref_squeeze %dma_start3A_646 : memref<1x2x64xi32, #tpu.memory_space<vmem>> -> memref<2x64xi32, #tpu.memory_space<vmem>>
        %dma_start3A_648 = arith.constant 0 : i32
        %dma_start3A_649 = arith.constant 0 : i32
        %dma_start3A_650 = tpu.memref_slice %arg4[%add3A_642, %dma_start3A_648, %dma_start3A_649] : memref<5120x2x64xi32, #tpu.memory_space<hbm>> -> memref<1x2x64xi32, #tpu.memory_space<hbm>>
        %dma_start3A_651 = tpu.memref_squeeze %dma_start3A_650 : memref<1x2x64xi32, #tpu.memory_space<hbm>> -> memref<2x64xi32, #tpu.memory_space<hbm>>
        %dma_start3A_652 = arith.constant 0 : i32
        %dma_start3A_653 = arith.constant 0 : i32
        %dma_start3A_654 = tpu.memref_slice %arg7[%dma_start3A_643, %dma_start3A_652, %dma_start3A_653] : memref<10x2x64xi32, #tpu.memory_space<vmem>> -> memref<1x2x64xi32, #tpu.memory_space<vmem>>
        %dma_start3A_655 = tpu.memref_squeeze %dma_start3A_654 : memref<1x2x64xi32, #tpu.memory_space<vmem>> -> memref<2x64xi32, #tpu.memory_space<vmem>>
        %dma_start3A_656 = arith.constant 0 : i32
        %dma_start3A_657 = arith.constant 0 : i32
        %dma_start3A_658 = tpu.memref_slice %arg4[%add3A_642, %dma_start3A_656, %dma_start3A_657] : memref<5120x2x64xi32, #tpu.memory_space<hbm>> -> memref<1x2x64xi32, #tpu.memory_space<hbm>>
        %dma_start3A_659 = tpu.memref_squeeze %dma_start3A_658 : memref<1x2x64xi32, #tpu.memory_space<hbm>> -> memref<2x64xi32, #tpu.memory_space<hbm>>
        tpu.enqueue_dma source(%dma_start3A_659 : memref<2x64xi32, #tpu.memory_space<hbm>>) target(%dma_start3A_655 : memref<2x64xi32, #tpu.memory_space<vmem>>) target_semaphore(%arg15 : memref<!tpu.dma_semaphore, #tpu.memory_space<semaphore_mem>>)
      } else {
      }
      %add3A_402 = arith.constant 5 : i32
      %add3A_403 = arith.addi %add3A_381, %add3A_402 : i32
      %lt3A_404 = arith.constant 320 : i32
      %lt3A_405 = arith.cmpi slt, %add3A_403, %lt3A_404 : i32
      %convert_element_type3A_406 = arith.extui %lt3A_405 : i1 to i32
      %cond3A_407 = arith.constant 0 : i32
      %cond3A_408 = arith.cmpi ne, %convert_element_type3A_406, %cond3A_407 : i32
      scf.if %cond3A_408 {
        %add3A_641 = arith.constant 5 : i32
        %add3A_642 = arith.addi %add3A_382, %add3A_641 : i32
        %dma_wait3A_643 = arith.constant 6 : i32
        %dma_wait3A_644 = arith.constant 0 : i32
        %dma_wait3A_645 = arith.constant 0 : i32
        %dma_wait3A_646 = tpu.memref_slice %arg7[%dma_wait3A_643, %dma_wait3A_644, %dma_wait3A_645] : memref<10x2x64xi32, #tpu.memory_space<vmem>> -> memref<1x2x64xi32, #tpu.memory_space<vmem>>
        %dma_wait3A_647 = tpu.memref_squeeze %dma_wait3A_646 : memref<1x2x64xi32, #tpu.memory_space<vmem>> -> memref<2x64xi32, #tpu.memory_space<vmem>>
        %dma_wait3A_648 = arith.constant 0 : i32
        %dma_wait3A_649 = arith.constant 0 : i32
        %dma_wait3A_650 = tpu.memref_slice %arg4[%add3A_642, %dma_wait3A_648, %dma_wait3A_649] : memref<5120x2x64xi32, #tpu.memory_space<hbm>> -> memref<1x2x64xi32, #tpu.memory_space<hbm>>
        %dma_wait3A_651 = tpu.memref_squeeze %dma_wait3A_650 : memref<1x2x64xi32, #tpu.memory_space<hbm>> -> memref<2x64xi32, #tpu.memory_space<hbm>>
        %dma_wait3A_652 = arith.constant 0 : i32
        %dma_wait3A_653 = arith.constant 0 : i32
        %dma_wait3A_654 = tpu.memref_slice %arg7[%dma_wait3A_643, %dma_wait3A_652, %dma_wait3A_653] : memref<10x2x64xi32, #tpu.memory_space<vmem>> -> memref<1x2x64xi32, #tpu.memory_space<vmem>>
        %dma_wait3A_655 = tpu.memref_squeeze %dma_wait3A_654 : memref<1x2x64xi32, #tpu.memory_space<vmem>> -> memref<2x64xi32, #tpu.memory_space<vmem>>
        %dma_wait3A_656 = arith.constant 0 : i32
        %dma_wait3A_657 = arith.constant 0 : i32
        %dma_wait3A_658 = tpu.memref_slice %arg4[%add3A_642, %dma_wait3A_656, %dma_wait3A_657] : memref<5120x2x64xi32, #tpu.memory_space<hbm>> -> memref<1x2x64xi32, #tpu.memory_space<hbm>>
        %dma_wait3A_659 = tpu.memref_squeeze %dma_wait3A_658 : memref<1x2x64xi32, #tpu.memory_space<hbm>> -> memref<2x64xi32, #tpu.memory_space<hbm>>
        tpu.wait_dma2 semaphore(%arg20 : memref<!tpu.dma_semaphore, #tpu.memory_space<semaphore_mem>>) src(%dma_wait3A_659 : memref<2x64xi32, #tpu.memory_space<hbm>>) dst(%dma_wait3A_655 : memref<2x64xi32, #tpu.memory_space<vmem>>)
        %eq3A_660 = arith.constant 0 : i32
        %eq3A_661 = arith.cmpi eq, %arg0, %eq3A_660 : i32
        %convert_element_type3A_662 = arith.extui %eq3A_661 : i1 to i32
        %cond3A_663 = arith.constant 0 : i32
        %cond3A_664 = arith.cmpi ne, %convert_element_type3A_662, %cond3A_663 : i32
        scf.if %cond3A_664 {
          %dma_start3A_670 = arith.constant 6 : i32
          %dma_start3A_671 = arith.constant 0 : i32
          %dma_start3A_672 = arith.constant 0 : i32
          %dma_start3A_673 = tpu.memref_slice %arg7[%dma_start3A_670, %dma_start3A_671, %dma_start3A_672] : memref<10x2x64xi32, #tpu.memory_space<vmem>> -> memref<1x1x64xi32, #tpu.memory_space<vmem>>
          %dma_start3A_674 = tpu.memref_squeeze %dma_start3A_673 : memref<1x1x64xi32, #tpu.memory_space<vmem>> -> memref<64xi32, #tpu.memory_space<vmem>>
          %dma_start3A_675 = arith.constant 0 : i32
          %dma_start3A_676 = arith.constant 0 : i32
          %dma_start3A_677 = tpu.memref_slice %arg2[%dma_start3A_675, %dma_start3A_676] : memref<10000x128xf32, #tpu.memory_space<hbm>> -> memref<10000x128xf32, #tpu.memory_space<hbm>>
          tpu.enqueue_indirect_dma source(%dma_start3A_677 : memref<10000x128xf32, #tpu.memory_space<hbm>>) target(%arg9 : memref<64x128xf32, #tpu.memory_space<vmem>>) offsets(%dma_start3A_674 : memref<64xi32, #tpu.memory_space<vmem>>) semaphore(%arg25 : memref<!tpu.dma_semaphore, #tpu.memory_space<semaphore_mem>>)
        } else {
        }
        %ne3A_665 = arith.constant 0 : i32
        %ne3A_666 = arith.cmpi ne, %arg0, %ne3A_665 : i32
        %convert_element_type3A_667 = arith.extui %ne3A_666 : i1 to i32
        %cond3A_668 = arith.constant 0 : i32
        %cond3A_669 = arith.cmpi ne, %convert_element_type3A_667, %cond3A_668 : i32
        scf.if %cond3A_669 {
          %dma_start3A_670 = arith.constant 6 : i32
          %dma_start3A_671 = arith.constant 0 : i32
          %dma_start3A_672 = arith.constant 0 : i32
          %dma_start3A_673 = tpu.memref_slice %arg7[%dma_start3A_670, %dma_start3A_671, %dma_start3A_672] : memref<10x2x64xi32, #tpu.memory_space<vmem>> -> memref<1x1x64xi32, #tpu.memory_space<vmem>>
          %dma_start3A_674 = tpu.memref_squeeze %dma_start3A_673 : memref<1x1x64xi32, #tpu.memory_space<vmem>> -> memref<64xi32, #tpu.memory_space<vmem>>
          %dma_start3A_675 = arith.constant 0 : i32
          %dma_start3A_676 = arith.constant 0 : i32
          %dma_start3A_677 = tpu.memref_slice %arg3[%dma_start3A_675, %dma_start3A_676] : memref<10000x128xf32, #tpu.memory_space<hbm>> -> memref<10000x128xf32, #tpu.memory_space<hbm>>
          tpu.enqueue_indirect_dma source(%dma_start3A_677 : memref<10000x128xf32, #tpu.memory_space<hbm>>) target(%arg9 : memref<64x128xf32, #tpu.memory_space<vmem>>) offsets(%dma_start3A_674 : memref<64xi32, #tpu.memory_space<vmem>>) semaphore(%arg25 : memref<!tpu.dma_semaphore, #tpu.memory_space<semaphore_mem>>)
        } else {
        }
      } else {
      }
      %add3A_409 = arith.constant 2 : i32
      %add3A_410 = arith.addi %add3A_351, %add3A_409 : i32
      %add3A_411 = arith.addi %mul3A_0, %add3A_410 : i32
      %eq3A_412 = arith.constant 0 : i32
      %eq3A_413 = arith.cmpi eq, %arg0, %eq3A_412 : i32
      %convert_element_type3A_414 = arith.extui %eq3A_413 : i1 to i32
      %cond3A_415 = arith.constant 0 : i32
      %cond3A_416 = arith.cmpi ne, %convert_element_type3A_414, %cond3A_415 : i32
      scf.if %cond3A_416 {
        %dma_wait3A_641 = arith.constant 2 : i32
        %dma_wait3A_642 = arith.constant 0 : i32
        %dma_wait3A_643 = arith.constant 0 : i32
        %dma_wait3A_644 = tpu.memref_slice %arg7[%dma_wait3A_641, %dma_wait3A_642, %dma_wait3A_643] : memref<10x2x64xi32, #tpu.memory_space<vmem>> -> memref<1x1x64xi32, #tpu.memory_space<vmem>>
        %dma_wait3A_645 = tpu.memref_squeeze %dma_wait3A_644 : memref<1x1x64xi32, #tpu.memory_space<vmem>> -> memref<64xi32, #tpu.memory_space<vmem>>
        %dma_wait3A_646 = arith.constant 0 : i32
        %dma_wait3A_647 = arith.constant 0 : i32
        %dma_wait3A_648 = tpu.memref_slice %arg2[%dma_wait3A_646, %dma_wait3A_647] : memref<10000x128xf32, #tpu.memory_space<hbm>> -> memref<10000x128xf32, #tpu.memory_space<hbm>>
        tpu.wait_indirect_dma semaphore(%arg26 : memref<!tpu.dma_semaphore, #tpu.memory_space<semaphore_mem>>) src(%dma_wait3A_648 : memref<10000x128xf32, #tpu.memory_space<hbm>>) dst(%arg10 : memref<64x128xf32, #tpu.memory_space<vmem>>)
      } else {
      }
      %ne3A_417 = arith.constant 0 : i32
      %ne3A_418 = arith.cmpi ne, %arg0, %ne3A_417 : i32
      %convert_element_type3A_419 = arith.extui %ne3A_418 : i1 to i32
      %cond3A_420 = arith.constant 0 : i32
      %cond3A_421 = arith.cmpi ne, %convert_element_type3A_419, %cond3A_420 : i32
      scf.if %cond3A_421 {
        %dma_wait3A_641 = arith.constant 2 : i32
        %dma_wait3A_642 = arith.constant 0 : i32
        %dma_wait3A_643 = arith.constant 0 : i32
        %dma_wait3A_644 = tpu.memref_slice %arg7[%dma_wait3A_641, %dma_wait3A_642, %dma_wait3A_643] : memref<10x2x64xi32, #tpu.memory_space<vmem>> -> memref<1x1x64xi32, #tpu.memory_space<vmem>>
        %dma_wait3A_645 = tpu.memref_squeeze %dma_wait3A_644 : memref<1x1x64xi32, #tpu.memory_space<vmem>> -> memref<64xi32, #tpu.memory_space<vmem>>
        %dma_wait3A_646 = arith.constant 0 : i32
        %dma_wait3A_647 = arith.constant 0 : i32
        %dma_wait3A_648 = tpu.memref_slice %arg3[%dma_wait3A_646, %dma_wait3A_647] : memref<10000x128xf32, #tpu.memory_space<hbm>> -> memref<10000x128xf32, #tpu.memory_space<hbm>>
        tpu.wait_indirect_dma semaphore(%arg26 : memref<!tpu.dma_semaphore, #tpu.memory_space<semaphore_mem>>) src(%dma_wait3A_648 : memref<10000x128xf32, #tpu.memory_space<hbm>>) dst(%arg10 : memref<64x128xf32, #tpu.memory_space<vmem>>)
      } else {
      }
      %run_scoped3A_422 = arith.constant 2 : i32
      %run_scoped3A_423 = arith.constant 1 : i32
      "tpu.region"() ({
        %run_scoped3A_641 = tpu.sem_alloc : memref<!tpu.dma_semaphore, #tpu.memory_space<semaphore_mem>>
        %dma_start3A_642 = arith.constant 0 : i32
        %dma_start3A_643 = tpu.memref_slice %arg7[%run_scoped3A_422, %run_scoped3A_423, %dma_start3A_642] : memref<10x2x64xi32, #tpu.memory_space<vmem>> -> memref<1x1x64xi32, #tpu.memory_space<vmem>>
        %dma_start3A_644 = tpu.memref_squeeze %dma_start3A_643 : memref<1x1x64xi32, #tpu.memory_space<vmem>> -> memref<64xi32, #tpu.memory_space<vmem>>
        %dma_start3A_645 = arith.constant 0 : i32
        %dma_start3A_646 = arith.constant 0 : i32
        %dma_start3A_647 = tpu.memref_slice %arg13[%dma_start3A_645, %dma_start3A_646] : memref<10112x128xf32, #tpu.memory_space<vmem_shared>> -> memref<10112x128xf32, #tpu.memory_space<vmem_shared>>
        tpu.enqueue_indirect_dma source(%arg10 : memref<64x128xf32, #tpu.memory_space<vmem>>) target(%dma_start3A_647 : memref<10112x128xf32, #tpu.memory_space<vmem_shared>>) offsets(%dma_start3A_644 : memref<64xi32, #tpu.memory_space<vmem>>) semaphore(%run_scoped3A_641 : memref<!tpu.dma_semaphore, #tpu.memory_space<semaphore_mem>>) {add = true}
        %dma_wait3A_648 = arith.constant 0 : i32
        %dma_wait3A_649 = tpu.memref_slice %arg7[%run_scoped3A_422, %run_scoped3A_423, %dma_wait3A_648] : memref<10x2x64xi32, #tpu.memory_space<vmem>> -> memref<1x1x64xi32, #tpu.memory_space<vmem>>
        %dma_wait3A_650 = tpu.memref_squeeze %dma_wait3A_649 : memref<1x1x64xi32, #tpu.memory_space<vmem>> -> memref<64xi32, #tpu.memory_space<vmem>>
        %dma_wait3A_651 = arith.constant 0 : i32
        %dma_wait3A_652 = arith.constant 0 : i32
        %dma_wait3A_653 = tpu.memref_slice %arg13[%dma_wait3A_651, %dma_wait3A_652] : memref<10112x128xf32, #tpu.memory_space<vmem_shared>> -> memref<10112x128xf32, #tpu.memory_space<vmem_shared>>
        tpu.wait_indirect_dma semaphore(%run_scoped3A_641 : memref<!tpu.dma_semaphore, #tpu.memory_space<semaphore_mem>>) src(%arg10 : memref<64x128xf32, #tpu.memory_space<vmem>>) dst(%dma_wait3A_653 : memref<10112x128xf32, #tpu.memory_space<vmem_shared>>)
        tpu.yield
      }) : () -> ()
      %add3A_424 = arith.constant 10 : i32
      %add3A_425 = arith.addi %add3A_410, %add3A_424 : i32
      %lt3A_426 = arith.constant 320 : i32
      %lt3A_427 = arith.cmpi slt, %add3A_425, %lt3A_426 : i32
      %convert_element_type3A_428 = arith.extui %lt3A_427 : i1 to i32
      %cond3A_429 = arith.constant 0 : i32
      %cond3A_430 = arith.cmpi ne, %convert_element_type3A_428, %cond3A_429 : i32
      scf.if %cond3A_430 {
        %add3A_641 = arith.constant 10 : i32
        %add3A_642 = arith.addi %add3A_411, %add3A_641 : i32
        %dma_start3A_643 = arith.constant 2 : i32
        %dma_start3A_644 = arith.constant 0 : i32
        %dma_start3A_645 = arith.constant 0 : i32
        %dma_start3A_646 = tpu.memref_slice %arg7[%dma_start3A_643, %dma_start3A_644, %dma_start3A_645] : memref<10x2x64xi32, #tpu.memory_space<vmem>> -> memref<1x2x64xi32, #tpu.memory_space<vmem>>
        %dma_start3A_647 = tpu.memref_squeeze %dma_start3A_646 : memref<1x2x64xi32, #tpu.memory_space<vmem>> -> memref<2x64xi32, #tpu.memory_space<vmem>>
        %dma_start3A_648 = arith.constant 0 : i32
        %dma_start3A_649 = arith.constant 0 : i32
        %dma_start3A_650 = tpu.memref_slice %arg4[%add3A_642, %dma_start3A_648, %dma_start3A_649] : memref<5120x2x64xi32, #tpu.memory_space<hbm>> -> memref<1x2x64xi32, #tpu.memory_space<hbm>>
        %dma_start3A_651 = tpu.memref_squeeze %dma_start3A_650 : memref<1x2x64xi32, #tpu.memory_space<hbm>> -> memref<2x64xi32, #tpu.memory_space<hbm>>
        %dma_start3A_652 = arith.constant 0 : i32
        %dma_start3A_653 = arith.constant 0 : i32
        %dma_start3A_654 = tpu.memref_slice %arg7[%dma_start3A_643, %dma_start3A_652, %dma_start3A_653] : memref<10x2x64xi32, #tpu.memory_space<vmem>> -> memref<1x2x64xi32, #tpu.memory_space<vmem>>
        %dma_start3A_655 = tpu.memref_squeeze %dma_start3A_654 : memref<1x2x64xi32, #tpu.memory_space<vmem>> -> memref<2x64xi32, #tpu.memory_space<vmem>>
        %dma_start3A_656 = arith.constant 0 : i32
        %dma_start3A_657 = arith.constant 0 : i32
        %dma_start3A_658 = tpu.memref_slice %arg4[%add3A_642, %dma_start3A_656, %dma_start3A_657] : memref<5120x2x64xi32, #tpu.memory_space<hbm>> -> memref<1x2x64xi32, #tpu.memory_space<hbm>>
        %dma_start3A_659 = tpu.memref_squeeze %dma_start3A_658 : memref<1x2x64xi32, #tpu.memory_space<hbm>> -> memref<2x64xi32, #tpu.memory_space<hbm>>
        tpu.enqueue_dma source(%dma_start3A_659 : memref<2x64xi32, #tpu.memory_space<hbm>>) target(%dma_start3A_655 : memref<2x64xi32, #tpu.memory_space<vmem>>) target_semaphore(%arg16 : memref<!tpu.dma_semaphore, #tpu.memory_space<semaphore_mem>>)
      } else {
      }
      %add3A_431 = arith.constant 5 : i32
      %add3A_432 = arith.addi %add3A_410, %add3A_431 : i32
      %lt3A_433 = arith.constant 320 : i32
      %lt3A_434 = arith.cmpi slt, %add3A_432, %lt3A_433 : i32
      %convert_element_type3A_435 = arith.extui %lt3A_434 : i1 to i32
      %cond3A_436 = arith.constant 0 : i32
      %cond3A_437 = arith.cmpi ne, %convert_element_type3A_435, %cond3A_436 : i32
      scf.if %cond3A_437 {
        %add3A_641 = arith.constant 5 : i32
        %add3A_642 = arith.addi %add3A_411, %add3A_641 : i32
        %dma_wait3A_643 = arith.constant 7 : i32
        %dma_wait3A_644 = arith.constant 0 : i32
        %dma_wait3A_645 = arith.constant 0 : i32
        %dma_wait3A_646 = tpu.memref_slice %arg7[%dma_wait3A_643, %dma_wait3A_644, %dma_wait3A_645] : memref<10x2x64xi32, #tpu.memory_space<vmem>> -> memref<1x2x64xi32, #tpu.memory_space<vmem>>
        %dma_wait3A_647 = tpu.memref_squeeze %dma_wait3A_646 : memref<1x2x64xi32, #tpu.memory_space<vmem>> -> memref<2x64xi32, #tpu.memory_space<vmem>>
        %dma_wait3A_648 = arith.constant 0 : i32
        %dma_wait3A_649 = arith.constant 0 : i32
        %dma_wait3A_650 = tpu.memref_slice %arg4[%add3A_642, %dma_wait3A_648, %dma_wait3A_649] : memref<5120x2x64xi32, #tpu.memory_space<hbm>> -> memref<1x2x64xi32, #tpu.memory_space<hbm>>
        %dma_wait3A_651 = tpu.memref_squeeze %dma_wait3A_650 : memref<1x2x64xi32, #tpu.memory_space<hbm>> -> memref<2x64xi32, #tpu.memory_space<hbm>>
        %dma_wait3A_652 = arith.constant 0 : i32
        %dma_wait3A_653 = arith.constant 0 : i32
        %dma_wait3A_654 = tpu.memref_slice %arg7[%dma_wait3A_643, %dma_wait3A_652, %dma_wait3A_653] : memref<10x2x64xi32, #tpu.memory_space<vmem>> -> memref<1x2x64xi32, #tpu.memory_space<vmem>>
        %dma_wait3A_655 = tpu.memref_squeeze %dma_wait3A_654 : memref<1x2x64xi32, #tpu.memory_space<vmem>> -> memref<2x64xi32, #tpu.memory_space<vmem>>
        %dma_wait3A_656 = arith.constant 0 : i32
        %dma_wait3A_657 = arith.constant 0 : i32
        %dma_wait3A_658 = tpu.memref_slice %arg4[%add3A_642, %dma_wait3A_656, %dma_wait3A_657] : memref<5120x2x64xi32, #tpu.memory_space<hbm>> -> memref<1x2x64xi32, #tpu.memory_space<hbm>>
        %dma_wait3A_659 = tpu.memref_squeeze %dma_wait3A_658 : memref<1x2x64xi32, #tpu.memory_space<hbm>> -> memref<2x64xi32, #tpu.memory_space<hbm>>
        tpu.wait_dma2 semaphore(%arg21 : memref<!tpu.dma_semaphore, #tpu.memory_space<semaphore_mem>>) src(%dma_wait3A_659 : memref<2x64xi32, #tpu.memory_space<hbm>>) dst(%dma_wait3A_655 : memref<2x64xi32, #tpu.memory_space<vmem>>)
        %eq3A_660 = arith.constant 0 : i32
        %eq3A_661 = arith.cmpi eq, %arg0, %eq3A_660 : i32
        %convert_element_type3A_662 = arith.extui %eq3A_661 : i1 to i32
        %cond3A_663 = arith.constant 0 : i32
        %cond3A_664 = arith.cmpi ne, %convert_element_type3A_662, %cond3A_663 : i32
        scf.if %cond3A_664 {
          %dma_start3A_670 = arith.constant 7 : i32
          %dma_start3A_671 = arith.constant 0 : i32
          %dma_start3A_672 = arith.constant 0 : i32
          %dma_start3A_673 = tpu.memref_slice %arg7[%dma_start3A_670, %dma_start3A_671, %dma_start3A_672] : memref<10x2x64xi32, #tpu.memory_space<vmem>> -> memref<1x1x64xi32, #tpu.memory_space<vmem>>
          %dma_start3A_674 = tpu.memref_squeeze %dma_start3A_673 : memref<1x1x64xi32, #tpu.memory_space<vmem>> -> memref<64xi32, #tpu.memory_space<vmem>>
          %dma_start3A_675 = arith.constant 0 : i32
          %dma_start3A_676 = arith.constant 0 : i32
          %dma_start3A_677 = tpu.memref_slice %arg2[%dma_start3A_675, %dma_start3A_676] : memref<10000x128xf32, #tpu.memory_space<hbm>> -> memref<10000x128xf32, #tpu.memory_space<hbm>>
          tpu.enqueue_indirect_dma source(%dma_start3A_677 : memref<10000x128xf32, #tpu.memory_space<hbm>>) target(%arg10 : memref<64x128xf32, #tpu.memory_space<vmem>>) offsets(%dma_start3A_674 : memref<64xi32, #tpu.memory_space<vmem>>) semaphore(%arg26 : memref<!tpu.dma_semaphore, #tpu.memory_space<semaphore_mem>>)
        } else {
        }
        %ne3A_665 = arith.constant 0 : i32
        %ne3A_666 = arith.cmpi ne, %arg0, %ne3A_665 : i32
        %convert_element_type3A_667 = arith.extui %ne3A_666 : i1 to i32
        %cond3A_668 = arith.constant 0 : i32
        %cond3A_669 = arith.cmpi ne, %convert_element_type3A_667, %cond3A_668 : i32
        scf.if %cond3A_669 {
          %dma_start3A_670 = arith.constant 7 : i32
          %dma_start3A_671 = arith.constant 0 : i32
          %dma_start3A_672 = arith.constant 0 : i32
          %dma_start3A_673 = tpu.memref_slice %arg7[%dma_start3A_670, %dma_start3A_671, %dma_start3A_672] : memref<10x2x64xi32, #tpu.memory_space<vmem>> -> memref<1x1x64xi32, #tpu.memory_space<vmem>>
          %dma_start3A_674 = tpu.memref_squeeze %dma_start3A_673 : memref<1x1x64xi32, #tpu.memory_space<vmem>> -> memref<64xi32, #tpu.memory_space<vmem>>
          %dma_start3A_675 = arith.constant 0 : i32
          %dma_start3A_676 = arith.constant 0 : i32
          %dma_start3A_677 = tpu.memref_slice %arg3[%dma_start3A_675, %dma_start3A_676] : memref<10000x128xf32, #tpu.memory_space<hbm>> -> memref<10000x128xf32, #tpu.memory_space<hbm>>
          tpu.enqueue_indirect_dma source(%dma_start3A_677 : memref<10000x128xf32, #tpu.memory_space<hbm>>) target(%arg10 : memref<64x128xf32, #tpu.memory_space<vmem>>) offsets(%dma_start3A_674 : memref<64xi32, #tpu.memory_space<vmem>>) semaphore(%arg26 : memref<!tpu.dma_semaphore, #tpu.memory_space<semaphore_mem>>)
        } else {
        }
      } else {
      }
      %add3A_438 = arith.constant 3 : i32
      %add3A_439 = arith.addi %add3A_351, %add3A_438 : i32
      %add3A_440 = arith.addi %mul3A_0, %add3A_439 : i32
      %eq3A_441 = arith.constant 0 : i32
      %eq3A_442 = arith.cmpi eq, %arg0, %eq3A_441 : i32
      %convert_element_type3A_443 = arith.extui %eq3A_442 : i1 to i32
      %cond3A_444 = arith.constant 0 : i32
      %cond3A_445 = arith.cmpi ne, %convert_element_type3A_443, %cond3A_444 : i32
      scf.if %cond3A_445 {
        %dma_wait3A_641 = arith.constant 3 : i32
        %dma_wait3A_642 = arith.constant 0 : i32
        %dma_wait3A_643 = arith.constant 0 : i32
        %dma_wait3A_644 = tpu.memref_slice %arg7[%dma_wait3A_641, %dma_wait3A_642, %dma_wait3A_643] : memref<10x2x64xi32, #tpu.memory_space<vmem>> -> memref<1x1x64xi32, #tpu.memory_space<vmem>>
        %dma_wait3A_645 = tpu.memref_squeeze %dma_wait3A_644 : memref<1x1x64xi32, #tpu.memory_space<vmem>> -> memref<64xi32, #tpu.memory_space<vmem>>
        %dma_wait3A_646 = arith.constant 0 : i32
        %dma_wait3A_647 = arith.constant 0 : i32
        %dma_wait3A_648 = tpu.memref_slice %arg2[%dma_wait3A_646, %dma_wait3A_647] : memref<10000x128xf32, #tpu.memory_space<hbm>> -> memref<10000x128xf32, #tpu.memory_space<hbm>>
        tpu.wait_indirect_dma semaphore(%arg27 : memref<!tpu.dma_semaphore, #tpu.memory_space<semaphore_mem>>) src(%dma_wait3A_648 : memref<10000x128xf32, #tpu.memory_space<hbm>>) dst(%arg11 : memref<64x128xf32, #tpu.memory_space<vmem>>)
      } else {
      }
      %ne3A_446 = arith.constant 0 : i32
      %ne3A_447 = arith.cmpi ne, %arg0, %ne3A_446 : i32
      %convert_element_type3A_448 = arith.extui %ne3A_447 : i1 to i32
      %cond3A_449 = arith.constant 0 : i32
      %cond3A_450 = arith.cmpi ne, %convert_element_type3A_448, %cond3A_449 : i32
      scf.if %cond3A_450 {
        %dma_wait3A_641 = arith.constant 3 : i32
        %dma_wait3A_642 = arith.constant 0 : i32
        %dma_wait3A_643 = arith.constant 0 : i32
        %dma_wait3A_644 = tpu.memref_slice %arg7[%dma_wait3A_641, %dma_wait3A_642, %dma_wait3A_643] : memref<10x2x64xi32, #tpu.memory_space<vmem>> -> memref<1x1x64xi32, #tpu.memory_space<vmem>>
        %dma_wait3A_645 = tpu.memref_squeeze %dma_wait3A_644 : memref<1x1x64xi32, #tpu.memory_space<vmem>> -> memref<64xi32, #tpu.memory_space<vmem>>
        %dma_wait3A_646 = arith.constant 0 : i32
        %dma_wait3A_647 = arith.constant 0 : i32
        %dma_wait3A_648 = tpu.memref_slice %arg3[%dma_wait3A_646, %dma_wait3A_647] : memref<10000x128xf32, #tpu.memory_space<hbm>> -> memref<10000x128xf32, #tpu.memory_space<hbm>>
        tpu.wait_indirect_dma semaphore(%arg27 : memref<!tpu.dma_semaphore, #tpu.memory_space<semaphore_mem>>) src(%dma_wait3A_648 : memref<10000x128xf32, #tpu.memory_space<hbm>>) dst(%arg11 : memref<64x128xf32, #tpu.memory_space<vmem>>)
      } else {
      }
      %run_scoped3A_451 = arith.constant 3 : i32
      %run_scoped3A_452 = arith.constant 1 : i32
      "tpu.region"() ({
        %run_scoped3A_641 = tpu.sem_alloc : memref<!tpu.dma_semaphore, #tpu.memory_space<semaphore_mem>>
        %dma_start3A_642 = arith.constant 0 : i32
        %dma_start3A_643 = tpu.memref_slice %arg7[%run_scoped3A_451, %run_scoped3A_452, %dma_start3A_642] : memref<10x2x64xi32, #tpu.memory_space<vmem>> -> memref<1x1x64xi32, #tpu.memory_space<vmem>>
        %dma_start3A_644 = tpu.memref_squeeze %dma_start3A_643 : memref<1x1x64xi32, #tpu.memory_space<vmem>> -> memref<64xi32, #tpu.memory_space<vmem>>
        %dma_start3A_645 = arith.constant 0 : i32
        %dma_start3A_646 = arith.constant 0 : i32
        %dma_start3A_647 = tpu.memref_slice %arg13[%dma_start3A_645, %dma_start3A_646] : memref<10112x128xf32, #tpu.memory_space<vmem_shared>> -> memref<10112x128xf32, #tpu.memory_space<vmem_shared>>
        tpu.enqueue_indirect_dma source(%arg11 : memref<64x128xf32, #tpu.memory_space<vmem>>) target(%dma_start3A_647 : memref<10112x128xf32, #tpu.memory_space<vmem_shared>>) offsets(%dma_start3A_644 : memref<64xi32, #tpu.memory_space<vmem>>) semaphore(%run_scoped3A_641 : memref<!tpu.dma_semaphore, #tpu.memory_space<semaphore_mem>>) {add = true}
        %dma_wait3A_648 = arith.constant 0 : i32
        %dma_wait3A_649 = tpu.memref_slice %arg7[%run_scoped3A_451, %run_scoped3A_452, %dma_wait3A_648] : memref<10x2x64xi32, #tpu.memory_space<vmem>> -> memref<1x1x64xi32, #tpu.memory_space<vmem>>
        %dma_wait3A_650 = tpu.memref_squeeze %dma_wait3A_649 : memref<1x1x64xi32, #tpu.memory_space<vmem>> -> memref<64xi32, #tpu.memory_space<vmem>>
        %dma_wait3A_651 = arith.constant 0 : i32
        %dma_wait3A_652 = arith.constant 0 : i32
        %dma_wait3A_653 = tpu.memref_slice %arg13[%dma_wait3A_651, %dma_wait3A_652] : memref<10112x128xf32, #tpu.memory_space<vmem_shared>> -> memref<10112x128xf32, #tpu.memory_space<vmem_shared>>
        tpu.wait_indirect_dma semaphore(%run_scoped3A_641 : memref<!tpu.dma_semaphore, #tpu.memory_space<semaphore_mem>>) src(%arg11 : memref<64x128xf32, #tpu.memory_space<vmem>>) dst(%dma_wait3A_653 : memref<10112x128xf32, #tpu.memory_space<vmem_shared>>)
        tpu.yield
      }) : () -> ()
      %add3A_453 = arith.constant 10 : i32
      %add3A_454 = arith.addi %add3A_439, %add3A_453 : i32
      %lt3A_455 = arith.constant 320 : i32
      %lt3A_456 = arith.cmpi slt, %add3A_454, %lt3A_455 : i32
      %convert_element_type3A_457 = arith.extui %lt3A_456 : i1 to i32
      %cond3A_458 = arith.constant 0 : i32
      %cond3A_459 = arith.cmpi ne, %convert_element_type3A_457, %cond3A_458 : i32
      scf.if %cond3A_459 {
        %add3A_641 = arith.constant 10 : i32
        %add3A_642 = arith.addi %add3A_440, %add3A_641 : i32
        %dma_start3A_643 = arith.constant 3 : i32
        %dma_start3A_644 = arith.constant 0 : i32
        %dma_start3A_645 = arith.constant 0 : i32
        %dma_start3A_646 = tpu.memref_slice %arg7[%dma_start3A_643, %dma_start3A_644, %dma_start3A_645] : memref<10x2x64xi32, #tpu.memory_space<vmem>> -> memref<1x2x64xi32, #tpu.memory_space<vmem>>
        %dma_start3A_647 = tpu.memref_squeeze %dma_start3A_646 : memref<1x2x64xi32, #tpu.memory_space<vmem>> -> memref<2x64xi32, #tpu.memory_space<vmem>>
        %dma_start3A_648 = arith.constant 0 : i32
        %dma_start3A_649 = arith.constant 0 : i32
        %dma_start3A_650 = tpu.memref_slice %arg4[%add3A_642, %dma_start3A_648, %dma_start3A_649] : memref<5120x2x64xi32, #tpu.memory_space<hbm>> -> memref<1x2x64xi32, #tpu.memory_space<hbm>>
        %dma_start3A_651 = tpu.memref_squeeze %dma_start3A_650 : memref<1x2x64xi32, #tpu.memory_space<hbm>> -> memref<2x64xi32, #tpu.memory_space<hbm>>
        %dma_start3A_652 = arith.constant 0 : i32
        %dma_start3A_653 = arith.constant 0 : i32
        %dma_start3A_654 = tpu.memref_slice %arg7[%dma_start3A_643, %dma_start3A_652, %dma_start3A_653] : memref<10x2x64xi32, #tpu.memory_space<vmem>> -> memref<1x2x64xi32, #tpu.memory_space<vmem>>
        %dma_start3A_655 = tpu.memref_squeeze %dma_start3A_654 : memref<1x2x64xi32, #tpu.memory_space<vmem>> -> memref<2x64xi32, #tpu.memory_space<vmem>>
        %dma_start3A_656 = arith.constant 0 : i32
        %dma_start3A_657 = arith.constant 0 : i32
        %dma_start3A_658 = tpu.memref_slice %arg4[%add3A_642, %dma_start3A_656, %dma_start3A_657] : memref<5120x2x64xi32, #tpu.memory_space<hbm>> -> memref<1x2x64xi32, #tpu.memory_space<hbm>>
        %dma_start3A_659 = tpu.memref_squeeze %dma_start3A_658 : memref<1x2x64xi32, #tpu.memory_space<hbm>> -> memref<2x64xi32, #tpu.memory_space<hbm>>
        tpu.enqueue_dma source(%dma_start3A_659 : memref<2x64xi32, #tpu.memory_space<hbm>>) target(%dma_start3A_655 : memref<2x64xi32, #tpu.memory_space<vmem>>) target_semaphore(%arg17 : memref<!tpu.dma_semaphore, #tpu.memory_space<semaphore_mem>>)
      } else {
      }
      %add3A_460 = arith.constant 5 : i32
      %add3A_461 = arith.addi %add3A_439, %add3A_460 : i32
      %lt3A_462 = arith.constant 320 : i32
      %lt3A_463 = arith.cmpi slt, %add3A_461, %lt3A_462 : i32
      %convert_element_type3A_464 = arith.extui %lt3A_463 : i1 to i32
      %cond3A_465 = arith.constant 0 : i32
      %cond3A_466 = arith.cmpi ne, %convert_element_type3A_464, %cond3A_465 : i32
      scf.if %cond3A_466 {
        %add3A_641 = arith.constant 5 : i32
        %add3A_642 = arith.addi %add3A_440, %add3A_641 : i32
        %dma_wait3A_643 = arith.constant 8 : i32
        %dma_wait3A_644 = arith.constant 0 : i32
        %dma_wait3A_645 = arith.constant 0 : i32
        %dma_wait3A_646 = tpu.memref_slice %arg7[%dma_wait3A_643, %dma_wait3A_644, %dma_wait3A_645] : memref<10x2x64xi32, #tpu.memory_space<vmem>> -> memref<1x2x64xi32, #tpu.memory_space<vmem>>
        %dma_wait3A_647 = tpu.memref_squeeze %dma_wait3A_646 : memref<1x2x64xi32, #tpu.memory_space<vmem>> -> memref<2x64xi32, #tpu.memory_space<vmem>>
        %dma_wait3A_648 = arith.constant 0 : i32
        %dma_wait3A_649 = arith.constant 0 : i32
        %dma_wait3A_650 = tpu.memref_slice %arg4[%add3A_642, %dma_wait3A_648, %dma_wait3A_649] : memref<5120x2x64xi32, #tpu.memory_space<hbm>> -> memref<1x2x64xi32, #tpu.memory_space<hbm>>
        %dma_wait3A_651 = tpu.memref_squeeze %dma_wait3A_650 : memref<1x2x64xi32, #tpu.memory_space<hbm>> -> memref<2x64xi32, #tpu.memory_space<hbm>>
        %dma_wait3A_652 = arith.constant 0 : i32
        %dma_wait3A_653 = arith.constant 0 : i32
        %dma_wait3A_654 = tpu.memref_slice %arg7[%dma_wait3A_643, %dma_wait3A_652, %dma_wait3A_653] : memref<10x2x64xi32, #tpu.memory_space<vmem>> -> memref<1x2x64xi32, #tpu.memory_space<vmem>>
        %dma_wait3A_655 = tpu.memref_squeeze %dma_wait3A_654 : memref<1x2x64xi32, #tpu.memory_space<vmem>> -> memref<2x64xi32, #tpu.memory_space<vmem>>
        %dma_wait3A_656 = arith.constant 0 : i32
        %dma_wait3A_657 = arith.constant 0 : i32
        %dma_wait3A_658 = tpu.memref_slice %arg4[%add3A_642, %dma_wait3A_656, %dma_wait3A_657] : memref<5120x2x64xi32, #tpu.memory_space<hbm>> -> memref<1x2x64xi32, #tpu.memory_space<hbm>>
        %dma_wait3A_659 = tpu.memref_squeeze %dma_wait3A_658 : memref<1x2x64xi32, #tpu.memory_space<hbm>> -> memref<2x64xi32, #tpu.memory_space<hbm>>
        tpu.wait_dma2 semaphore(%arg22 : memref<!tpu.dma_semaphore, #tpu.memory_space<semaphore_mem>>) src(%dma_wait3A_659 : memref<2x64xi32, #tpu.memory_space<hbm>>) dst(%dma_wait3A_655 : memref<2x64xi32, #tpu.memory_space<vmem>>)
        %eq3A_660 = arith.constant 0 : i32
        %eq3A_661 = arith.cmpi eq, %arg0, %eq3A_660 : i32
        %convert_element_type3A_662 = arith.extui %eq3A_661 : i1 to i32
        %cond3A_663 = arith.constant 0 : i32
        %cond3A_664 = arith.cmpi ne, %convert_element_type3A_662, %cond3A_663 : i32
        scf.if %cond3A_664 {
          %dma_start3A_670 = arith.constant 8 : i32
          %dma_start3A_671 = arith.constant 0 : i32
          %dma_start3A_672 = arith.constant 0 : i32
          %dma_start3A_673 = tpu.memref_slice %arg7[%dma_start3A_670, %dma_start3A_671, %dma_start3A_672] : memref<10x2x64xi32, #tpu.memory_space<vmem>> -> memref<1x1x64xi32, #tpu.memory_space<vmem>>
          %dma_start3A_674 = tpu.memref_squeeze %dma_start3A_673 : memref<1x1x64xi32, #tpu.memory_space<vmem>> -> memref<64xi32, #tpu.memory_space<vmem>>
          %dma_start3A_675 = arith.constant 0 : i32
          %dma_start3A_676 = arith.constant 0 : i32
          %dma_start3A_677 = tpu.memref_slice %arg2[%dma_start3A_675, %dma_start3A_676] : memref<10000x128xf32, #tpu.memory_space<hbm>> -> memref<10000x128xf32, #tpu.memory_space<hbm>>
          tpu.enqueue_indirect_dma source(%dma_start3A_677 : memref<10000x128xf32, #tpu.memory_space<hbm>>) target(%arg11 : memref<64x128xf32, #tpu.memory_space<vmem>>) offsets(%dma_start3A_674 : memref<64xi32, #tpu.memory_space<vmem>>) semaphore(%arg27 : memref<!tpu.dma_semaphore, #tpu.memory_space<semaphore_mem>>)
        } else {
        }
        %ne3A_665 = arith.constant 0 : i32
        %ne3A_666 = arith.cmpi ne, %arg0, %ne3A_665 : i32
        %convert_element_type3A_667 = arith.extui %ne3A_666 : i1 to i32
        %cond3A_668 = arith.constant 0 : i32
        %cond3A_669 = arith.cmpi ne, %convert_element_type3A_667, %cond3A_668 : i32
        scf.if %cond3A_669 {
          %dma_start3A_670 = arith.constant 8 : i32
          %dma_start3A_671 = arith.constant 0 : i32
          %dma_start3A_672 = arith.constant 0 : i32
          %dma_start3A_673 = tpu.memref_slice %arg7[%dma_start3A_670, %dma_start3A_671, %dma_start3A_672] : memref<10x2x64xi32, #tpu.memory_space<vmem>> -> memref<1x1x64xi32, #tpu.memory_space<vmem>>
          %dma_start3A_674 = tpu.memref_squeeze %dma_start3A_673 : memref<1x1x64xi32, #tpu.memory_space<vmem>> -> memref<64xi32, #tpu.memory_space<vmem>>
          %dma_start3A_675 = arith.constant 0 : i32
          %dma_start3A_676 = arith.constant 0 : i32
          %dma_start3A_677 = tpu.memref_slice %arg3[%dma_start3A_675, %dma_start3A_676] : memref<10000x128xf32, #tpu.memory_space<hbm>> -> memref<10000x128xf32, #tpu.memory_space<hbm>>
          tpu.enqueue_indirect_dma source(%dma_start3A_677 : memref<10000x128xf32, #tpu.memory_space<hbm>>) target(%arg11 : memref<64x128xf32, #tpu.memory_space<vmem>>) offsets(%dma_start3A_674 : memref<64xi32, #tpu.memory_space<vmem>>) semaphore(%arg27 : memref<!tpu.dma_semaphore, #tpu.memory_space<semaphore_mem>>)
        } else {
        }
      } else {
      }
      %add3A_467 = arith.constant 4 : i32
      %add3A_468 = arith.addi %add3A_351, %add3A_467 : i32
      %add3A_469 = arith.addi %mul3A_0, %add3A_468 : i32
      %eq3A_470 = arith.constant 0 : i32
      %eq3A_471 = arith.cmpi eq, %arg0, %eq3A_470 : i32
      %convert_element_type3A_472 = arith.extui %eq3A_471 : i1 to i32
      %cond3A_473 = arith.constant 0 : i32
      %cond3A_474 = arith.cmpi ne, %convert_element_type3A_472, %cond3A_473 : i32
      scf.if %cond3A_474 {
        %dma_wait3A_641 = arith.constant 4 : i32
        %dma_wait3A_642 = arith.constant 0 : i32
        %dma_wait3A_643 = arith.constant 0 : i32
        %dma_wait3A_644 = tpu.memref_slice %arg7[%dma_wait3A_641, %dma_wait3A_642, %dma_wait3A_643] : memref<10x2x64xi32, #tpu.memory_space<vmem>> -> memref<1x1x64xi32, #tpu.memory_space<vmem>>
        %dma_wait3A_645 = tpu.memref_squeeze %dma_wait3A_644 : memref<1x1x64xi32, #tpu.memory_space<vmem>> -> memref<64xi32, #tpu.memory_space<vmem>>
        %dma_wait3A_646 = arith.constant 0 : i32
        %dma_wait3A_647 = arith.constant 0 : i32
        %dma_wait3A_648 = tpu.memref_slice %arg2[%dma_wait3A_646, %dma_wait3A_647] : memref<10000x128xf32, #tpu.memory_space<hbm>> -> memref<10000x128xf32, #tpu.memory_space<hbm>>
        tpu.wait_indirect_dma semaphore(%arg28 : memref<!tpu.dma_semaphore, #tpu.memory_space<semaphore_mem>>) src(%dma_wait3A_648 : memref<10000x128xf32, #tpu.memory_space<hbm>>) dst(%arg12 : memref<64x128xf32, #tpu.memory_space<vmem>>)
      } else {
      }
      %ne3A_475 = arith.constant 0 : i32
      %ne3A_476 = arith.cmpi ne, %arg0, %ne3A_475 : i32
      %convert_element_type3A_477 = arith.extui %ne3A_476 : i1 to i32
      %cond3A_478 = arith.constant 0 : i32
      %cond3A_479 = arith.cmpi ne, %convert_element_type3A_477, %cond3A_478 : i32
      scf.if %cond3A_479 {
        %dma_wait3A_641 = arith.constant 4 : i32
        %dma_wait3A_642 = arith.constant 0 : i32
        %dma_wait3A_643 = arith.constant 0 : i32
        %dma_wait3A_644 = tpu.memref_slice %arg7[%dma_wait3A_641, %dma_wait3A_642, %dma_wait3A_643] : memref<10x2x64xi32, #tpu.memory_space<vmem>> -> memref<1x1x64xi32, #tpu.memory_space<vmem>>
        %dma_wait3A_645 = tpu.memref_squeeze %dma_wait3A_644 : memref<1x1x64xi32, #tpu.memory_space<vmem>> -> memref<64xi32, #tpu.memory_space<vmem>>
        %dma_wait3A_646 = arith.constant 0 : i32
        %dma_wait3A_647 = arith.constant 0 : i32
        %dma_wait3A_648 = tpu.memref_slice %arg3[%dma_wait3A_646, %dma_wait3A_647] : memref<10000x128xf32, #tpu.memory_space<hbm>> -> memref<10000x128xf32, #tpu.memory_space<hbm>>
        tpu.wait_indirect_dma semaphore(%arg28 : memref<!tpu.dma_semaphore, #tpu.memory_space<semaphore_mem>>) src(%dma_wait3A_648 : memref<10000x128xf32, #tpu.memory_space<hbm>>) dst(%arg12 : memref<64x128xf32, #tpu.memory_space<vmem>>)
      } else {
      }
      %run_scoped3A_480 = arith.constant 4 : i32
      %run_scoped3A_481 = arith.constant 1 : i32
      "tpu.region"() ({
        %run_scoped3A_641 = tpu.sem_alloc : memref<!tpu.dma_semaphore, #tpu.memory_space<semaphore_mem>>
        %dma_start3A_642 = arith.constant 0 : i32
        %dma_start3A_643 = tpu.memref_slice %arg7[%run_scoped3A_480, %run_scoped3A_481, %dma_start3A_642] : memref<10x2x64xi32, #tpu.memory_space<vmem>> -> memref<1x1x64xi32, #tpu.memory_space<vmem>>
        %dma_start3A_644 = tpu.memref_squeeze %dma_start3A_643 : memref<1x1x64xi32, #tpu.memory_space<vmem>> -> memref<64xi32, #tpu.memory_space<vmem>>
        %dma_start3A_645 = arith.constant 0 : i32
        %dma_start3A_646 = arith.constant 0 : i32
        %dma_start3A_647 = tpu.memref_slice %arg13[%dma_start3A_645, %dma_start3A_646] : memref<10112x128xf32, #tpu.memory_space<vmem_shared>> -> memref<10112x128xf32, #tpu.memory_space<vmem_shared>>
        tpu.enqueue_indirect_dma source(%arg12 : memref<64x128xf32, #tpu.memory_space<vmem>>) target(%dma_start3A_647 : memref<10112x128xf32, #tpu.memory_space<vmem_shared>>) offsets(%dma_start3A_644 : memref<64xi32, #tpu.memory_space<vmem>>) semaphore(%run_scoped3A_641 : memref<!tpu.dma_semaphore, #tpu.memory_space<semaphore_mem>>) {add = true}
        %dma_wait3A_648 = arith.constant 0 : i32
        %dma_wait3A_649 = tpu.memref_slice %arg7[%run_scoped3A_480, %run_scoped3A_481, %dma_wait3A_648] : memref<10x2x64xi32, #tpu.memory_space<vmem>> -> memref<1x1x64xi32, #tpu.memory_space<vmem>>
        %dma_wait3A_650 = tpu.memref_squeeze %dma_wait3A_649 : memref<1x1x64xi32, #tpu.memory_space<vmem>> -> memref<64xi32, #tpu.memory_space<vmem>>
        %dma_wait3A_651 = arith.constant 0 : i32
        %dma_wait3A_652 = arith.constant 0 : i32
        %dma_wait3A_653 = tpu.memref_slice %arg13[%dma_wait3A_651, %dma_wait3A_652] : memref<10112x128xf32, #tpu.memory_space<vmem_shared>> -> memref<10112x128xf32, #tpu.memory_space<vmem_shared>>
        tpu.wait_indirect_dma semaphore(%run_scoped3A_641 : memref<!tpu.dma_semaphore, #tpu.memory_space<semaphore_mem>>) src(%arg12 : memref<64x128xf32, #tpu.memory_space<vmem>>) dst(%dma_wait3A_653 : memref<10112x128xf32, #tpu.memory_space<vmem_shared>>)
        tpu.yield
      }) : () -> ()
      %add3A_482 = arith.constant 10 : i32
      %add3A_483 = arith.addi %add3A_468, %add3A_482 : i32
      %lt3A_484 = arith.constant 320 : i32
      %lt3A_485 = arith.cmpi slt, %add3A_483, %lt3A_484 : i32
      %convert_element_type3A_486 = arith.extui %lt3A_485 : i1 to i32
      %cond3A_487 = arith.constant 0 : i32
      %cond3A_488 = arith.cmpi ne, %convert_element_type3A_486, %cond3A_487 : i32
      scf.if %cond3A_488 {
        %add3A_641 = arith.constant 10 : i32
        %add3A_642 = arith.addi %add3A_469, %add3A_641 : i32
        %dma_start3A_643 = arith.constant 4 : i32
        %dma_start3A_644 = arith.constant 0 : i32
        %dma_start3A_645 = arith.constant 0 : i32
        %dma_start3A_646 = tpu.memref_slice %arg7[%dma_start3A_643, %dma_start3A_644, %dma_start3A_645] : memref<10x2x64xi32, #tpu.memory_space<vmem>> -> memref<1x2x64xi32, #tpu.memory_space<vmem>>
        %dma_start3A_647 = tpu.memref_squeeze %dma_start3A_646 : memref<1x2x64xi32, #tpu.memory_space<vmem>> -> memref<2x64xi32, #tpu.memory_space<vmem>>
        %dma_start3A_648 = arith.constant 0 : i32
        %dma_start3A_649 = arith.constant 0 : i32
        %dma_start3A_650 = tpu.memref_slice %arg4[%add3A_642, %dma_start3A_648, %dma_start3A_649] : memref<5120x2x64xi32, #tpu.memory_space<hbm>> -> memref<1x2x64xi32, #tpu.memory_space<hbm>>
        %dma_start3A_651 = tpu.memref_squeeze %dma_start3A_650 : memref<1x2x64xi32, #tpu.memory_space<hbm>> -> memref<2x64xi32, #tpu.memory_space<hbm>>
        %dma_start3A_652 = arith.constant 0 : i32
        %dma_start3A_653 = arith.constant 0 : i32
        %dma_start3A_654 = tpu.memref_slice %arg7[%dma_start3A_643, %dma_start3A_652, %dma_start3A_653] : memref<10x2x64xi32, #tpu.memory_space<vmem>> -> memref<1x2x64xi32, #tpu.memory_space<vmem>>
        %dma_start3A_655 = tpu.memref_squeeze %dma_start3A_654 : memref<1x2x64xi32, #tpu.memory_space<vmem>> -> memref<2x64xi32, #tpu.memory_space<vmem>>
        %dma_start3A_656 = arith.constant 0 : i32
        %dma_start3A_657 = arith.constant 0 : i32
        %dma_start3A_658 = tpu.memref_slice %arg4[%add3A_642, %dma_start3A_656, %dma_start3A_657] : memref<5120x2x64xi32, #tpu.memory_space<hbm>> -> memref<1x2x64xi32, #tpu.memory_space<hbm>>
        %dma_start3A_659 = tpu.memref_squeeze %dma_start3A_658 : memref<1x2x64xi32, #tpu.memory_space<hbm>> -> memref<2x64xi32, #tpu.memory_space<hbm>>
        tpu.enqueue_dma source(%dma_start3A_659 : memref<2x64xi32, #tpu.memory_space<hbm>>) target(%dma_start3A_655 : memref<2x64xi32, #tpu.memory_space<vmem>>) target_semaphore(%arg18 : memref<!tpu.dma_semaphore, #tpu.memory_space<semaphore_mem>>)
      } else {
      }
      %add3A_489 = arith.constant 5 : i32
      %add3A_490 = arith.addi %add3A_468, %add3A_489 : i32
      %lt3A_491 = arith.constant 320 : i32
      %lt3A_492 = arith.cmpi slt, %add3A_490, %lt3A_491 : i32
      %convert_element_type3A_493 = arith.extui %lt3A_492 : i1 to i32
      %cond3A_494 = arith.constant 0 : i32
      %cond3A_495 = arith.cmpi ne, %convert_element_type3A_493, %cond3A_494 : i32
      scf.if %cond3A_495 {
        %add3A_641 = arith.constant 5 : i32
        %add3A_642 = arith.addi %add3A_469, %add3A_641 : i32
        %dma_wait3A_643 = arith.constant 9 : i32
        %dma_wait3A_644 = arith.constant 0 : i32
        %dma_wait3A_645 = arith.constant 0 : i32
        %dma_wait3A_646 = tpu.memref_slice %arg7[%dma_wait3A_643, %dma_wait3A_644, %dma_wait3A_645] : memref<10x2x64xi32, #tpu.memory_space<vmem>> -> memref<1x2x64xi32, #tpu.memory_space<vmem>>
        %dma_wait3A_647 = tpu.memref_squeeze %dma_wait3A_646 : memref<1x2x64xi32, #tpu.memory_space<vmem>> -> memref<2x64xi32, #tpu.memory_space<vmem>>
        %dma_wait3A_648 = arith.constant 0 : i32
        %dma_wait3A_649 = arith.constant 0 : i32
        %dma_wait3A_650 = tpu.memref_slice %arg4[%add3A_642, %dma_wait3A_648, %dma_wait3A_649] : memref<5120x2x64xi32, #tpu.memory_space<hbm>> -> memref<1x2x64xi32, #tpu.memory_space<hbm>>
        %dma_wait3A_651 = tpu.memref_squeeze %dma_wait3A_650 : memref<1x2x64xi32, #tpu.memory_space<hbm>> -> memref<2x64xi32, #tpu.memory_space<hbm>>
        %dma_wait3A_652 = arith.constant 0 : i32
        %dma_wait3A_653 = arith.constant 0 : i32
        %dma_wait3A_654 = tpu.memref_slice %arg7[%dma_wait3A_643, %dma_wait3A_652, %dma_wait3A_653] : memref<10x2x64xi32, #tpu.memory_space<vmem>> -> memref<1x2x64xi32, #tpu.memory_space<vmem>>
        %dma_wait3A_655 = tpu.memref_squeeze %dma_wait3A_654 : memref<1x2x64xi32, #tpu.memory_space<vmem>> -> memref<2x64xi32, #tpu.memory_space<vmem>>
        %dma_wait3A_656 = arith.constant 0 : i32
        %dma_wait3A_657 = arith.constant 0 : i32
        %dma_wait3A_658 = tpu.memref_slice %arg4[%add3A_642, %dma_wait3A_656, %dma_wait3A_657] : memref<5120x2x64xi32, #tpu.memory_space<hbm>> -> memref<1x2x64xi32, #tpu.memory_space<hbm>>
        %dma_wait3A_659 = tpu.memref_squeeze %dma_wait3A_658 : memref<1x2x64xi32, #tpu.memory_space<hbm>> -> memref<2x64xi32, #tpu.memory_space<hbm>>
        tpu.wait_dma2 semaphore(%arg23 : memref<!tpu.dma_semaphore, #tpu.memory_space<semaphore_mem>>) src(%dma_wait3A_659 : memref<2x64xi32, #tpu.memory_space<hbm>>) dst(%dma_wait3A_655 : memref<2x64xi32, #tpu.memory_space<vmem>>)
        %eq3A_660 = arith.constant 0 : i32
        %eq3A_661 = arith.cmpi eq, %arg0, %eq3A_660 : i32
        %convert_element_type3A_662 = arith.extui %eq3A_661 : i1 to i32
        %cond3A_663 = arith.constant 0 : i32
        %cond3A_664 = arith.cmpi ne, %convert_element_type3A_662, %cond3A_663 : i32
        scf.if %cond3A_664 {
          %dma_start3A_670 = arith.constant 9 : i32
          %dma_start3A_671 = arith.constant 0 : i32
          %dma_start3A_672 = arith.constant 0 : i32
          %dma_start3A_673 = tpu.memref_slice %arg7[%dma_start3A_670, %dma_start3A_671, %dma_start3A_672] : memref<10x2x64xi32, #tpu.memory_space<vmem>> -> memref<1x1x64xi32, #tpu.memory_space<vmem>>
          %dma_start3A_674 = tpu.memref_squeeze %dma_start3A_673 : memref<1x1x64xi32, #tpu.memory_space<vmem>> -> memref<64xi32, #tpu.memory_space<vmem>>
          %dma_start3A_675 = arith.constant 0 : i32
          %dma_start3A_676 = arith.constant 0 : i32
          %dma_start3A_677 = tpu.memref_slice %arg2[%dma_start3A_675, %dma_start3A_676] : memref<10000x128xf32, #tpu.memory_space<hbm>> -> memref<10000x128xf32, #tpu.memory_space<hbm>>
          tpu.enqueue_indirect_dma source(%dma_start3A_677 : memref<10000x128xf32, #tpu.memory_space<hbm>>) target(%arg12 : memref<64x128xf32, #tpu.memory_space<vmem>>) offsets(%dma_start3A_674 : memref<64xi32, #tpu.memory_space<vmem>>) semaphore(%arg28 : memref<!tpu.dma_semaphore, #tpu.memory_space<semaphore_mem>>)
        } else {
        }
        %ne3A_665 = arith.constant 0 : i32
        %ne3A_666 = arith.cmpi ne, %arg0, %ne3A_665 : i32
        %convert_element_type3A_667 = arith.extui %ne3A_666 : i1 to i32
        %cond3A_668 = arith.constant 0 : i32
        %cond3A_669 = arith.cmpi ne, %convert_element_type3A_667, %cond3A_668 : i32
        scf.if %cond3A_669 {
          %dma_start3A_670 = arith.constant 9 : i32
          %dma_start3A_671 = arith.constant 0 : i32
          %dma_start3A_672 = arith.constant 0 : i32
          %dma_start3A_673 = tpu.memref_slice %arg7[%dma_start3A_670, %dma_start3A_671, %dma_start3A_672] : memref<10x2x64xi32, #tpu.memory_space<vmem>> -> memref<1x1x64xi32, #tpu.memory_space<vmem>>
          %dma_start3A_674 = tpu.memref_squeeze %dma_start3A_673 : memref<1x1x64xi32, #tpu.memory_space<vmem>> -> memref<64xi32, #tpu.memory_space<vmem>>
          %dma_start3A_675 = arith.constant 0 : i32
          %dma_start3A_676 = arith.constant 0 : i32
          %dma_start3A_677 = tpu.memref_slice %arg3[%dma_start3A_675, %dma_start3A_676] : memref<10000x128xf32, #tpu.memory_space<hbm>> -> memref<10000x128xf32, #tpu.memory_space<hbm>>
          tpu.enqueue_indirect_dma source(%dma_start3A_677 : memref<10000x128xf32, #tpu.memory_space<hbm>>) target(%arg12 : memref<64x128xf32, #tpu.memory_space<vmem>>) offsets(%dma_start3A_674 : memref<64xi32, #tpu.memory_space<vmem>>) semaphore(%arg28 : memref<!tpu.dma_semaphore, #tpu.memory_space<semaphore_mem>>)
        } else {
        }
      } else {
      }
      %add3A_496 = arith.constant 5 : i32
      %add3A_497 = arith.addi %add3A_351, %add3A_496 : i32
      %add3A_498 = arith.addi %mul3A_0, %add3A_497 : i32
      %eq3A_499 = arith.constant 0 : i32
      %eq3A_500 = arith.cmpi eq, %arg0, %eq3A_499 : i32
      %convert_element_type3A_501 = arith.extui %eq3A_500 : i1 to i32
      %cond3A_502 = arith.constant 0 : i32
      %cond3A_503 = arith.cmpi ne, %convert_element_type3A_501, %cond3A_502 : i32
      scf.if %cond3A_503 {
        %dma_wait3A_641 = arith.constant 5 : i32
        %dma_wait3A_642 = arith.constant 0 : i32
        %dma_wait3A_643 = arith.constant 0 : i32
        %dma_wait3A_644 = tpu.memref_slice %arg7[%dma_wait3A_641, %dma_wait3A_642, %dma_wait3A_643] : memref<10x2x64xi32, #tpu.memory_space<vmem>> -> memref<1x1x64xi32, #tpu.memory_space<vmem>>
        %dma_wait3A_645 = tpu.memref_squeeze %dma_wait3A_644 : memref<1x1x64xi32, #tpu.memory_space<vmem>> -> memref<64xi32, #tpu.memory_space<vmem>>
        %dma_wait3A_646 = arith.constant 0 : i32
        %dma_wait3A_647 = arith.constant 0 : i32
        %dma_wait3A_648 = tpu.memref_slice %arg2[%dma_wait3A_646, %dma_wait3A_647] : memref<10000x128xf32, #tpu.memory_space<hbm>> -> memref<10000x128xf32, #tpu.memory_space<hbm>>
        tpu.wait_indirect_dma semaphore(%arg24 : memref<!tpu.dma_semaphore, #tpu.memory_space<semaphore_mem>>) src(%dma_wait3A_648 : memref<10000x128xf32, #tpu.memory_space<hbm>>) dst(%arg8 : memref<64x128xf32, #tpu.memory_space<vmem>>)
      } else {
      }
      %ne3A_504 = arith.constant 0 : i32
      %ne3A_505 = arith.cmpi ne, %arg0, %ne3A_504 : i32
      %convert_element_type3A_506 = arith.extui %ne3A_505 : i1 to i32
      %cond3A_507 = arith.constant 0 : i32
      %cond3A_508 = arith.cmpi ne, %convert_element_type3A_506, %cond3A_507 : i32
      scf.if %cond3A_508 {
        %dma_wait3A_641 = arith.constant 5 : i32
        %dma_wait3A_642 = arith.constant 0 : i32
        %dma_wait3A_643 = arith.constant 0 : i32
        %dma_wait3A_644 = tpu.memref_slice %arg7[%dma_wait3A_641, %dma_wait3A_642, %dma_wait3A_643] : memref<10x2x64xi32, #tpu.memory_space<vmem>> -> memref<1x1x64xi32, #tpu.memory_space<vmem>>
        %dma_wait3A_645 = tpu.memref_squeeze %dma_wait3A_644 : memref<1x1x64xi32, #tpu.memory_space<vmem>> -> memref<64xi32, #tpu.memory_space<vmem>>
        %dma_wait3A_646 = arith.constant 0 : i32
        %dma_wait3A_647 = arith.constant 0 : i32
        %dma_wait3A_648 = tpu.memref_slice %arg3[%dma_wait3A_646, %dma_wait3A_647] : memref<10000x128xf32, #tpu.memory_space<hbm>> -> memref<10000x128xf32, #tpu.memory_space<hbm>>
        tpu.wait_indirect_dma semaphore(%arg24 : memref<!tpu.dma_semaphore, #tpu.memory_space<semaphore_mem>>) src(%dma_wait3A_648 : memref<10000x128xf32, #tpu.memory_space<hbm>>) dst(%arg8 : memref<64x128xf32, #tpu.memory_space<vmem>>)
      } else {
      }
      %run_scoped3A_509 = arith.constant 5 : i32
      %run_scoped3A_510 = arith.constant 1 : i32
      "tpu.region"() ({
        %run_scoped3A_641 = tpu.sem_alloc : memref<!tpu.dma_semaphore, #tpu.memory_space<semaphore_mem>>
        %dma_start3A_642 = arith.constant 0 : i32
        %dma_start3A_643 = tpu.memref_slice %arg7[%run_scoped3A_509, %run_scoped3A_510, %dma_start3A_642] : memref<10x2x64xi32, #tpu.memory_space<vmem>> -> memref<1x1x64xi32, #tpu.memory_space<vmem>>
        %dma_start3A_644 = tpu.memref_squeeze %dma_start3A_643 : memref<1x1x64xi32, #tpu.memory_space<vmem>> -> memref<64xi32, #tpu.memory_space<vmem>>
        %dma_start3A_645 = arith.constant 0 : i32
        %dma_start3A_646 = arith.constant 0 : i32
        %dma_start3A_647 = tpu.memref_slice %arg13[%dma_start3A_645, %dma_start3A_646] : memref<10112x128xf32, #tpu.memory_space<vmem_shared>> -> memref<10112x128xf32, #tpu.memory_space<vmem_shared>>
        tpu.enqueue_indirect_dma source(%arg8 : memref<64x128xf32, #tpu.memory_space<vmem>>) target(%dma_start3A_647 : memref<10112x128xf32, #tpu.memory_space<vmem_shared>>) offsets(%dma_start3A_644 : memref<64xi32, #tpu.memory_space<vmem>>) semaphore(%run_scoped3A_641 : memref<!tpu.dma_semaphore, #tpu.memory_space<semaphore_mem>>) {add = true}
        %dma_wait3A_648 = arith.constant 0 : i32
        %dma_wait3A_649 = tpu.memref_slice %arg7[%run_scoped3A_509, %run_scoped3A_510, %dma_wait3A_648] : memref<10x2x64xi32, #tpu.memory_space<vmem>> -> memref<1x1x64xi32, #tpu.memory_space<vmem>>
        %dma_wait3A_650 = tpu.memref_squeeze %dma_wait3A_649 : memref<1x1x64xi32, #tpu.memory_space<vmem>> -> memref<64xi32, #tpu.memory_space<vmem>>
        %dma_wait3A_651 = arith.constant 0 : i32
        %dma_wait3A_652 = arith.constant 0 : i32
        %dma_wait3A_653 = tpu.memref_slice %arg13[%dma_wait3A_651, %dma_wait3A_652] : memref<10112x128xf32, #tpu.memory_space<vmem_shared>> -> memref<10112x128xf32, #tpu.memory_space<vmem_shared>>
        tpu.wait_indirect_dma semaphore(%run_scoped3A_641 : memref<!tpu.dma_semaphore, #tpu.memory_space<semaphore_mem>>) src(%arg8 : memref<64x128xf32, #tpu.memory_space<vmem>>) dst(%dma_wait3A_653 : memref<10112x128xf32, #tpu.memory_space<vmem_shared>>)
        tpu.yield
      }) : () -> ()
      %add3A_511 = arith.constant 10 : i32
      %add3A_512 = arith.addi %add3A_497, %add3A_511 : i32
      %lt3A_513 = arith.constant 320 : i32
      %lt3A_514 = arith.cmpi slt, %add3A_512, %lt3A_513 : i32
      %convert_element_type3A_515 = arith.extui %lt3A_514 : i1 to i32
      %cond3A_516 = arith.constant 0 : i32
      %cond3A_517 = arith.cmpi ne, %convert_element_type3A_515, %cond3A_516 : i32
      scf.if %cond3A_517 {
        %add3A_641 = arith.constant 10 : i32
        %add3A_642 = arith.addi %add3A_498, %add3A_641 : i32
        %dma_start3A_643 = arith.constant 5 : i32
        %dma_start3A_644 = arith.constant 0 : i32
        %dma_start3A_645 = arith.constant 0 : i32
        %dma_start3A_646 = tpu.memref_slice %arg7[%dma_start3A_643, %dma_start3A_644, %dma_start3A_645] : memref<10x2x64xi32, #tpu.memory_space<vmem>> -> memref<1x2x64xi32, #tpu.memory_space<vmem>>
        %dma_start3A_647 = tpu.memref_squeeze %dma_start3A_646 : memref<1x2x64xi32, #tpu.memory_space<vmem>> -> memref<2x64xi32, #tpu.memory_space<vmem>>
        %dma_start3A_648 = arith.constant 0 : i32
        %dma_start3A_649 = arith.constant 0 : i32
        %dma_start3A_650 = tpu.memref_slice %arg4[%add3A_642, %dma_start3A_648, %dma_start3A_649] : memref<5120x2x64xi32, #tpu.memory_space<hbm>> -> memref<1x2x64xi32, #tpu.memory_space<hbm>>
        %dma_start3A_651 = tpu.memref_squeeze %dma_start3A_650 : memref<1x2x64xi32, #tpu.memory_space<hbm>> -> memref<2x64xi32, #tpu.memory_space<hbm>>
        %dma_start3A_652 = arith.constant 0 : i32
        %dma_start3A_653 = arith.constant 0 : i32
        %dma_start3A_654 = tpu.memref_slice %arg7[%dma_start3A_643, %dma_start3A_652, %dma_start3A_653] : memref<10x2x64xi32, #tpu.memory_space<vmem>> -> memref<1x2x64xi32, #tpu.memory_space<vmem>>
        %dma_start3A_655 = tpu.memref_squeeze %dma_start3A_654 : memref<1x2x64xi32, #tpu.memory_space<vmem>> -> memref<2x64xi32, #tpu.memory_space<vmem>>
        %dma_start3A_656 = arith.constant 0 : i32
        %dma_start3A_657 = arith.constant 0 : i32
        %dma_start3A_658 = tpu.memref_slice %arg4[%add3A_642, %dma_start3A_656, %dma_start3A_657] : memref<5120x2x64xi32, #tpu.memory_space<hbm>> -> memref<1x2x64xi32, #tpu.memory_space<hbm>>
        %dma_start3A_659 = tpu.memref_squeeze %dma_start3A_658 : memref<1x2x64xi32, #tpu.memory_space<hbm>> -> memref<2x64xi32, #tpu.memory_space<hbm>>
        tpu.enqueue_dma source(%dma_start3A_659 : memref<2x64xi32, #tpu.memory_space<hbm>>) target(%dma_start3A_655 : memref<2x64xi32, #tpu.memory_space<vmem>>) target_semaphore(%arg19 : memref<!tpu.dma_semaphore, #tpu.memory_space<semaphore_mem>>)
      } else {
      }
      %add3A_518 = arith.constant 5 : i32
      %add3A_519 = arith.addi %add3A_497, %add3A_518 : i32
      %lt3A_520 = arith.constant 320 : i32
      %lt3A_521 = arith.cmpi slt, %add3A_519, %lt3A_520 : i32
      %convert_element_type3A_522 = arith.extui %lt3A_521 : i1 to i32
      %cond3A_523 = arith.constant 0 : i32
      %cond3A_524 = arith.cmpi ne, %convert_element_type3A_522, %cond3A_523 : i32
      scf.if %cond3A_524 {
        %add3A_641 = arith.constant 5 : i32
        %add3A_642 = arith.addi %add3A_498, %add3A_641 : i32
        %dma_wait3A_643 = arith.constant 0 : i32
        %dma_wait3A_644 = arith.constant 0 : i32
        %dma_wait3A_645 = arith.constant 0 : i32
        %dma_wait3A_646 = tpu.memref_slice %arg7[%dma_wait3A_643, %dma_wait3A_644, %dma_wait3A_645] : memref<10x2x64xi32, #tpu.memory_space<vmem>> -> memref<1x2x64xi32, #tpu.memory_space<vmem>>
        %dma_wait3A_647 = tpu.memref_squeeze %dma_wait3A_646 : memref<1x2x64xi32, #tpu.memory_space<vmem>> -> memref<2x64xi32, #tpu.memory_space<vmem>>
        %dma_wait3A_648 = arith.constant 0 : i32
        %dma_wait3A_649 = arith.constant 0 : i32
        %dma_wait3A_650 = tpu.memref_slice %arg4[%add3A_642, %dma_wait3A_648, %dma_wait3A_649] : memref<5120x2x64xi32, #tpu.memory_space<hbm>> -> memref<1x2x64xi32, #tpu.memory_space<hbm>>
        %dma_wait3A_651 = tpu.memref_squeeze %dma_wait3A_650 : memref<1x2x64xi32, #tpu.memory_space<hbm>> -> memref<2x64xi32, #tpu.memory_space<hbm>>
        %dma_wait3A_652 = arith.constant 0 : i32
        %dma_wait3A_653 = arith.constant 0 : i32
        %dma_wait3A_654 = tpu.memref_slice %arg7[%dma_wait3A_643, %dma_wait3A_652, %dma_wait3A_653] : memref<10x2x64xi32, #tpu.memory_space<vmem>> -> memref<1x2x64xi32, #tpu.memory_space<vmem>>
        %dma_wait3A_655 = tpu.memref_squeeze %dma_wait3A_654 : memref<1x2x64xi32, #tpu.memory_space<vmem>> -> memref<2x64xi32, #tpu.memory_space<vmem>>
        %dma_wait3A_656 = arith.constant 0 : i32
        %dma_wait3A_657 = arith.constant 0 : i32
        %dma_wait3A_658 = tpu.memref_slice %arg4[%add3A_642, %dma_wait3A_656, %dma_wait3A_657] : memref<5120x2x64xi32, #tpu.memory_space<hbm>> -> memref<1x2x64xi32, #tpu.memory_space<hbm>>
        %dma_wait3A_659 = tpu.memref_squeeze %dma_wait3A_658 : memref<1x2x64xi32, #tpu.memory_space<hbm>> -> memref<2x64xi32, #tpu.memory_space<hbm>>
        tpu.wait_dma2 semaphore(%arg14 : memref<!tpu.dma_semaphore, #tpu.memory_space<semaphore_mem>>) src(%dma_wait3A_659 : memref<2x64xi32, #tpu.memory_space<hbm>>) dst(%dma_wait3A_655 : memref<2x64xi32, #tpu.memory_space<vmem>>)
        %eq3A_660 = arith.constant 0 : i32
        %eq3A_661 = arith.cmpi eq, %arg0, %eq3A_660 : i32
        %convert_element_type3A_662 = arith.extui %eq3A_661 : i1 to i32
        %cond3A_663 = arith.constant 0 : i32
        %cond3A_664 = arith.cmpi ne, %convert_element_type3A_662, %cond3A_663 : i32
        scf.if %cond3A_664 {
          %dma_start3A_670 = arith.constant 0 : i32
          %dma_start3A_671 = arith.constant 0 : i32
          %dma_start3A_672 = arith.constant 0 : i32
          %dma_start3A_673 = tpu.memref_slice %arg7[%dma_start3A_670, %dma_start3A_671, %dma_start3A_672] : memref<10x2x64xi32, #tpu.memory_space<vmem>> -> memref<1x1x64xi32, #tpu.memory_space<vmem>>
          %dma_start3A_674 = tpu.memref_squeeze %dma_start3A_673 : memref<1x1x64xi32, #tpu.memory_space<vmem>> -> memref<64xi32, #tpu.memory_space<vmem>>
          %dma_start3A_675 = arith.constant 0 : i32
          %dma_start3A_676 = arith.constant 0 : i32
          %dma_start3A_677 = tpu.memref_slice %arg2[%dma_start3A_675, %dma_start3A_676] : memref<10000x128xf32, #tpu.memory_space<hbm>> -> memref<10000x128xf32, #tpu.memory_space<hbm>>
          tpu.enqueue_indirect_dma source(%dma_start3A_677 : memref<10000x128xf32, #tpu.memory_space<hbm>>) target(%arg8 : memref<64x128xf32, #tpu.memory_space<vmem>>) offsets(%dma_start3A_674 : memref<64xi32, #tpu.memory_space<vmem>>) semaphore(%arg24 : memref<!tpu.dma_semaphore, #tpu.memory_space<semaphore_mem>>)
        } else {
        }
        %ne3A_665 = arith.constant 0 : i32
        %ne3A_666 = arith.cmpi ne, %arg0, %ne3A_665 : i32
        %convert_element_type3A_667 = arith.extui %ne3A_666 : i1 to i32
        %cond3A_668 = arith.constant 0 : i32
        %cond3A_669 = arith.cmpi ne, %convert_element_type3A_667, %cond3A_668 : i32
        scf.if %cond3A_669 {
          %dma_start3A_670 = arith.constant 0 : i32
          %dma_start3A_671 = arith.constant 0 : i32
          %dma_start3A_672 = arith.constant 0 : i32
          %dma_start3A_673 = tpu.memref_slice %arg7[%dma_start3A_670, %dma_start3A_671, %dma_start3A_672] : memref<10x2x64xi32, #tpu.memory_space<vmem>> -> memref<1x1x64xi32, #tpu.memory_space<vmem>>
          %dma_start3A_674 = tpu.memref_squeeze %dma_start3A_673 : memref<1x1x64xi32, #tpu.memory_space<vmem>> -> memref<64xi32, #tpu.memory_space<vmem>>
          %dma_start3A_675 = arith.constant 0 : i32
          %dma_start3A_676 = arith.constant 0 : i32
          %dma_start3A_677 = tpu.memref_slice %arg3[%dma_start3A_675, %dma_start3A_676] : memref<10000x128xf32, #tpu.memory_space<hbm>> -> memref<10000x128xf32, #tpu.memory_space<hbm>>
          tpu.enqueue_indirect_dma source(%dma_start3A_677 : memref<10000x128xf32, #tpu.memory_space<hbm>>) target(%arg8 : memref<64x128xf32, #tpu.memory_space<vmem>>) offsets(%dma_start3A_674 : memref<64xi32, #tpu.memory_space<vmem>>) semaphore(%arg24 : memref<!tpu.dma_semaphore, #tpu.memory_space<semaphore_mem>>)
        } else {
        }
      } else {
      }
      %add3A_525 = arith.constant 6 : i32
      %add3A_526 = arith.addi %add3A_351, %add3A_525 : i32
      %add3A_527 = arith.addi %mul3A_0, %add3A_526 : i32
      %eq3A_528 = arith.constant 0 : i32
      %eq3A_529 = arith.cmpi eq, %arg0, %eq3A_528 : i32
      %convert_element_type3A_530 = arith.extui %eq3A_529 : i1 to i32
      %cond3A_531 = arith.constant 0 : i32
      %cond3A_532 = arith.cmpi ne, %convert_element_type3A_530, %cond3A_531 : i32
      scf.if %cond3A_532 {
        %dma_wait3A_641 = arith.constant 6 : i32
        %dma_wait3A_642 = arith.constant 0 : i32
        %dma_wait3A_643 = arith.constant 0 : i32
        %dma_wait3A_644 = tpu.memref_slice %arg7[%dma_wait3A_641, %dma_wait3A_642, %dma_wait3A_643] : memref<10x2x64xi32, #tpu.memory_space<vmem>> -> memref<1x1x64xi32, #tpu.memory_space<vmem>>
        %dma_wait3A_645 = tpu.memref_squeeze %dma_wait3A_644 : memref<1x1x64xi32, #tpu.memory_space<vmem>> -> memref<64xi32, #tpu.memory_space<vmem>>
        %dma_wait3A_646 = arith.constant 0 : i32
        %dma_wait3A_647 = arith.constant 0 : i32
        %dma_wait3A_648 = tpu.memref_slice %arg2[%dma_wait3A_646, %dma_wait3A_647] : memref<10000x128xf32, #tpu.memory_space<hbm>> -> memref<10000x128xf32, #tpu.memory_space<hbm>>
        tpu.wait_indirect_dma semaphore(%arg25 : memref<!tpu.dma_semaphore, #tpu.memory_space<semaphore_mem>>) src(%dma_wait3A_648 : memref<10000x128xf32, #tpu.memory_space<hbm>>) dst(%arg9 : memref<64x128xf32, #tpu.memory_space<vmem>>)
      } else {
      }
      %ne3A_533 = arith.constant 0 : i32
      %ne3A_534 = arith.cmpi ne, %arg0, %ne3A_533 : i32
      %convert_element_type3A_535 = arith.extui %ne3A_534 : i1 to i32
      %cond3A_536 = arith.constant 0 : i32
      %cond3A_537 = arith.cmpi ne, %convert_element_type3A_535, %cond3A_536 : i32
      scf.if %cond3A_537 {
        %dma_wait3A_641 = arith.constant 6 : i32
        %dma_wait3A_642 = arith.constant 0 : i32
        %dma_wait3A_643 = arith.constant 0 : i32
        %dma_wait3A_644 = tpu.memref_slice %arg7[%dma_wait3A_641, %dma_wait3A_642, %dma_wait3A_643] : memref<10x2x64xi32, #tpu.memory_space<vmem>> -> memref<1x1x64xi32, #tpu.memory_space<vmem>>
        %dma_wait3A_645 = tpu.memref_squeeze %dma_wait3A_644 : memref<1x1x64xi32, #tpu.memory_space<vmem>> -> memref<64xi32, #tpu.memory_space<vmem>>
        %dma_wait3A_646 = arith.constant 0 : i32
        %dma_wait3A_647 = arith.constant 0 : i32
        %dma_wait3A_648 = tpu.memref_slice %arg3[%dma_wait3A_646, %dma_wait3A_647] : memref<10000x128xf32, #tpu.memory_space<hbm>> -> memref<10000x128xf32, #tpu.memory_space<hbm>>
        tpu.wait_indirect_dma semaphore(%arg25 : memref<!tpu.dma_semaphore, #tpu.memory_space<semaphore_mem>>) src(%dma_wait3A_648 : memref<10000x128xf32, #tpu.memory_space<hbm>>) dst(%arg9 : memref<64x128xf32, #tpu.memory_space<vmem>>)
      } else {
      }
      %run_scoped3A_538 = arith.constant 6 : i32
      %run_scoped3A_539 = arith.constant 1 : i32
      "tpu.region"() ({
        %run_scoped3A_641 = tpu.sem_alloc : memref<!tpu.dma_semaphore, #tpu.memory_space<semaphore_mem>>
        %dma_start3A_642 = arith.constant 0 : i32
        %dma_start3A_643 = tpu.memref_slice %arg7[%run_scoped3A_538, %run_scoped3A_539, %dma_start3A_642] : memref<10x2x64xi32, #tpu.memory_space<vmem>> -> memref<1x1x64xi32, #tpu.memory_space<vmem>>
        %dma_start3A_644 = tpu.memref_squeeze %dma_start3A_643 : memref<1x1x64xi32, #tpu.memory_space<vmem>> -> memref<64xi32, #tpu.memory_space<vmem>>
        %dma_start3A_645 = arith.constant 0 : i32
        %dma_start3A_646 = arith.constant 0 : i32
        %dma_start3A_647 = tpu.memref_slice %arg13[%dma_start3A_645, %dma_start3A_646] : memref<10112x128xf32, #tpu.memory_space<vmem_shared>> -> memref<10112x128xf32, #tpu.memory_space<vmem_shared>>
        tpu.enqueue_indirect_dma source(%arg9 : memref<64x128xf32, #tpu.memory_space<vmem>>) target(%dma_start3A_647 : memref<10112x128xf32, #tpu.memory_space<vmem_shared>>) offsets(%dma_start3A_644 : memref<64xi32, #tpu.memory_space<vmem>>) semaphore(%run_scoped3A_641 : memref<!tpu.dma_semaphore, #tpu.memory_space<semaphore_mem>>) {add = true}
        %dma_wait3A_648 = arith.constant 0 : i32
        %dma_wait3A_649 = tpu.memref_slice %arg7[%run_scoped3A_538, %run_scoped3A_539, %dma_wait3A_648] : memref<10x2x64xi32, #tpu.memory_space<vmem>> -> memref<1x1x64xi32, #tpu.memory_space<vmem>>
        %dma_wait3A_650 = tpu.memref_squeeze %dma_wait3A_649 : memref<1x1x64xi32, #tpu.memory_space<vmem>> -> memref<64xi32, #tpu.memory_space<vmem>>
        %dma_wait3A_651 = arith.constant 0 : i32
        %dma_wait3A_652 = arith.constant 0 : i32
        %dma_wait3A_653 = tpu.memref_slice %arg13[%dma_wait3A_651, %dma_wait3A_652] : memref<10112x128xf32, #tpu.memory_space<vmem_shared>> -> memref<10112x128xf32, #tpu.memory_space<vmem_shared>>
        tpu.wait_indirect_dma semaphore(%run_scoped3A_641 : memref<!tpu.dma_semaphore, #tpu.memory_space<semaphore_mem>>) src(%arg9 : memref<64x128xf32, #tpu.memory_space<vmem>>) dst(%dma_wait3A_653 : memref<10112x128xf32, #tpu.memory_space<vmem_shared>>)
        tpu.yield
      }) : () -> ()
      %add3A_540 = arith.constant 10 : i32
      %add3A_541 = arith.addi %add3A_526, %add3A_540 : i32
      %lt3A_542 = arith.constant 320 : i32
      %lt3A_543 = arith.cmpi slt, %add3A_541, %lt3A_542 : i32
      %convert_element_type3A_544 = arith.extui %lt3A_543 : i1 to i32
      %cond3A_545 = arith.constant 0 : i32
      %cond3A_546 = arith.cmpi ne, %convert_element_type3A_544, %cond3A_545 : i32
      scf.if %cond3A_546 {
        %add3A_641 = arith.constant 10 : i32
        %add3A_642 = arith.addi %add3A_527, %add3A_641 : i32
        %dma_start3A_643 = arith.constant 6 : i32
        %dma_start3A_644 = arith.constant 0 : i32
        %dma_start3A_645 = arith.constant 0 : i32
        %dma_start3A_646 = tpu.memref_slice %arg7[%dma_start3A_643, %dma_start3A_644, %dma_start3A_645] : memref<10x2x64xi32, #tpu.memory_space<vmem>> -> memref<1x2x64xi32, #tpu.memory_space<vmem>>
        %dma_start3A_647 = tpu.memref_squeeze %dma_start3A_646 : memref<1x2x64xi32, #tpu.memory_space<vmem>> -> memref<2x64xi32, #tpu.memory_space<vmem>>
        %dma_start3A_648 = arith.constant 0 : i32
        %dma_start3A_649 = arith.constant 0 : i32
        %dma_start3A_650 = tpu.memref_slice %arg4[%add3A_642, %dma_start3A_648, %dma_start3A_649] : memref<5120x2x64xi32, #tpu.memory_space<hbm>> -> memref<1x2x64xi32, #tpu.memory_space<hbm>>
        %dma_start3A_651 = tpu.memref_squeeze %dma_start3A_650 : memref<1x2x64xi32, #tpu.memory_space<hbm>> -> memref<2x64xi32, #tpu.memory_space<hbm>>
        %dma_start3A_652 = arith.constant 0 : i32
        %dma_start3A_653 = arith.constant 0 : i32
        %dma_start3A_654 = tpu.memref_slice %arg7[%dma_start3A_643, %dma_start3A_652, %dma_start3A_653] : memref<10x2x64xi32, #tpu.memory_space<vmem>> -> memref<1x2x64xi32, #tpu.memory_space<vmem>>
        %dma_start3A_655 = tpu.memref_squeeze %dma_start3A_654 : memref<1x2x64xi32, #tpu.memory_space<vmem>> -> memref<2x64xi32, #tpu.memory_space<vmem>>
        %dma_start3A_656 = arith.constant 0 : i32
        %dma_start3A_657 = arith.constant 0 : i32
        %dma_start3A_658 = tpu.memref_slice %arg4[%add3A_642, %dma_start3A_656, %dma_start3A_657] : memref<5120x2x64xi32, #tpu.memory_space<hbm>> -> memref<1x2x64xi32, #tpu.memory_space<hbm>>
        %dma_start3A_659 = tpu.memref_squeeze %dma_start3A_658 : memref<1x2x64xi32, #tpu.memory_space<hbm>> -> memref<2x64xi32, #tpu.memory_space<hbm>>
        tpu.enqueue_dma source(%dma_start3A_659 : memref<2x64xi32, #tpu.memory_space<hbm>>) target(%dma_start3A_655 : memref<2x64xi32, #tpu.memory_space<vmem>>) target_semaphore(%arg20 : memref<!tpu.dma_semaphore, #tpu.memory_space<semaphore_mem>>)
      } else {
      }
      %add3A_547 = arith.constant 5 : i32
      %add3A_548 = arith.addi %add3A_526, %add3A_547 : i32
      %lt3A_549 = arith.constant 320 : i32
      %lt3A_550 = arith.cmpi slt, %add3A_548, %lt3A_549 : i32
      %convert_element_type3A_551 = arith.extui %lt3A_550 : i1 to i32
      %cond3A_552 = arith.constant 0 : i32
      %cond3A_553 = arith.cmpi ne, %convert_element_type3A_551, %cond3A_552 : i32
      scf.if %cond3A_553 {
        %add3A_641 = arith.constant 5 : i32
        %add3A_642 = arith.addi %add3A_527, %add3A_641 : i32
        %dma_wait3A_643 = arith.constant 1 : i32
        %dma_wait3A_644 = arith.constant 0 : i32
        %dma_wait3A_645 = arith.constant 0 : i32
        %dma_wait3A_646 = tpu.memref_slice %arg7[%dma_wait3A_643, %dma_wait3A_644, %dma_wait3A_645] : memref<10x2x64xi32, #tpu.memory_space<vmem>> -> memref<1x2x64xi32, #tpu.memory_space<vmem>>
        %dma_wait3A_647 = tpu.memref_squeeze %dma_wait3A_646 : memref<1x2x64xi32, #tpu.memory_space<vmem>> -> memref<2x64xi32, #tpu.memory_space<vmem>>
        %dma_wait3A_648 = arith.constant 0 : i32
        %dma_wait3A_649 = arith.constant 0 : i32
        %dma_wait3A_650 = tpu.memref_slice %arg4[%add3A_642, %dma_wait3A_648, %dma_wait3A_649] : memref<5120x2x64xi32, #tpu.memory_space<hbm>> -> memref<1x2x64xi32, #tpu.memory_space<hbm>>
        %dma_wait3A_651 = tpu.memref_squeeze %dma_wait3A_650 : memref<1x2x64xi32, #tpu.memory_space<hbm>> -> memref<2x64xi32, #tpu.memory_space<hbm>>
        %dma_wait3A_652 = arith.constant 0 : i32
        %dma_wait3A_653 = arith.constant 0 : i32
        %dma_wait3A_654 = tpu.memref_slice %arg7[%dma_wait3A_643, %dma_wait3A_652, %dma_wait3A_653] : memref<10x2x64xi32, #tpu.memory_space<vmem>> -> memref<1x2x64xi32, #tpu.memory_space<vmem>>
        %dma_wait3A_655 = tpu.memref_squeeze %dma_wait3A_654 : memref<1x2x64xi32, #tpu.memory_space<vmem>> -> memref<2x64xi32, #tpu.memory_space<vmem>>
        %dma_wait3A_656 = arith.constant 0 : i32
        %dma_wait3A_657 = arith.constant 0 : i32
        %dma_wait3A_658 = tpu.memref_slice %arg4[%add3A_642, %dma_wait3A_656, %dma_wait3A_657] : memref<5120x2x64xi32, #tpu.memory_space<hbm>> -> memref<1x2x64xi32, #tpu.memory_space<hbm>>
        %dma_wait3A_659 = tpu.memref_squeeze %dma_wait3A_658 : memref<1x2x64xi32, #tpu.memory_space<hbm>> -> memref<2x64xi32, #tpu.memory_space<hbm>>
        tpu.wait_dma2 semaphore(%arg15 : memref<!tpu.dma_semaphore, #tpu.memory_space<semaphore_mem>>) src(%dma_wait3A_659 : memref<2x64xi32, #tpu.memory_space<hbm>>) dst(%dma_wait3A_655 : memref<2x64xi32, #tpu.memory_space<vmem>>)
        %eq3A_660 = arith.constant 0 : i32
        %eq3A_661 = arith.cmpi eq, %arg0, %eq3A_660 : i32
        %convert_element_type3A_662 = arith.extui %eq3A_661 : i1 to i32
        %cond3A_663 = arith.constant 0 : i32
        %cond3A_664 = arith.cmpi ne, %convert_element_type3A_662, %cond3A_663 : i32
        scf.if %cond3A_664 {
          %dma_start3A_670 = arith.constant 1 : i32
          %dma_start3A_671 = arith.constant 0 : i32
          %dma_start3A_672 = arith.constant 0 : i32
          %dma_start3A_673 = tpu.memref_slice %arg7[%dma_start3A_670, %dma_start3A_671, %dma_start3A_672] : memref<10x2x64xi32, #tpu.memory_space<vmem>> -> memref<1x1x64xi32, #tpu.memory_space<vmem>>
          %dma_start3A_674 = tpu.memref_squeeze %dma_start3A_673 : memref<1x1x64xi32, #tpu.memory_space<vmem>> -> memref<64xi32, #tpu.memory_space<vmem>>
          %dma_start3A_675 = arith.constant 0 : i32
          %dma_start3A_676 = arith.constant 0 : i32
          %dma_start3A_677 = tpu.memref_slice %arg2[%dma_start3A_675, %dma_start3A_676] : memref<10000x128xf32, #tpu.memory_space<hbm>> -> memref<10000x128xf32, #tpu.memory_space<hbm>>
          tpu.enqueue_indirect_dma source(%dma_start3A_677 : memref<10000x128xf32, #tpu.memory_space<hbm>>) target(%arg9 : memref<64x128xf32, #tpu.memory_space<vmem>>) offsets(%dma_start3A_674 : memref<64xi32, #tpu.memory_space<vmem>>) semaphore(%arg25 : memref<!tpu.dma_semaphore, #tpu.memory_space<semaphore_mem>>)
        } else {
        }
        %ne3A_665 = arith.constant 0 : i32
        %ne3A_666 = arith.cmpi ne, %arg0, %ne3A_665 : i32
        %convert_element_type3A_667 = arith.extui %ne3A_666 : i1 to i32
        %cond3A_668 = arith.constant 0 : i32
        %cond3A_669 = arith.cmpi ne, %convert_element_type3A_667, %cond3A_668 : i32
        scf.if %cond3A_669 {
          %dma_start3A_670 = arith.constant 1 : i32
          %dma_start3A_671 = arith.constant 0 : i32
          %dma_start3A_672 = arith.constant 0 : i32
          %dma_start3A_673 = tpu.memref_slice %arg7[%dma_start3A_670, %dma_start3A_671, %dma_start3A_672] : memref<10x2x64xi32, #tpu.memory_space<vmem>> -> memref<1x1x64xi32, #tpu.memory_space<vmem>>
          %dma_start3A_674 = tpu.memref_squeeze %dma_start3A_673 : memref<1x1x64xi32, #tpu.memory_space<vmem>> -> memref<64xi32, #tpu.memory_space<vmem>>
          %dma_start3A_675 = arith.constant 0 : i32
          %dma_start3A_676 = arith.constant 0 : i32
          %dma_start3A_677 = tpu.memref_slice %arg3[%dma_start3A_675, %dma_start3A_676] : memref<10000x128xf32, #tpu.memory_space<hbm>> -> memref<10000x128xf32, #tpu.memory_space<hbm>>
          tpu.enqueue_indirect_dma source(%dma_start3A_677 : memref<10000x128xf32, #tpu.memory_space<hbm>>) target(%arg9 : memref<64x128xf32, #tpu.memory_space<vmem>>) offsets(%dma_start3A_674 : memref<64xi32, #tpu.memory_space<vmem>>) semaphore(%arg25 : memref<!tpu.dma_semaphore, #tpu.memory_space<semaphore_mem>>)
        } else {
        }
      } else {
      }
      %add3A_554 = arith.constant 7 : i32
      %add3A_555 = arith.addi %add3A_351, %add3A_554 : i32
      %add3A_556 = arith.addi %mul3A_0, %add3A_555 : i32
      %eq3A_557 = arith.constant 0 : i32
      %eq3A_558 = arith.cmpi eq, %arg0, %eq3A_557 : i32
      %convert_element_type3A_559 = arith.extui %eq3A_558 : i1 to i32
      %cond3A_560 = arith.constant 0 : i32
      %cond3A_561 = arith.cmpi ne, %convert_element_type3A_559, %cond3A_560 : i32
      scf.if %cond3A_561 {
        %dma_wait3A_641 = arith.constant 7 : i32
        %dma_wait3A_642 = arith.constant 0 : i32
        %dma_wait3A_643 = arith.constant 0 : i32
        %dma_wait3A_644 = tpu.memref_slice %arg7[%dma_wait3A_641, %dma_wait3A_642, %dma_wait3A_643] : memref<10x2x64xi32, #tpu.memory_space<vmem>> -> memref<1x1x64xi32, #tpu.memory_space<vmem>>
        %dma_wait3A_645 = tpu.memref_squeeze %dma_wait3A_644 : memref<1x1x64xi32, #tpu.memory_space<vmem>> -> memref<64xi32, #tpu.memory_space<vmem>>
        %dma_wait3A_646 = arith.constant 0 : i32
        %dma_wait3A_647 = arith.constant 0 : i32
        %dma_wait3A_648 = tpu.memref_slice %arg2[%dma_wait3A_646, %dma_wait3A_647] : memref<10000x128xf32, #tpu.memory_space<hbm>> -> memref<10000x128xf32, #tpu.memory_space<hbm>>
        tpu.wait_indirect_dma semaphore(%arg26 : memref<!tpu.dma_semaphore, #tpu.memory_space<semaphore_mem>>) src(%dma_wait3A_648 : memref<10000x128xf32, #tpu.memory_space<hbm>>) dst(%arg10 : memref<64x128xf32, #tpu.memory_space<vmem>>)
      } else {
      }
      %ne3A_562 = arith.constant 0 : i32
      %ne3A_563 = arith.cmpi ne, %arg0, %ne3A_562 : i32
      %convert_element_type3A_564 = arith.extui %ne3A_563 : i1 to i32
      %cond3A_565 = arith.constant 0 : i32
      %cond3A_566 = arith.cmpi ne, %convert_element_type3A_564, %cond3A_565 : i32
      scf.if %cond3A_566 {
        %dma_wait3A_641 = arith.constant 7 : i32
        %dma_wait3A_642 = arith.constant 0 : i32
        %dma_wait3A_643 = arith.constant 0 : i32
        %dma_wait3A_644 = tpu.memref_slice %arg7[%dma_wait3A_641, %dma_wait3A_642, %dma_wait3A_643] : memref<10x2x64xi32, #tpu.memory_space<vmem>> -> memref<1x1x64xi32, #tpu.memory_space<vmem>>
        %dma_wait3A_645 = tpu.memref_squeeze %dma_wait3A_644 : memref<1x1x64xi32, #tpu.memory_space<vmem>> -> memref<64xi32, #tpu.memory_space<vmem>>
        %dma_wait3A_646 = arith.constant 0 : i32
        %dma_wait3A_647 = arith.constant 0 : i32
        %dma_wait3A_648 = tpu.memref_slice %arg3[%dma_wait3A_646, %dma_wait3A_647] : memref<10000x128xf32, #tpu.memory_space<hbm>> -> memref<10000x128xf32, #tpu.memory_space<hbm>>
        tpu.wait_indirect_dma semaphore(%arg26 : memref<!tpu.dma_semaphore, #tpu.memory_space<semaphore_mem>>) src(%dma_wait3A_648 : memref<10000x128xf32, #tpu.memory_space<hbm>>) dst(%arg10 : memref<64x128xf32, #tpu.memory_space<vmem>>)
      } else {
      }
      %run_scoped3A_567 = arith.constant 7 : i32
      %run_scoped3A_568 = arith.constant 1 : i32
      "tpu.region"() ({
        %run_scoped3A_641 = tpu.sem_alloc : memref<!tpu.dma_semaphore, #tpu.memory_space<semaphore_mem>>
        %dma_start3A_642 = arith.constant 0 : i32
        %dma_start3A_643 = tpu.memref_slice %arg7[%run_scoped3A_567, %run_scoped3A_568, %dma_start3A_642] : memref<10x2x64xi32, #tpu.memory_space<vmem>> -> memref<1x1x64xi32, #tpu.memory_space<vmem>>
        %dma_start3A_644 = tpu.memref_squeeze %dma_start3A_643 : memref<1x1x64xi32, #tpu.memory_space<vmem>> -> memref<64xi32, #tpu.memory_space<vmem>>
        %dma_start3A_645 = arith.constant 0 : i32
        %dma_start3A_646 = arith.constant 0 : i32
        %dma_start3A_647 = tpu.memref_slice %arg13[%dma_start3A_645, %dma_start3A_646] : memref<10112x128xf32, #tpu.memory_space<vmem_shared>> -> memref<10112x128xf32, #tpu.memory_space<vmem_shared>>
        tpu.enqueue_indirect_dma source(%arg10 : memref<64x128xf32, #tpu.memory_space<vmem>>) target(%dma_start3A_647 : memref<10112x128xf32, #tpu.memory_space<vmem_shared>>) offsets(%dma_start3A_644 : memref<64xi32, #tpu.memory_space<vmem>>) semaphore(%run_scoped3A_641 : memref<!tpu.dma_semaphore, #tpu.memory_space<semaphore_mem>>) {add = true}
        %dma_wait3A_648 = arith.constant 0 : i32
        %dma_wait3A_649 = tpu.memref_slice %arg7[%run_scoped3A_567, %run_scoped3A_568, %dma_wait3A_648] : memref<10x2x64xi32, #tpu.memory_space<vmem>> -> memref<1x1x64xi32, #tpu.memory_space<vmem>>
        %dma_wait3A_650 = tpu.memref_squeeze %dma_wait3A_649 : memref<1x1x64xi32, #tpu.memory_space<vmem>> -> memref<64xi32, #tpu.memory_space<vmem>>
        %dma_wait3A_651 = arith.constant 0 : i32
        %dma_wait3A_652 = arith.constant 0 : i32
        %dma_wait3A_653 = tpu.memref_slice %arg13[%dma_wait3A_651, %dma_wait3A_652] : memref<10112x128xf32, #tpu.memory_space<vmem_shared>> -> memref<10112x128xf32, #tpu.memory_space<vmem_shared>>
        tpu.wait_indirect_dma semaphore(%run_scoped3A_641 : memref<!tpu.dma_semaphore, #tpu.memory_space<semaphore_mem>>) src(%arg10 : memref<64x128xf32, #tpu.memory_space<vmem>>) dst(%dma_wait3A_653 : memref<10112x128xf32, #tpu.memory_space<vmem_shared>>)
        tpu.yield
      }) : () -> ()
      %add3A_569 = arith.constant 10 : i32
      %add3A_570 = arith.addi %add3A_555, %add3A_569 : i32
      %lt3A_571 = arith.constant 320 : i32
      %lt3A_572 = arith.cmpi slt, %add3A_570, %lt3A_571 : i32
      %convert_element_type3A_573 = arith.extui %lt3A_572 : i1 to i32
      %cond3A_574 = arith.constant 0 : i32
      %cond3A_575 = arith.cmpi ne, %convert_element_type3A_573, %cond3A_574 : i32
      scf.if %cond3A_575 {
        %add3A_641 = arith.constant 10 : i32
        %add3A_642 = arith.addi %add3A_556, %add3A_641 : i32
        %dma_start3A_643 = arith.constant 7 : i32
        %dma_start3A_644 = arith.constant 0 : i32
        %dma_start3A_645 = arith.constant 0 : i32
        %dma_start3A_646 = tpu.memref_slice %arg7[%dma_start3A_643, %dma_start3A_644, %dma_start3A_645] : memref<10x2x64xi32, #tpu.memory_space<vmem>> -> memref<1x2x64xi32, #tpu.memory_space<vmem>>
        %dma_start3A_647 = tpu.memref_squeeze %dma_start3A_646 : memref<1x2x64xi32, #tpu.memory_space<vmem>> -> memref<2x64xi32, #tpu.memory_space<vmem>>
        %dma_start3A_648 = arith.constant 0 : i32
        %dma_start3A_649 = arith.constant 0 : i32
        %dma_start3A_650 = tpu.memref_slice %arg4[%add3A_642, %dma_start3A_648, %dma_start3A_649] : memref<5120x2x64xi32, #tpu.memory_space<hbm>> -> memref<1x2x64xi32, #tpu.memory_space<hbm>>
        %dma_start3A_651 = tpu.memref_squeeze %dma_start3A_650 : memref<1x2x64xi32, #tpu.memory_space<hbm>> -> memref<2x64xi32, #tpu.memory_space<hbm>>
        %dma_start3A_652 = arith.constant 0 : i32
        %dma_start3A_653 = arith.constant 0 : i32
        %dma_start3A_654 = tpu.memref_slice %arg7[%dma_start3A_643, %dma_start3A_652, %dma_start3A_653] : memref<10x2x64xi32, #tpu.memory_space<vmem>> -> memref<1x2x64xi32, #tpu.memory_space<vmem>>
        %dma_start3A_655 = tpu.memref_squeeze %dma_start3A_654 : memref<1x2x64xi32, #tpu.memory_space<vmem>> -> memref<2x64xi32, #tpu.memory_space<vmem>>
        %dma_start3A_656 = arith.constant 0 : i32
        %dma_start3A_657 = arith.constant 0 : i32
        %dma_start3A_658 = tpu.memref_slice %arg4[%add3A_642, %dma_start3A_656, %dma_start3A_657] : memref<5120x2x64xi32, #tpu.memory_space<hbm>> -> memref<1x2x64xi32, #tpu.memory_space<hbm>>
        %dma_start3A_659 = tpu.memref_squeeze %dma_start3A_658 : memref<1x2x64xi32, #tpu.memory_space<hbm>> -> memref<2x64xi32, #tpu.memory_space<hbm>>
        tpu.enqueue_dma source(%dma_start3A_659 : memref<2x64xi32, #tpu.memory_space<hbm>>) target(%dma_start3A_655 : memref<2x64xi32, #tpu.memory_space<vmem>>) target_semaphore(%arg21 : memref<!tpu.dma_semaphore, #tpu.memory_space<semaphore_mem>>)
      } else {
      }
      %add3A_576 = arith.constant 5 : i32
      %add3A_577 = arith.addi %add3A_555, %add3A_576 : i32
      %lt3A_578 = arith.constant 320 : i32
      %lt3A_579 = arith.cmpi slt, %add3A_577, %lt3A_578 : i32
      %convert_element_type3A_580 = arith.extui %lt3A_579 : i1 to i32
      %cond3A_581 = arith.constant 0 : i32
      %cond3A_582 = arith.cmpi ne, %convert_element_type3A_580, %cond3A_581 : i32
      scf.if %cond3A_582 {
        %add3A_641 = arith.constant 5 : i32
        %add3A_642 = arith.addi %add3A_556, %add3A_641 : i32
        %dma_wait3A_643 = arith.constant 2 : i32
        %dma_wait3A_644 = arith.constant 0 : i32
        %dma_wait3A_645 = arith.constant 0 : i32
        %dma_wait3A_646 = tpu.memref_slice %arg7[%dma_wait3A_643, %dma_wait3A_644, %dma_wait3A_645] : memref<10x2x64xi32, #tpu.memory_space<vmem>> -> memref<1x2x64xi32, #tpu.memory_space<vmem>>
        %dma_wait3A_647 = tpu.memref_squeeze %dma_wait3A_646 : memref<1x2x64xi32, #tpu.memory_space<vmem>> -> memref<2x64xi32, #tpu.memory_space<vmem>>
        %dma_wait3A_648 = arith.constant 0 : i32
        %dma_wait3A_649 = arith.constant 0 : i32
        %dma_wait3A_650 = tpu.memref_slice %arg4[%add3A_642, %dma_wait3A_648, %dma_wait3A_649] : memref<5120x2x64xi32, #tpu.memory_space<hbm>> -> memref<1x2x64xi32, #tpu.memory_space<hbm>>
        %dma_wait3A_651 = tpu.memref_squeeze %dma_wait3A_650 : memref<1x2x64xi32, #tpu.memory_space<hbm>> -> memref<2x64xi32, #tpu.memory_space<hbm>>
        %dma_wait3A_652 = arith.constant 0 : i32
        %dma_wait3A_653 = arith.constant 0 : i32
        %dma_wait3A_654 = tpu.memref_slice %arg7[%dma_wait3A_643, %dma_wait3A_652, %dma_wait3A_653] : memref<10x2x64xi32, #tpu.memory_space<vmem>> -> memref<1x2x64xi32, #tpu.memory_space<vmem>>
        %dma_wait3A_655 = tpu.memref_squeeze %dma_wait3A_654 : memref<1x2x64xi32, #tpu.memory_space<vmem>> -> memref<2x64xi32, #tpu.memory_space<vmem>>
        %dma_wait3A_656 = arith.constant 0 : i32
        %dma_wait3A_657 = arith.constant 0 : i32
        %dma_wait3A_658 = tpu.memref_slice %arg4[%add3A_642, %dma_wait3A_656, %dma_wait3A_657] : memref<5120x2x64xi32, #tpu.memory_space<hbm>> -> memref<1x2x64xi32, #tpu.memory_space<hbm>>
        %dma_wait3A_659 = tpu.memref_squeeze %dma_wait3A_658 : memref<1x2x64xi32, #tpu.memory_space<hbm>> -> memref<2x64xi32, #tpu.memory_space<hbm>>
        tpu.wait_dma2 semaphore(%arg16 : memref<!tpu.dma_semaphore, #tpu.memory_space<semaphore_mem>>) src(%dma_wait3A_659 : memref<2x64xi32, #tpu.memory_space<hbm>>) dst(%dma_wait3A_655 : memref<2x64xi32, #tpu.memory_space<vmem>>)
        %eq3A_660 = arith.constant 0 : i32
        %eq3A_661 = arith.cmpi eq, %arg0, %eq3A_660 : i32
        %convert_element_type3A_662 = arith.extui %eq3A_661 : i1 to i32
        %cond3A_663 = arith.constant 0 : i32
        %cond3A_664 = arith.cmpi ne, %convert_element_type3A_662, %cond3A_663 : i32
        scf.if %cond3A_664 {
          %dma_start3A_670 = arith.constant 2 : i32
          %dma_start3A_671 = arith.constant 0 : i32
          %dma_start3A_672 = arith.constant 0 : i32
          %dma_start3A_673 = tpu.memref_slice %arg7[%dma_start3A_670, %dma_start3A_671, %dma_start3A_672] : memref<10x2x64xi32, #tpu.memory_space<vmem>> -> memref<1x1x64xi32, #tpu.memory_space<vmem>>
          %dma_start3A_674 = tpu.memref_squeeze %dma_start3A_673 : memref<1x1x64xi32, #tpu.memory_space<vmem>> -> memref<64xi32, #tpu.memory_space<vmem>>
          %dma_start3A_675 = arith.constant 0 : i32
          %dma_start3A_676 = arith.constant 0 : i32
          %dma_start3A_677 = tpu.memref_slice %arg2[%dma_start3A_675, %dma_start3A_676] : memref<10000x128xf32, #tpu.memory_space<hbm>> -> memref<10000x128xf32, #tpu.memory_space<hbm>>
          tpu.enqueue_indirect_dma source(%dma_start3A_677 : memref<10000x128xf32, #tpu.memory_space<hbm>>) target(%arg10 : memref<64x128xf32, #tpu.memory_space<vmem>>) offsets(%dma_start3A_674 : memref<64xi32, #tpu.memory_space<vmem>>) semaphore(%arg26 : memref<!tpu.dma_semaphore, #tpu.memory_space<semaphore_mem>>)
        } else {
        }
        %ne3A_665 = arith.constant 0 : i32
        %ne3A_666 = arith.cmpi ne, %arg0, %ne3A_665 : i32
        %convert_element_type3A_667 = arith.extui %ne3A_666 : i1 to i32
        %cond3A_668 = arith.constant 0 : i32
        %cond3A_669 = arith.cmpi ne, %convert_element_type3A_667, %cond3A_668 : i32
        scf.if %cond3A_669 {
          %dma_start3A_670 = arith.constant 2 : i32
          %dma_start3A_671 = arith.constant 0 : i32
          %dma_start3A_672 = arith.constant 0 : i32
          %dma_start3A_673 = tpu.memref_slice %arg7[%dma_start3A_670, %dma_start3A_671, %dma_start3A_672] : memref<10x2x64xi32, #tpu.memory_space<vmem>> -> memref<1x1x64xi32, #tpu.memory_space<vmem>>
          %dma_start3A_674 = tpu.memref_squeeze %dma_start3A_673 : memref<1x1x64xi32, #tpu.memory_space<vmem>> -> memref<64xi32, #tpu.memory_space<vmem>>
          %dma_start3A_675 = arith.constant 0 : i32
          %dma_start3A_676 = arith.constant 0 : i32
          %dma_start3A_677 = tpu.memref_slice %arg3[%dma_start3A_675, %dma_start3A_676] : memref<10000x128xf32, #tpu.memory_space<hbm>> -> memref<10000x128xf32, #tpu.memory_space<hbm>>
          tpu.enqueue_indirect_dma source(%dma_start3A_677 : memref<10000x128xf32, #tpu.memory_space<hbm>>) target(%arg10 : memref<64x128xf32, #tpu.memory_space<vmem>>) offsets(%dma_start3A_674 : memref<64xi32, #tpu.memory_space<vmem>>) semaphore(%arg26 : memref<!tpu.dma_semaphore, #tpu.memory_space<semaphore_mem>>)
        } else {
        }
      } else {
      }
      %add3A_583 = arith.constant 8 : i32
      %add3A_584 = arith.addi %add3A_351, %add3A_583 : i32
      %add3A_585 = arith.addi %mul3A_0, %add3A_584 : i32
      %eq3A_586 = arith.constant 0 : i32
      %eq3A_587 = arith.cmpi eq, %arg0, %eq3A_586 : i32
      %convert_element_type3A_588 = arith.extui %eq3A_587 : i1 to i32
      %cond3A_589 = arith.constant 0 : i32
      %cond3A_590 = arith.cmpi ne, %convert_element_type3A_588, %cond3A_589 : i32
      scf.if %cond3A_590 {
        %dma_wait3A_641 = arith.constant 8 : i32
        %dma_wait3A_642 = arith.constant 0 : i32
        %dma_wait3A_643 = arith.constant 0 : i32
        %dma_wait3A_644 = tpu.memref_slice %arg7[%dma_wait3A_641, %dma_wait3A_642, %dma_wait3A_643] : memref<10x2x64xi32, #tpu.memory_space<vmem>> -> memref<1x1x64xi32, #tpu.memory_space<vmem>>
        %dma_wait3A_645 = tpu.memref_squeeze %dma_wait3A_644 : memref<1x1x64xi32, #tpu.memory_space<vmem>> -> memref<64xi32, #tpu.memory_space<vmem>>
        %dma_wait3A_646 = arith.constant 0 : i32
        %dma_wait3A_647 = arith.constant 0 : i32
        %dma_wait3A_648 = tpu.memref_slice %arg2[%dma_wait3A_646, %dma_wait3A_647] : memref<10000x128xf32, #tpu.memory_space<hbm>> -> memref<10000x128xf32, #tpu.memory_space<hbm>>
        tpu.wait_indirect_dma semaphore(%arg27 : memref<!tpu.dma_semaphore, #tpu.memory_space<semaphore_mem>>) src(%dma_wait3A_648 : memref<10000x128xf32, #tpu.memory_space<hbm>>) dst(%arg11 : memref<64x128xf32, #tpu.memory_space<vmem>>)
      } else {
      }
      %ne3A_591 = arith.constant 0 : i32
      %ne3A_592 = arith.cmpi ne, %arg0, %ne3A_591 : i32
      %convert_element_type3A_593 = arith.extui %ne3A_592 : i1 to i32
      %cond3A_594 = arith.constant 0 : i32
      %cond3A_595 = arith.cmpi ne, %convert_element_type3A_593, %cond3A_594 : i32
      scf.if %cond3A_595 {
        %dma_wait3A_641 = arith.constant 8 : i32
        %dma_wait3A_642 = arith.constant 0 : i32
        %dma_wait3A_643 = arith.constant 0 : i32
        %dma_wait3A_644 = tpu.memref_slice %arg7[%dma_wait3A_641, %dma_wait3A_642, %dma_wait3A_643] : memref<10x2x64xi32, #tpu.memory_space<vmem>> -> memref<1x1x64xi32, #tpu.memory_space<vmem>>
        %dma_wait3A_645 = tpu.memref_squeeze %dma_wait3A_644 : memref<1x1x64xi32, #tpu.memory_space<vmem>> -> memref<64xi32, #tpu.memory_space<vmem>>
        %dma_wait3A_646 = arith.constant 0 : i32
        %dma_wait3A_647 = arith.constant 0 : i32
        %dma_wait3A_648 = tpu.memref_slice %arg3[%dma_wait3A_646, %dma_wait3A_647] : memref<10000x128xf32, #tpu.memory_space<hbm>> -> memref<10000x128xf32, #tpu.memory_space<hbm>>
        tpu.wait_indirect_dma semaphore(%arg27 : memref<!tpu.dma_semaphore, #tpu.memory_space<semaphore_mem>>) src(%dma_wait3A_648 : memref<10000x128xf32, #tpu.memory_space<hbm>>) dst(%arg11 : memref<64x128xf32, #tpu.memory_space<vmem>>)
      } else {
      }
      %run_scoped3A_596 = arith.constant 8 : i32
      %run_scoped3A_597 = arith.constant 1 : i32
      "tpu.region"() ({
        %run_scoped3A_641 = tpu.sem_alloc : memref<!tpu.dma_semaphore, #tpu.memory_space<semaphore_mem>>
        %dma_start3A_642 = arith.constant 0 : i32
        %dma_start3A_643 = tpu.memref_slice %arg7[%run_scoped3A_596, %run_scoped3A_597, %dma_start3A_642] : memref<10x2x64xi32, #tpu.memory_space<vmem>> -> memref<1x1x64xi32, #tpu.memory_space<vmem>>
        %dma_start3A_644 = tpu.memref_squeeze %dma_start3A_643 : memref<1x1x64xi32, #tpu.memory_space<vmem>> -> memref<64xi32, #tpu.memory_space<vmem>>
        %dma_start3A_645 = arith.constant 0 : i32
        %dma_start3A_646 = arith.constant 0 : i32
        %dma_start3A_647 = tpu.memref_slice %arg13[%dma_start3A_645, %dma_start3A_646] : memref<10112x128xf32, #tpu.memory_space<vmem_shared>> -> memref<10112x128xf32, #tpu.memory_space<vmem_shared>>
        tpu.enqueue_indirect_dma source(%arg11 : memref<64x128xf32, #tpu.memory_space<vmem>>) target(%dma_start3A_647 : memref<10112x128xf32, #tpu.memory_space<vmem_shared>>) offsets(%dma_start3A_644 : memref<64xi32, #tpu.memory_space<vmem>>) semaphore(%run_scoped3A_641 : memref<!tpu.dma_semaphore, #tpu.memory_space<semaphore_mem>>) {add = true}
        %dma_wait3A_648 = arith.constant 0 : i32
        %dma_wait3A_649 = tpu.memref_slice %arg7[%run_scoped3A_596, %run_scoped3A_597, %dma_wait3A_648] : memref<10x2x64xi32, #tpu.memory_space<vmem>> -> memref<1x1x64xi32, #tpu.memory_space<vmem>>
        %dma_wait3A_650 = tpu.memref_squeeze %dma_wait3A_649 : memref<1x1x64xi32, #tpu.memory_space<vmem>> -> memref<64xi32, #tpu.memory_space<vmem>>
        %dma_wait3A_651 = arith.constant 0 : i32
        %dma_wait3A_652 = arith.constant 0 : i32
        %dma_wait3A_653 = tpu.memref_slice %arg13[%dma_wait3A_651, %dma_wait3A_652] : memref<10112x128xf32, #tpu.memory_space<vmem_shared>> -> memref<10112x128xf32, #tpu.memory_space<vmem_shared>>
        tpu.wait_indirect_dma semaphore(%run_scoped3A_641 : memref<!tpu.dma_semaphore, #tpu.memory_space<semaphore_mem>>) src(%arg11 : memref<64x128xf32, #tpu.memory_space<vmem>>) dst(%dma_wait3A_653 : memref<10112x128xf32, #tpu.memory_space<vmem_shared>>)
        tpu.yield
      }) : () -> ()
      %add3A_598 = arith.constant 10 : i32
      %add3A_599 = arith.addi %add3A_584, %add3A_598 : i32
      %lt3A_600 = arith.constant 320 : i32
      %lt3A_601 = arith.cmpi slt, %add3A_599, %lt3A_600 : i32
      %convert_element_type3A_602 = arith.extui %lt3A_601 : i1 to i32
      %cond3A_603 = arith.constant 0 : i32
      %cond3A_604 = arith.cmpi ne, %convert_element_type3A_602, %cond3A_603 : i32
      scf.if %cond3A_604 {
        %add3A_641 = arith.constant 10 : i32
        %add3A_642 = arith.addi %add3A_585, %add3A_641 : i32
        %dma_start3A_643 = arith.constant 8 : i32
        %dma_start3A_644 = arith.constant 0 : i32
        %dma_start3A_645 = arith.constant 0 : i32
        %dma_start3A_646 = tpu.memref_slice %arg7[%dma_start3A_643, %dma_start3A_644, %dma_start3A_645] : memref<10x2x64xi32, #tpu.memory_space<vmem>> -> memref<1x2x64xi32, #tpu.memory_space<vmem>>
        %dma_start3A_647 = tpu.memref_squeeze %dma_start3A_646 : memref<1x2x64xi32, #tpu.memory_space<vmem>> -> memref<2x64xi32, #tpu.memory_space<vmem>>
        %dma_start3A_648 = arith.constant 0 : i32
        %dma_start3A_649 = arith.constant 0 : i32
        %dma_start3A_650 = tpu.memref_slice %arg4[%add3A_642, %dma_start3A_648, %dma_start3A_649] : memref<5120x2x64xi32, #tpu.memory_space<hbm>> -> memref<1x2x64xi32, #tpu.memory_space<hbm>>
        %dma_start3A_651 = tpu.memref_squeeze %dma_start3A_650 : memref<1x2x64xi32, #tpu.memory_space<hbm>> -> memref<2x64xi32, #tpu.memory_space<hbm>>
        %dma_start3A_652 = arith.constant 0 : i32
        %dma_start3A_653 = arith.constant 0 : i32
        %dma_start3A_654 = tpu.memref_slice %arg7[%dma_start3A_643, %dma_start3A_652, %dma_start3A_653] : memref<10x2x64xi32, #tpu.memory_space<vmem>> -> memref<1x2x64xi32, #tpu.memory_space<vmem>>
        %dma_start3A_655 = tpu.memref_squeeze %dma_start3A_654 : memref<1x2x64xi32, #tpu.memory_space<vmem>> -> memref<2x64xi32, #tpu.memory_space<vmem>>
        %dma_start3A_656 = arith.constant 0 : i32
        %dma_start3A_657 = arith.constant 0 : i32
        %dma_start3A_658 = tpu.memref_slice %arg4[%add3A_642, %dma_start3A_656, %dma_start3A_657] : memref<5120x2x64xi32, #tpu.memory_space<hbm>> -> memref<1x2x64xi32, #tpu.memory_space<hbm>>
        %dma_start3A_659 = tpu.memref_squeeze %dma_start3A_658 : memref<1x2x64xi32, #tpu.memory_space<hbm>> -> memref<2x64xi32, #tpu.memory_space<hbm>>
        tpu.enqueue_dma source(%dma_start3A_659 : memref<2x64xi32, #tpu.memory_space<hbm>>) target(%dma_start3A_655 : memref<2x64xi32, #tpu.memory_space<vmem>>) target_semaphore(%arg22 : memref<!tpu.dma_semaphore, #tpu.memory_space<semaphore_mem>>)
      } else {
      }
      %add3A_605 = arith.constant 5 : i32
      %add3A_606 = arith.addi %add3A_584, %add3A_605 : i32
      %lt3A_607 = arith.constant 320 : i32
      %lt3A_608 = arith.cmpi slt, %add3A_606, %lt3A_607 : i32
      %convert_element_type3A_609 = arith.extui %lt3A_608 : i1 to i32
      %cond3A_610 = arith.constant 0 : i32
      %cond3A_611 = arith.cmpi ne, %convert_element_type3A_609, %cond3A_610 : i32
      scf.if %cond3A_611 {
        %add3A_641 = arith.constant 5 : i32
        %add3A_642 = arith.addi %add3A_585, %add3A_641 : i32
        %dma_wait3A_643 = arith.constant 3 : i32
        %dma_wait3A_644 = arith.constant 0 : i32
        %dma_wait3A_645 = arith.constant 0 : i32
        %dma_wait3A_646 = tpu.memref_slice %arg7[%dma_wait3A_643, %dma_wait3A_644, %dma_wait3A_645] : memref<10x2x64xi32, #tpu.memory_space<vmem>> -> memref<1x2x64xi32, #tpu.memory_space<vmem>>
        %dma_wait3A_647 = tpu.memref_squeeze %dma_wait3A_646 : memref<1x2x64xi32, #tpu.memory_space<vmem>> -> memref<2x64xi32, #tpu.memory_space<vmem>>
        %dma_wait3A_648 = arith.constant 0 : i32
        %dma_wait3A_649 = arith.constant 0 : i32
        %dma_wait3A_650 = tpu.memref_slice %arg4[%add3A_642, %dma_wait3A_648, %dma_wait3A_649] : memref<5120x2x64xi32, #tpu.memory_space<hbm>> -> memref<1x2x64xi32, #tpu.memory_space<hbm>>
        %dma_wait3A_651 = tpu.memref_squeeze %dma_wait3A_650 : memref<1x2x64xi32, #tpu.memory_space<hbm>> -> memref<2x64xi32, #tpu.memory_space<hbm>>
        %dma_wait3A_652 = arith.constant 0 : i32
        %dma_wait3A_653 = arith.constant 0 : i32
        %dma_wait3A_654 = tpu.memref_slice %arg7[%dma_wait3A_643, %dma_wait3A_652, %dma_wait3A_653] : memref<10x2x64xi32, #tpu.memory_space<vmem>> -> memref<1x2x64xi32, #tpu.memory_space<vmem>>
        %dma_wait3A_655 = tpu.memref_squeeze %dma_wait3A_654 : memref<1x2x64xi32, #tpu.memory_space<vmem>> -> memref<2x64xi32, #tpu.memory_space<vmem>>
        %dma_wait3A_656 = arith.constant 0 : i32
        %dma_wait3A_657 = arith.constant 0 : i32
        %dma_wait3A_658 = tpu.memref_slice %arg4[%add3A_642, %dma_wait3A_656, %dma_wait3A_657] : memref<5120x2x64xi32, #tpu.memory_space<hbm>> -> memref<1x2x64xi32, #tpu.memory_space<hbm>>
        %dma_wait3A_659 = tpu.memref_squeeze %dma_wait3A_658 : memref<1x2x64xi32, #tpu.memory_space<hbm>> -> memref<2x64xi32, #tpu.memory_space<hbm>>
        tpu.wait_dma2 semaphore(%arg17 : memref<!tpu.dma_semaphore, #tpu.memory_space<semaphore_mem>>) src(%dma_wait3A_659 : memref<2x64xi32, #tpu.memory_space<hbm>>) dst(%dma_wait3A_655 : memref<2x64xi32, #tpu.memory_space<vmem>>)
        %eq3A_660 = arith.constant 0 : i32
        %eq3A_661 = arith.cmpi eq, %arg0, %eq3A_660 : i32
        %convert_element_type3A_662 = arith.extui %eq3A_661 : i1 to i32
        %cond3A_663 = arith.constant 0 : i32
        %cond3A_664 = arith.cmpi ne, %convert_element_type3A_662, %cond3A_663 : i32
        scf.if %cond3A_664 {
          %dma_start3A_670 = arith.constant 3 : i32
          %dma_start3A_671 = arith.constant 0 : i32
          %dma_start3A_672 = arith.constant 0 : i32
          %dma_start3A_673 = tpu.memref_slice %arg7[%dma_start3A_670, %dma_start3A_671, %dma_start3A_672] : memref<10x2x64xi32, #tpu.memory_space<vmem>> -> memref<1x1x64xi32, #tpu.memory_space<vmem>>
          %dma_start3A_674 = tpu.memref_squeeze %dma_start3A_673 : memref<1x1x64xi32, #tpu.memory_space<vmem>> -> memref<64xi32, #tpu.memory_space<vmem>>
          %dma_start3A_675 = arith.constant 0 : i32
          %dma_start3A_676 = arith.constant 0 : i32
          %dma_start3A_677 = tpu.memref_slice %arg2[%dma_start3A_675, %dma_start3A_676] : memref<10000x128xf32, #tpu.memory_space<hbm>> -> memref<10000x128xf32, #tpu.memory_space<hbm>>
          tpu.enqueue_indirect_dma source(%dma_start3A_677 : memref<10000x128xf32, #tpu.memory_space<hbm>>) target(%arg11 : memref<64x128xf32, #tpu.memory_space<vmem>>) offsets(%dma_start3A_674 : memref<64xi32, #tpu.memory_space<vmem>>) semaphore(%arg27 : memref<!tpu.dma_semaphore, #tpu.memory_space<semaphore_mem>>)
        } else {
        }
        %ne3A_665 = arith.constant 0 : i32
        %ne3A_666 = arith.cmpi ne, %arg0, %ne3A_665 : i32
        %convert_element_type3A_667 = arith.extui %ne3A_666 : i1 to i32
        %cond3A_668 = arith.constant 0 : i32
        %cond3A_669 = arith.cmpi ne, %convert_element_type3A_667, %cond3A_668 : i32
        scf.if %cond3A_669 {
          %dma_start3A_670 = arith.constant 3 : i32
          %dma_start3A_671 = arith.constant 0 : i32
          %dma_start3A_672 = arith.constant 0 : i32
          %dma_start3A_673 = tpu.memref_slice %arg7[%dma_start3A_670, %dma_start3A_671, %dma_start3A_672] : memref<10x2x64xi32, #tpu.memory_space<vmem>> -> memref<1x1x64xi32, #tpu.memory_space<vmem>>
          %dma_start3A_674 = tpu.memref_squeeze %dma_start3A_673 : memref<1x1x64xi32, #tpu.memory_space<vmem>> -> memref<64xi32, #tpu.memory_space<vmem>>
          %dma_start3A_675 = arith.constant 0 : i32
          %dma_start3A_676 = arith.constant 0 : i32
          %dma_start3A_677 = tpu.memref_slice %arg3[%dma_start3A_675, %dma_start3A_676] : memref<10000x128xf32, #tpu.memory_space<hbm>> -> memref<10000x128xf32, #tpu.memory_space<hbm>>
          tpu.enqueue_indirect_dma source(%dma_start3A_677 : memref<10000x128xf32, #tpu.memory_space<hbm>>) target(%arg11 : memref<64x128xf32, #tpu.memory_space<vmem>>) offsets(%dma_start3A_674 : memref<64xi32, #tpu.memory_space<vmem>>) semaphore(%arg27 : memref<!tpu.dma_semaphore, #tpu.memory_space<semaphore_mem>>)
        } else {
        }
      } else {
      }
      %add3A_612 = arith.constant 9 : i32
      %add3A_613 = arith.addi %add3A_351, %add3A_612 : i32
      %add3A_614 = arith.addi %mul3A_0, %add3A_613 : i32
      %eq3A_615 = arith.constant 0 : i32
      %eq3A_616 = arith.cmpi eq, %arg0, %eq3A_615 : i32
      %convert_element_type3A_617 = arith.extui %eq3A_616 : i1 to i32
      %cond3A_618 = arith.constant 0 : i32
      %cond3A_619 = arith.cmpi ne, %convert_element_type3A_617, %cond3A_618 : i32
      scf.if %cond3A_619 {
        %dma_wait3A_641 = arith.constant 9 : i32
        %dma_wait3A_642 = arith.constant 0 : i32
        %dma_wait3A_643 = arith.constant 0 : i32
        %dma_wait3A_644 = tpu.memref_slice %arg7[%dma_wait3A_641, %dma_wait3A_642, %dma_wait3A_643] : memref<10x2x64xi32, #tpu.memory_space<vmem>> -> memref<1x1x64xi32, #tpu.memory_space<vmem>>
        %dma_wait3A_645 = tpu.memref_squeeze %dma_wait3A_644 : memref<1x1x64xi32, #tpu.memory_space<vmem>> -> memref<64xi32, #tpu.memory_space<vmem>>
        %dma_wait3A_646 = arith.constant 0 : i32
        %dma_wait3A_647 = arith.constant 0 : i32
        %dma_wait3A_648 = tpu.memref_slice %arg2[%dma_wait3A_646, %dma_wait3A_647] : memref<10000x128xf32, #tpu.memory_space<hbm>> -> memref<10000x128xf32, #tpu.memory_space<hbm>>
        tpu.wait_indirect_dma semaphore(%arg28 : memref<!tpu.dma_semaphore, #tpu.memory_space<semaphore_mem>>) src(%dma_wait3A_648 : memref<10000x128xf32, #tpu.memory_space<hbm>>) dst(%arg12 : memref<64x128xf32, #tpu.memory_space<vmem>>)
      } else {
      }
      %ne3A_620 = arith.constant 0 : i32
      %ne3A_621 = arith.cmpi ne, %arg0, %ne3A_620 : i32
      %convert_element_type3A_622 = arith.extui %ne3A_621 : i1 to i32
      %cond3A_623 = arith.constant 0 : i32
      %cond3A_624 = arith.cmpi ne, %convert_element_type3A_622, %cond3A_623 : i32
      scf.if %cond3A_624 {
        %dma_wait3A_641 = arith.constant 9 : i32
        %dma_wait3A_642 = arith.constant 0 : i32
        %dma_wait3A_643 = arith.constant 0 : i32
        %dma_wait3A_644 = tpu.memref_slice %arg7[%dma_wait3A_641, %dma_wait3A_642, %dma_wait3A_643] : memref<10x2x64xi32, #tpu.memory_space<vmem>> -> memref<1x1x64xi32, #tpu.memory_space<vmem>>
        %dma_wait3A_645 = tpu.memref_squeeze %dma_wait3A_644 : memref<1x1x64xi32, #tpu.memory_space<vmem>> -> memref<64xi32, #tpu.memory_space<vmem>>
        %dma_wait3A_646 = arith.constant 0 : i32
        %dma_wait3A_647 = arith.constant 0 : i32
        %dma_wait3A_648 = tpu.memref_slice %arg3[%dma_wait3A_646, %dma_wait3A_647] : memref<10000x128xf32, #tpu.memory_space<hbm>> -> memref<10000x128xf32, #tpu.memory_space<hbm>>
        tpu.wait_indirect_dma semaphore(%arg28 : memref<!tpu.dma_semaphore, #tpu.memory_space<semaphore_mem>>) src(%dma_wait3A_648 : memref<10000x128xf32, #tpu.memory_space<hbm>>) dst(%arg12 : memref<64x128xf32, #tpu.memory_space<vmem>>)
      } else {
      }
      %run_scoped3A_625 = arith.constant 9 : i32
      %run_scoped3A_626 = arith.constant 1 : i32
      "tpu.region"() ({
        %run_scoped3A_641 = tpu.sem_alloc : memref<!tpu.dma_semaphore, #tpu.memory_space<semaphore_mem>>
        %dma_start3A_642 = arith.constant 0 : i32
        %dma_start3A_643 = tpu.memref_slice %arg7[%run_scoped3A_625, %run_scoped3A_626, %dma_start3A_642] : memref<10x2x64xi32, #tpu.memory_space<vmem>> -> memref<1x1x64xi32, #tpu.memory_space<vmem>>
        %dma_start3A_644 = tpu.memref_squeeze %dma_start3A_643 : memref<1x1x64xi32, #tpu.memory_space<vmem>> -> memref<64xi32, #tpu.memory_space<vmem>>
        %dma_start3A_645 = arith.constant 0 : i32
        %dma_start3A_646 = arith.constant 0 : i32
        %dma_start3A_647 = tpu.memref_slice %arg13[%dma_start3A_645, %dma_start3A_646] : memref<10112x128xf32, #tpu.memory_space<vmem_shared>> -> memref<10112x128xf32, #tpu.memory_space<vmem_shared>>
        tpu.enqueue_indirect_dma source(%arg12 : memref<64x128xf32, #tpu.memory_space<vmem>>) target(%dma_start3A_647 : memref<10112x128xf32, #tpu.memory_space<vmem_shared>>) offsets(%dma_start3A_644 : memref<64xi32, #tpu.memory_space<vmem>>) semaphore(%run_scoped3A_641 : memref<!tpu.dma_semaphore, #tpu.memory_space<semaphore_mem>>) {add = true}
        %dma_wait3A_648 = arith.constant 0 : i32
        %dma_wait3A_649 = tpu.memref_slice %arg7[%run_scoped3A_625, %run_scoped3A_626, %dma_wait3A_648] : memref<10x2x64xi32, #tpu.memory_space<vmem>> -> memref<1x1x64xi32, #tpu.memory_space<vmem>>
        %dma_wait3A_650 = tpu.memref_squeeze %dma_wait3A_649 : memref<1x1x64xi32, #tpu.memory_space<vmem>> -> memref<64xi32, #tpu.memory_space<vmem>>
        %dma_wait3A_651 = arith.constant 0 : i32
        %dma_wait3A_652 = arith.constant 0 : i32
        %dma_wait3A_653 = tpu.memref_slice %arg13[%dma_wait3A_651, %dma_wait3A_652] : memref<10112x128xf32, #tpu.memory_space<vmem_shared>> -> memref<10112x128xf32, #tpu.memory_space<vmem_shared>>
        tpu.wait_indirect_dma semaphore(%run_scoped3A_641 : memref<!tpu.dma_semaphore, #tpu.memory_space<semaphore_mem>>) src(%arg12 : memref<64x128xf32, #tpu.memory_space<vmem>>) dst(%dma_wait3A_653 : memref<10112x128xf32, #tpu.memory_space<vmem_shared>>)
        tpu.yield
      }) : () -> ()
      %add3A_627 = arith.constant 10 : i32
      %add3A_628 = arith.addi %add3A_613, %add3A_627 : i32
      %lt3A_629 = arith.constant 320 : i32
      %lt3A_630 = arith.cmpi slt, %add3A_628, %lt3A_629 : i32
      %convert_element_type3A_631 = arith.extui %lt3A_630 : i1 to i32
      %cond3A_632 = arith.constant 0 : i32
      %cond3A_633 = arith.cmpi ne, %convert_element_type3A_631, %cond3A_632 : i32
      scf.if %cond3A_633 {
        %add3A_641 = arith.constant 10 : i32
        %add3A_642 = arith.addi %add3A_614, %add3A_641 : i32
        %dma_start3A_643 = arith.constant 9 : i32
        %dma_start3A_644 = arith.constant 0 : i32
        %dma_start3A_645 = arith.constant 0 : i32
        %dma_start3A_646 = tpu.memref_slice %arg7[%dma_start3A_643, %dma_start3A_644, %dma_start3A_645] : memref<10x2x64xi32, #tpu.memory_space<vmem>> -> memref<1x2x64xi32, #tpu.memory_space<vmem>>
        %dma_start3A_647 = tpu.memref_squeeze %dma_start3A_646 : memref<1x2x64xi32, #tpu.memory_space<vmem>> -> memref<2x64xi32, #tpu.memory_space<vmem>>
        %dma_start3A_648 = arith.constant 0 : i32
        %dma_start3A_649 = arith.constant 0 : i32
        %dma_start3A_650 = tpu.memref_slice %arg4[%add3A_642, %dma_start3A_648, %dma_start3A_649] : memref<5120x2x64xi32, #tpu.memory_space<hbm>> -> memref<1x2x64xi32, #tpu.memory_space<hbm>>
        %dma_start3A_651 = tpu.memref_squeeze %dma_start3A_650 : memref<1x2x64xi32, #tpu.memory_space<hbm>> -> memref<2x64xi32, #tpu.memory_space<hbm>>
        %dma_start3A_652 = arith.constant 0 : i32
        %dma_start3A_653 = arith.constant 0 : i32
        %dma_start3A_654 = tpu.memref_slice %arg7[%dma_start3A_643, %dma_start3A_652, %dma_start3A_653] : memref<10x2x64xi32, #tpu.memory_space<vmem>> -> memref<1x2x64xi32, #tpu.memory_space<vmem>>
        %dma_start3A_655 = tpu.memref_squeeze %dma_start3A_654 : memref<1x2x64xi32, #tpu.memory_space<vmem>> -> memref<2x64xi32, #tpu.memory_space<vmem>>
        %dma_start3A_656 = arith.constant 0 : i32
        %dma_start3A_657 = arith.constant 0 : i32
        %dma_start3A_658 = tpu.memref_slice %arg4[%add3A_642, %dma_start3A_656, %dma_start3A_657] : memref<5120x2x64xi32, #tpu.memory_space<hbm>> -> memref<1x2x64xi32, #tpu.memory_space<hbm>>
        %dma_start3A_659 = tpu.memref_squeeze %dma_start3A_658 : memref<1x2x64xi32, #tpu.memory_space<hbm>> -> memref<2x64xi32, #tpu.memory_space<hbm>>
        tpu.enqueue_dma source(%dma_start3A_659 : memref<2x64xi32, #tpu.memory_space<hbm>>) target(%dma_start3A_655 : memref<2x64xi32, #tpu.memory_space<vmem>>) target_semaphore(%arg23 : memref<!tpu.dma_semaphore, #tpu.memory_space<semaphore_mem>>)
      } else {
      }
      %add3A_634 = arith.constant 5 : i32
      %add3A_635 = arith.addi %add3A_613, %add3A_634 : i32
      %lt3A_636 = arith.constant 320 : i32
      %lt3A_637 = arith.cmpi slt, %add3A_635, %lt3A_636 : i32
      %convert_element_type3A_638 = arith.extui %lt3A_637 : i1 to i32
      %cond3A_639 = arith.constant 0 : i32
      %cond3A_640 = arith.cmpi ne, %convert_element_type3A_638, %cond3A_639 : i32
      scf.if %cond3A_640 {
        %add3A_641 = arith.constant 5 : i32
        %add3A_642 = arith.addi %add3A_614, %add3A_641 : i32
        %dma_wait3A_643 = arith.constant 4 : i32
        %dma_wait3A_644 = arith.constant 0 : i32
        %dma_wait3A_645 = arith.constant 0 : i32
        %dma_wait3A_646 = tpu.memref_slice %arg7[%dma_wait3A_643, %dma_wait3A_644, %dma_wait3A_645] : memref<10x2x64xi32, #tpu.memory_space<vmem>> -> memref<1x2x64xi32, #tpu.memory_space<vmem>>
        %dma_wait3A_647 = tpu.memref_squeeze %dma_wait3A_646 : memref<1x2x64xi32, #tpu.memory_space<vmem>> -> memref<2x64xi32, #tpu.memory_space<vmem>>
        %dma_wait3A_648 = arith.constant 0 : i32
        %dma_wait3A_649 = arith.constant 0 : i32
        %dma_wait3A_650 = tpu.memref_slice %arg4[%add3A_642, %dma_wait3A_648, %dma_wait3A_649] : memref<5120x2x64xi32, #tpu.memory_space<hbm>> -> memref<1x2x64xi32, #tpu.memory_space<hbm>>
        %dma_wait3A_651 = tpu.memref_squeeze %dma_wait3A_650 : memref<1x2x64xi32, #tpu.memory_space<hbm>> -> memref<2x64xi32, #tpu.memory_space<hbm>>
        %dma_wait3A_652 = arith.constant 0 : i32
        %dma_wait3A_653 = arith.constant 0 : i32
        %dma_wait3A_654 = tpu.memref_slice %arg7[%dma_wait3A_643, %dma_wait3A_652, %dma_wait3A_653] : memref<10x2x64xi32, #tpu.memory_space<vmem>> -> memref<1x2x64xi32, #tpu.memory_space<vmem>>
        %dma_wait3A_655 = tpu.memref_squeeze %dma_wait3A_654 : memref<1x2x64xi32, #tpu.memory_space<vmem>> -> memref<2x64xi32, #tpu.memory_space<vmem>>
        %dma_wait3A_656 = arith.constant 0 : i32
        %dma_wait3A_657 = arith.constant 0 : i32
        %dma_wait3A_658 = tpu.memref_slice %arg4[%add3A_642, %dma_wait3A_656, %dma_wait3A_657] : memref<5120x2x64xi32, #tpu.memory_space<hbm>> -> memref<1x2x64xi32, #tpu.memory_space<hbm>>
        %dma_wait3A_659 = tpu.memref_squeeze %dma_wait3A_658 : memref<1x2x64xi32, #tpu.memory_space<hbm>> -> memref<2x64xi32, #tpu.memory_space<hbm>>
        tpu.wait_dma2 semaphore(%arg18 : memref<!tpu.dma_semaphore, #tpu.memory_space<semaphore_mem>>) src(%dma_wait3A_659 : memref<2x64xi32, #tpu.memory_space<hbm>>) dst(%dma_wait3A_655 : memref<2x64xi32, #tpu.memory_space<vmem>>)
        %eq3A_660 = arith.constant 0 : i32
        %eq3A_661 = arith.cmpi eq, %arg0, %eq3A_660 : i32
        %convert_element_type3A_662 = arith.extui %eq3A_661 : i1 to i32
        %cond3A_663 = arith.constant 0 : i32
        %cond3A_664 = arith.cmpi ne, %convert_element_type3A_662, %cond3A_663 : i32
        scf.if %cond3A_664 {
          %dma_start3A_670 = arith.constant 4 : i32
          %dma_start3A_671 = arith.constant 0 : i32
          %dma_start3A_672 = arith.constant 0 : i32
          %dma_start3A_673 = tpu.memref_slice %arg7[%dma_start3A_670, %dma_start3A_671, %dma_start3A_672] : memref<10x2x64xi32, #tpu.memory_space<vmem>> -> memref<1x1x64xi32, #tpu.memory_space<vmem>>
          %dma_start3A_674 = tpu.memref_squeeze %dma_start3A_673 : memref<1x1x64xi32, #tpu.memory_space<vmem>> -> memref<64xi32, #tpu.memory_space<vmem>>
          %dma_start3A_675 = arith.constant 0 : i32
          %dma_start3A_676 = arith.constant 0 : i32
          %dma_start3A_677 = tpu.memref_slice %arg2[%dma_start3A_675, %dma_start3A_676] : memref<10000x128xf32, #tpu.memory_space<hbm>> -> memref<10000x128xf32, #tpu.memory_space<hbm>>
          tpu.enqueue_indirect_dma source(%dma_start3A_677 : memref<10000x128xf32, #tpu.memory_space<hbm>>) target(%arg12 : memref<64x128xf32, #tpu.memory_space<vmem>>) offsets(%dma_start3A_674 : memref<64xi32, #tpu.memory_space<vmem>>) semaphore(%arg28 : memref<!tpu.dma_semaphore, #tpu.memory_space<semaphore_mem>>)
        } else {
        }
        %ne3A_665 = arith.constant 0 : i32
        %ne3A_666 = arith.cmpi ne, %arg0, %ne3A_665 : i32
        %convert_element_type3A_667 = arith.extui %ne3A_666 : i1 to i32
        %cond3A_668 = arith.constant 0 : i32
        %cond3A_669 = arith.cmpi ne, %convert_element_type3A_667, %cond3A_668 : i32
        scf.if %cond3A_669 {
          %dma_start3A_670 = arith.constant 4 : i32
          %dma_start3A_671 = arith.constant 0 : i32
          %dma_start3A_672 = arith.constant 0 : i32
          %dma_start3A_673 = tpu.memref_slice %arg7[%dma_start3A_670, %dma_start3A_671, %dma_start3A_672] : memref<10x2x64xi32, #tpu.memory_space<vmem>> -> memref<1x1x64xi32, #tpu.memory_space<vmem>>
          %dma_start3A_674 = tpu.memref_squeeze %dma_start3A_673 : memref<1x1x64xi32, #tpu.memory_space<vmem>> -> memref<64xi32, #tpu.memory_space<vmem>>
          %dma_start3A_675 = arith.constant 0 : i32
          %dma_start3A_676 = arith.constant 0 : i32
          %dma_start3A_677 = tpu.memref_slice %arg3[%dma_start3A_675, %dma_start3A_676] : memref<10000x128xf32, #tpu.memory_space<hbm>> -> memref<10000x128xf32, #tpu.memory_space<hbm>>
          tpu.enqueue_indirect_dma source(%dma_start3A_677 : memref<10000x128xf32, #tpu.memory_space<hbm>>) target(%arg12 : memref<64x128xf32, #tpu.memory_space<vmem>>) offsets(%dma_start3A_674 : memref<64xi32, #tpu.memory_space<vmem>>) semaphore(%arg28 : memref<!tpu.dma_semaphore, #tpu.memory_space<semaphore_mem>>)
        } else {
        }
      } else {
      }
    }
    %scan3A_334 = arith.constant 32 : i32
    %barrier3A_335 = arith.constant 0 : index
    tpu.barrier barrier_id(%barrier3A_335)
    %mul3A_336 = arith.constant 632 : i32
    %mul3A_337 = arith.muli %arg1, %mul3A_336 : i32
    %lt3A = arith.constant 15 : i32
    %lt3A_338 = arith.cmpi slt, %arg1, %lt3A : i32
    %convert_element_type3A_339 = arith.extui %lt3A_338 : i1 to i32
    %cond3A_340 = arith.constant 0 : i32
    %cond3A_341 = arith.cmpi ne, %convert_element_type3A_339, %cond3A_340 : i32
    scf.if %cond3A_341 {
      %mul3A_347 = arith.constant 10000 : i32
      %mul3A_348 = arith.muli %arg0, %mul3A_347 : i32
      %add3A_349 = arith.addi %mul3A_348, %mul3A_337 : i32
      "tpu.region"() ({
        %run_scoped3A = tpu.sem_alloc : memref<!tpu.dma_semaphore, #tpu.memory_space<semaphore_mem>>
        %dma_start3A_350 = arith.constant 0 : i32
        %dma_start3A_351 = tpu.memref_slice %arg6[%add3A_349, %dma_start3A_350] : memref<20000x128xf32, #tpu.memory_space<hbm>> -> memref<632x128xf32, #tpu.memory_space<hbm>>
        %dma_start3A_352 = arith.constant 0 : i32
        %dma_start3A_353 = tpu.memref_slice %arg13[%mul3A_337, %dma_start3A_352] : memref<10112x128xf32, #tpu.memory_space<vmem_shared>> -> memref<632x128xf32, #tpu.memory_space<vmem_shared>>
        tpu.enqueue_dma source(%dma_start3A_353 : memref<632x128xf32, #tpu.memory_space<vmem_shared>>) target(%dma_start3A_351 : memref<632x128xf32, #tpu.memory_space<hbm>>) target_semaphore(%run_scoped3A : memref<!tpu.dma_semaphore, #tpu.memory_space<semaphore_mem>>)
        %dma_wait3A_354 = arith.constant 0 : i32
        %dma_wait3A_355 = tpu.memref_slice %arg6[%add3A_349, %dma_wait3A_354] : memref<20000x128xf32, #tpu.memory_space<hbm>> -> memref<632x128xf32, #tpu.memory_space<hbm>>
        %dma_wait3A_356 = arith.constant 0 : i32
        %dma_wait3A_357 = tpu.memref_slice %arg13[%mul3A_337, %dma_wait3A_356] : memref<10112x128xf32, #tpu.memory_space<vmem_shared>> -> memref<632x128xf32, #tpu.memory_space<vmem_shared>>
        tpu.wait_dma2 semaphore(%run_scoped3A : memref<!tpu.dma_semaphore, #tpu.memory_space<semaphore_mem>>) src(%dma_wait3A_357 : memref<632x128xf32, #tpu.memory_space<vmem_shared>>) dst(%dma_wait3A_355 : memref<632x128xf32, #tpu.memory_space<hbm>>)
        tpu.yield
      }) : () -> ()
    } else {
    }
    %eq3A_342 = arith.constant 15 : i32
    %eq3A_343 = arith.cmpi eq, %arg1, %eq3A_342 : i32
    %convert_element_type3A_344 = arith.extui %eq3A_343 : i1 to i32
    %cond3A_345 = arith.constant 0 : i32
    %cond3A_346 = arith.cmpi ne, %convert_element_type3A_344, %cond3A_345 : i32
    scf.if %cond3A_346 {
      %mul3A_347 = arith.constant 10000 : i32
      %mul3A_348 = arith.muli %arg0, %mul3A_347 : i32
      %add3A_349 = arith.constant 9480 : i32
      %add3A_350 = arith.addi %mul3A_348, %add3A_349 : i32
      "tpu.region"() ({
        %run_scoped3A = tpu.sem_alloc : memref<!tpu.dma_semaphore, #tpu.memory_space<semaphore_mem>>
        %dma_start3A_351 = arith.constant 0 : i32
        %dma_start3A_352 = tpu.memref_slice %arg6[%add3A_350, %dma_start3A_351] : memref<20000x128xf32, #tpu.memory_space<hbm>> -> memref<520x128xf32, #tpu.memory_space<hbm>>
        %dma_start3A_353 = arith.constant 9480 : i32
        %dma_start3A_354 = arith.constant 0 : i32
        %dma_start3A_355 = tpu.memref_slice %arg13[%dma_start3A_353, %dma_start3A_354] : memref<10112x128xf32, #tpu.memory_space<vmem_shared>> -> memref<520x128xf32, #tpu.memory_space<vmem_shared>>
        tpu.enqueue_dma source(%dma_start3A_355 : memref<520x128xf32, #tpu.memory_space<vmem_shared>>) target(%dma_start3A_352 : memref<520x128xf32, #tpu.memory_space<hbm>>) target_semaphore(%run_scoped3A : memref<!tpu.dma_semaphore, #tpu.memory_space<semaphore_mem>>)
        %dma_wait3A_356 = arith.constant 0 : i32
        %dma_wait3A_357 = tpu.memref_slice %arg6[%add3A_350, %dma_wait3A_356] : memref<20000x128xf32, #tpu.memory_space<hbm>> -> memref<520x128xf32, #tpu.memory_space<hbm>>
        %dma_wait3A_358 = arith.constant 9480 : i32
        %dma_wait3A_359 = arith.constant 0 : i32
        %dma_wait3A_360 = tpu.memref_slice %arg13[%dma_wait3A_358, %dma_wait3A_359] : memref<10112x128xf32, #tpu.memory_space<vmem_shared>> -> memref<520x128xf32, #tpu.memory_space<vmem_shared>>
        tpu.wait_dma2 semaphore(%run_scoped3A : memref<!tpu.dma_semaphore, #tpu.memory_space<semaphore_mem>>) src(%dma_wait3A_360 : memref<520x128xf32, #tpu.memory_space<vmem_shared>>) dst(%dma_wait3A_357 : memref<520x128xf32, #tpu.memory_space<hbm>>)
        tpu.yield
      }) : () -> ()
    } else {
    }
    return
  }
}

module attributes {stable_mosaic.version = 14 : i64} {
  func.func @_tab_body(%arg0: i32, %arg1: i32, %arg2: memref<1000x128xf32, #tpu.memory_space<vmem>>, %arg3: memref<1x1xf32, #tpu.memory_space<smem>>, %arg4: memref<1000x128xf32, #tpu.memory_space<vmem>>, %arg5: memref<1000x128xf32, #tpu.memory_space<vmem>>, %arg6: memref<1xf32, #tpu.memory_space<smem>>) attributes {dimension_semantics = [#tpu.dimension_semantics<arbitrary>, #tpu.dimension_semantics<arbitrary>], iteration_bounds = array<i64: 2, 10>, scalar_prefetch = 0 : i64, scratch_operands = 1 : i64, tpu.core_type = #tpu.core_type<tc>, window_params = [{transform_indices = @transform_0, window_bounds = array<i64: 1000, 128>}, {transform_indices = @transform_1, window_bounds = array<i64: 1, 1>}, {transform_indices = @transform_2, window_bounds = array<i64: 1000, 128>}, {transform_indices = @transform_3, window_bounds = array<i64: 1000, 128>}]} {
    %get3A = arith.constant 0 : index
    %get3A_0 = arith.constant 0 : index
    %get3A_1 = memref.load %arg3[%get3A, %get3A_0] : memref<1x1xf32, #tpu.memory_space<smem>>
    %get3A_2 = arith.constant 0 : index
    %get3A_3 = arith.constant 0 : index
    %get3A_4 = vector.load %arg2[%get3A_2, %get3A_3] : memref<1000x128xf32, #tpu.memory_space<vmem>>, vector<1000x128xf32>
    %max3A = arith.constant 0.000000e+00 : f32
    %max3A_5 = vector.broadcast %max3A : f32 to vector<1000x128xf32>
    %max3A_6 = arith.maximumf %get3A_4, %max3A_5 : vector<1000x128xf32>
    %add3A = arith.constant 1.000000e-07 : f32
    %add3A_7 = vector.broadcast %add3A : f32 to vector<1000x128xf32>
    %add3A_8 = arith.addf %max3A_6, %add3A_7 : vector<1000x128xf32>
    %eq3A = arith.constant 0 : i32
    %eq3A_9 = arith.cmpi eq, %arg0, %eq3A : i32
    %eq3A_10 = arith.constant 0 : i32
    %eq3A_11 = arith.cmpi eq, %arg1, %eq3A_10 : i32
    %and3A = arith.andi %eq3A_9, %eq3A_11 : i1
    %convert_element_type3A = arith.extui %and3A : i1 to i32
    %cond3A = arith.constant 0 : i32
    %cond3A_12 = arith.cmpi ne, %convert_element_type3A, %cond3A : i32
    scf.if %cond3A_12 {
      %mul3A = vector.broadcast %get3A_1 : f32 to vector<1000x128xf32>
      %mul3A_25 = arith.mulf %mul3A, %add3A_8 : vector<1000x128xf32>
      %reduce_max3A = vector.shape_cast %mul3A_25 : vector<1000x128xf32> to vector<1x1000x128xf32>
      %reduce_max3A_26 = arith.constant dense<0xFF800000> : vector<1xf32>
      %reduce_max3A_27 = vector.multi_reduction <maximumf>, %reduce_max3A, %reduce_max3A_26 [1, 2] : vector<1x1000x128xf32> to vector<1xf32>
      %reduce_max3A_28 = vector.shape_cast %reduce_max3A_27 : vector<1xf32> to vector<1x1x1xf32>
      %reduce_max3A_29 = vector.extract %reduce_max3A_28[0, 0, 0] : f32 from vector<1x1x1xf32>
      %swap3A = arith.constant 0 : index
      %swap3A_30 = memref.load %arg6[%swap3A] : memref<1xf32, #tpu.memory_space<smem>>
      memref.store %reduce_max3A_29, %arg6[%swap3A] : memref<1xf32, #tpu.memory_space<smem>>
    } else {
    }
    %eq3A_13 = arith.constant 0 : i32
    %eq3A_14 = arith.cmpi eq, %arg0, %eq3A_13 : i32
    %ne3A = arith.constant 0 : i32
    %ne3A_15 = arith.cmpi ne, %arg1, %ne3A : i32
    %and3A_16 = arith.andi %eq3A_14, %ne3A_15 : i1
    %convert_element_type3A_17 = arith.extui %and3A_16 : i1 to i32
    %cond3A_18 = arith.constant 0 : i32
    %cond3A_19 = arith.cmpi ne, %convert_element_type3A_17, %cond3A_18 : i32
    scf.if %cond3A_19 {
      %get3A_25 = arith.constant 0 : index
      %get3A_26 = memref.load %arg6[%get3A_25] : memref<1xf32, #tpu.memory_space<smem>>
      %mul3A = vector.broadcast %get3A_1 : f32 to vector<1000x128xf32>
      %mul3A_27 = arith.mulf %mul3A, %add3A_8 : vector<1000x128xf32>
      %reduce_max3A = vector.shape_cast %mul3A_27 : vector<1000x128xf32> to vector<1x1000x128xf32>
      %reduce_max3A_28 = arith.constant dense<0xFF800000> : vector<1xf32>
      %reduce_max3A_29 = vector.multi_reduction <maximumf>, %reduce_max3A, %reduce_max3A_28 [1, 2] : vector<1x1000x128xf32> to vector<1xf32>
      %reduce_max3A_30 = vector.shape_cast %reduce_max3A_29 : vector<1xf32> to vector<1x1x1xf32>
      %reduce_max3A_31 = vector.extract %reduce_max3A_30[0, 0, 0] : f32 from vector<1x1x1xf32>
      %max3A_32 = arith.maximumf %get3A_26, %reduce_max3A_31 : f32
      %swap3A = arith.constant 0 : index
      %swap3A_33 = memref.load %arg6[%swap3A] : memref<1xf32, #tpu.memory_space<smem>>
      memref.store %max3A_32, %arg6[%swap3A] : memref<1xf32, #tpu.memory_space<smem>>
    } else {
    }
    %eq3A_20 = arith.constant 1 : i32
    %eq3A_21 = arith.cmpi eq, %arg0, %eq3A_20 : i32
    %convert_element_type3A_22 = arith.extui %eq3A_21 : i1 to i32
    %cond3A_23 = arith.constant 0 : i32
    %cond3A_24 = arith.cmpi ne, %convert_element_type3A_22, %cond3A_23 : i32
    scf.if %cond3A_24 {
      %mul3A = vector.broadcast %get3A_1 : f32 to vector<1000x128xf32>
      %mul3A_25 = arith.mulf %mul3A, %add3A_8 : vector<1000x128xf32>
      %get3A_26 = arith.constant 0 : index
      %get3A_27 = memref.load %arg6[%get3A_26] : memref<1xf32, #tpu.memory_space<smem>>
      %sub3A = vector.broadcast %get3A_27 : f32 to vector<1000x128xf32>
      %sub3A_28 = arith.subf %mul3A_25, %sub3A : vector<1000x128xf32>
      %exp3A = math.exp %sub3A_28 : vector<1000x128xf32>
      %swap3A = arith.constant 0 : index
      %swap3A_29 = arith.constant 0 : index
      %swap3A_30 = vector.load %arg4[%swap3A, %swap3A_29] : memref<1000x128xf32, #tpu.memory_space<vmem>>, vector<1000x128xf32>
      tpu.vector_store %arg4[%swap3A, %swap3A_29], %exp3A {strides = array<i32>} : memref<1000x128xf32, #tpu.memory_space<vmem>>, vector<1000x128xf32>,
      %mul3A_31 = arith.mulf %add3A_8, %exp3A : vector<1000x128xf32>
      %swap3A_32 = arith.constant 0 : index
      %swap3A_33 = arith.constant 0 : index
      %swap3A_34 = vector.load %arg5[%swap3A_32, %swap3A_33] : memref<1000x128xf32, #tpu.memory_space<vmem>>, vector<1000x128xf32>
      tpu.vector_store %arg5[%swap3A_32, %swap3A_33], %mul3A_31 {strides = array<i32>} : memref<1000x128xf32, #tpu.memory_space<vmem>>, vector<1000x128xf32>,
    } else {
    }
    return
  }
  func.func @transform_0(%arg0: i32, %arg1: i32) -> (i32, i32) {
    %c0_i32 = arith.constant 0 : i32
    %c0_i32_0 = arith.constant 0 : i32
    return %arg1, %c0_i32 : i32, i32
  }
  func.func @transform_1(%arg0: i32, %arg1: i32) -> (i32, i32) {
    %c0_i32 = arith.constant 0 : i32
    %c0_i32_0 = arith.constant 0 : i32
    %c0_i32_1 = arith.constant 0 : i32
    return %c0_i32, %c0_i32_0 : i32, i32
  }
  func.func @transform_2(%arg0: i32, %arg1: i32) -> (i32, i32) {
    %mul3A = arith.muli %arg1, %arg0 : i32
    %c0_i32 = arith.constant 0 : i32
    %c0_i32_0 = arith.constant 0 : i32
    return %mul3A, %c0_i32 : i32, i32
  }
  func.func @transform_3(%arg0: i32, %arg1: i32) -> (i32, i32) {
    %mul3A = arith.muli %arg1, %arg0 : i32
    %c0_i32 = arith.constant 0 : i32
    %c0_i32_0 = arith.constant 0 : i32
    return %mul3A, %c0_i32 : i32, i32
  }
}

module attributes {stable_mosaic.version = 14 : i64} {
  func.func @_mlp_body(%arg0: i32, %arg1: i32, %arg2: memref<1000x128xf32, #tpu.memory_space<vmem>>, %arg3: memref<1000x128xf32, #tpu.memory_space<vmem>>, %arg4: memref<1000x128xf32, #tpu.memory_space<vmem>>, %arg5: memref<128x256xf32, #tpu.memory_space<vmem>>, %arg6: memref<1x256xf32, #tpu.memory_space<vmem>>, %arg7: memref<1x256xf32, #tpu.memory_space<vmem>>, %arg8: memref<1x256xf32, #tpu.memory_space<vmem>>, %arg9: memref<256x128xf32, #tpu.memory_space<vmem>>, %arg10: memref<1x128xf32, #tpu.memory_space<vmem>>, %arg11: memref<1x128xf32, #tpu.memory_space<vmem>>, %arg12: memref<1x128xf32, #tpu.memory_space<vmem>>, %arg13: memref<1000x128xf32, #tpu.memory_space<vmem>>, %arg14: memref<10000x256xf32, #tpu.memory_space<vmem>>, %arg15: memref<1x256xf32, #tpu.memory_space<vmem>>, %arg16: memref<1x256xf32, #tpu.memory_space<vmem>>) attributes {dimension_semantics = [#tpu.dimension_semantics<arbitrary>, #tpu.dimension_semantics<arbitrary>], iteration_bounds = array<i64: 2, 10>, scalar_prefetch = 0 : i64, scratch_operands = 3 : i64, tpu.core_type = #tpu.core_type<tc>, window_params = [{transform_indices = @transform_0, window_bounds = array<i64: 1000, 128>}, {transform_indices = @transform_1, window_bounds = array<i64: 1000, 128>}, {transform_indices = @transform_2, window_bounds = array<i64: 1000, 128>}, {pipeline_mode = #tpu.pipeline_mode<synchronous>, transform_indices = @transform_3, window_bounds = array<i64: 128, 256>}, {pipeline_mode = #tpu.pipeline_mode<synchronous>, transform_indices = @transform_4, window_bounds = array<i64: 1, 256>}, {pipeline_mode = #tpu.pipeline_mode<synchronous>, transform_indices = @transform_5, window_bounds = array<i64: 1, 256>}, {pipeline_mode = #tpu.pipeline_mode<synchronous>, transform_indices = @transform_6, window_bounds = array<i64: 1, 256>}, {pipeline_mode = #tpu.pipeline_mode<synchronous>, transform_indices = @transform_7, window_bounds = array<i64: 256, 128>}, {pipeline_mode = #tpu.pipeline_mode<synchronous>, transform_indices = @transform_8, window_bounds = array<i64: 1, 128>}, {pipeline_mode = #tpu.pipeline_mode<synchronous>, transform_indices = @transform_9, window_bounds = array<i64: 1, 128>}, {pipeline_mode = #tpu.pipeline_mode<synchronous>, transform_indices = @transform_10, window_bounds = array<i64: 1, 128>}, {transform_indices = @transform_11, window_bounds = array<i64: 1000, 128>}]} {
    %eq3A = arith.constant 0 : i32
    %eq3A_0 = arith.cmpi eq, %arg0, %eq3A : i32
    %convert_element_type3A = arith.extui %eq3A_0 : i1 to i32
    %cond3A = arith.constant 0 : i32
    %cond3A_1 = arith.cmpi ne, %convert_element_type3A, %cond3A : i32
    scf.if %cond3A_1 {
      %get3A = arith.constant 0 : index
      %get3A_7 = arith.constant 0 : index
      %get3A_8 = vector.load %arg3[%get3A, %get3A_7] : memref<1000x128xf32, #tpu.memory_space<vmem>>, vector<1000x128xf32>
      %get3A_9 = arith.constant 0 : index
      %get3A_10 = arith.constant 0 : index
      %get3A_11 = vector.load %arg2[%get3A_9, %get3A_10] : memref<1000x128xf32, #tpu.memory_space<vmem>>, vector<1000x128xf32>
      %add3A = arith.constant 1.000000e-16 : f32
      %add3A_12 = vector.broadcast %add3A : f32 to vector<1000x128xf32>
      %add3A_13 = arith.addf %get3A_11, %add3A_12 : vector<1000x128xf32>
      %div3A = arith.divf %get3A_8, %add3A_13 : vector<1000x128xf32>
      %get3A_14 = arith.constant 0 : index
      %get3A_15 = arith.constant 0 : index
      %get3A_16 = vector.load %arg4[%get3A_14, %get3A_15] : memref<1000x128xf32, #tpu.memory_space<vmem>>, vector<1000x128xf32>
      %add3A_17 = arith.addf %div3A, %get3A_16 : vector<1000x128xf32>
      %get3A_18 = arith.constant 0 : index
      %get3A_19 = arith.constant 0 : index
      %get3A_20 = vector.load %arg5[%get3A_18, %get3A_19] : memref<128x256xf32, #tpu.memory_space<vmem>>, vector<128x256xf32>
      %dot_general3A = arith.constant dense<0.000000e+00> : vector<1000x256xf32>
      %dot_general3A_21 = tpu.matmul %add3A_17, %get3A_20, %dot_general3A {dimension_numbers = #tpu.dot_dimension_numbers<[1], [0], [0], [1], [0, 0, 1, 1], [], []>, transpose_lhs_hint = false} : vector<1000x128xf32>, vector<128x256xf32>, vector<1000x256xf32> -> vector<1000x256xf32>
      %get3A_22 = arith.constant 0 : index
      %get3A_23 = arith.constant 0 : index
      %get3A_24 = vector.load %arg6[%get3A_22, %get3A_23] : memref<1x256xf32, #tpu.memory_space<vmem>>, vector<1x256xf32>
      %add3A_25 = vector.broadcast %get3A_24 : vector<1x256xf32> to vector<1000x256xf32>
      %add3A_26 = arith.addf %dot_general3A_21, %add3A_25 : vector<1000x256xf32>
      %mul3A = arith.constant 1000 : i32
      %mul3A_27 = arith.muli %arg1, %mul3A : i32
      %swap3A = arith.index_cast %mul3A_27 : i32 to index
      %swap3A_28 = arith.constant 0 : index
      %swap3A_29 = vector.load %arg14[%swap3A, %swap3A_28] : memref<10000x256xf32, #tpu.memory_space<vmem>>, vector<1000x256xf32>
      tpu.vector_store %arg14[%swap3A, %swap3A_28], %add3A_26 {strides = array<i32>} : memref<10000x256xf32, #tpu.memory_space<vmem>>, vector<1000x256xf32>,
      %reduce_sum3A = arith.constant dense<0.000000e+00> : vector<256xf32>
      %reduce_sum3A_30 = vector.multi_reduction <add>, %add3A_26, %reduce_sum3A [0] : vector<1000x256xf32> to vector<256xf32>
      %broadcast_in_dim3A = vector.shape_cast %reduce_sum3A_30 : vector<256xf32> to vector<1x256xf32>
      %mul3A_31 = arith.mulf %add3A_26, %add3A_26 : vector<1000x256xf32>
      %reduce_sum3A_32 = arith.constant dense<0.000000e+00> : vector<256xf32>
      %reduce_sum3A_33 = vector.multi_reduction <add>, %mul3A_31, %reduce_sum3A_32 [0] : vector<1000x256xf32> to vector<256xf32>
      %broadcast_in_dim3A_34 = vector.shape_cast %reduce_sum3A_33 : vector<256xf32> to vector<1x256xf32>
      %eq3A_35 = arith.constant 0 : i32
      %eq3A_36 = arith.cmpi eq, %arg1, %eq3A_35 : i32
      %convert_element_type3A_37 = arith.extui %eq3A_36 : i1 to i32
      %cond3A_38 = arith.constant 0 : i32
      %cond3A_39 = arith.cmpi ne, %convert_element_type3A_37, %cond3A_38 : i32
      scf.if %cond3A_39 {
        %swap3A_44 = arith.constant 0 : index
        %swap3A_45 = arith.constant 0 : index
        %swap3A_46 = vector.load %arg15[%swap3A_44, %swap3A_45] : memref<1x256xf32, #tpu.memory_space<vmem>>, vector<1x256xf32>
        tpu.vector_store %arg15[%swap3A_44, %swap3A_45], %broadcast_in_dim3A {strides = array<i32>} : memref<1x256xf32, #tpu.memory_space<vmem>>, vector<1x256xf32>,
        %swap3A_47 = arith.constant 0 : index
        %swap3A_48 = arith.constant 0 : index
        %swap3A_49 = vector.load %arg16[%swap3A_47, %swap3A_48] : memref<1x256xf32, #tpu.memory_space<vmem>>, vector<1x256xf32>
        tpu.vector_store %arg16[%swap3A_47, %swap3A_48], %broadcast_in_dim3A_34 {strides = array<i32>} : memref<1x256xf32, #tpu.memory_space<vmem>>, vector<1x256xf32>,
      } else {
      }
      %ne3A = arith.constant 0 : i32
      %ne3A_40 = arith.cmpi ne, %arg1, %ne3A : i32
      %convert_element_type3A_41 = arith.extui %ne3A_40 : i1 to i32
      %cond3A_42 = arith.constant 0 : i32
      %cond3A_43 = arith.cmpi ne, %convert_element_type3A_41, %cond3A_42 : i32
      scf.if %cond3A_43 {
        %get3A_44 = arith.constant 0 : index
        %get3A_45 = arith.constant 0 : index
        %get3A_46 = vector.load %arg15[%get3A_44, %get3A_45] : memref<1x256xf32, #tpu.memory_space<vmem>>, vector<1x256xf32>
        %add3A_47 = arith.addf %get3A_46, %broadcast_in_dim3A : vector<1x256xf32>
        %swap3A_48 = arith.constant 0 : index
        %swap3A_49 = arith.constant 0 : index
        %swap3A_50 = vector.load %arg15[%swap3A_48, %swap3A_49] : memref<1x256xf32, #tpu.memory_space<vmem>>, vector<1x256xf32>
        tpu.vector_store %arg15[%swap3A_48, %swap3A_49], %add3A_47 {strides = array<i32>} : memref<1x256xf32, #tpu.memory_space<vmem>>, vector<1x256xf32>,
        %get3A_51 = arith.constant 0 : index
        %get3A_52 = arith.constant 0 : index
        %get3A_53 = vector.load %arg16[%get3A_51, %get3A_52] : memref<1x256xf32, #tpu.memory_space<vmem>>, vector<1x256xf32>
        %add3A_54 = arith.addf %get3A_53, %broadcast_in_dim3A_34 : vector<1x256xf32>
        %swap3A_55 = arith.constant 0 : index
        %swap3A_56 = arith.constant 0 : index
        %swap3A_57 = vector.load %arg16[%swap3A_55, %swap3A_56] : memref<1x256xf32, #tpu.memory_space<vmem>>, vector<1x256xf32>
        tpu.vector_store %arg16[%swap3A_55, %swap3A_56], %add3A_54 {strides = array<i32>} : memref<1x256xf32, #tpu.memory_space<vmem>>, vector<1x256xf32>,
      } else {
      }
    } else {
    }
    %eq3A_2 = arith.constant 1 : i32
    %eq3A_3 = arith.cmpi eq, %arg0, %eq3A_2 : i32
    %convert_element_type3A_4 = arith.extui %eq3A_3 : i1 to i32
    %cond3A_5 = arith.constant 0 : i32
    %cond3A_6 = arith.cmpi ne, %convert_element_type3A_4, %cond3A_5 : i32
    scf.if %cond3A_6 {
      %get3A = arith.constant 0 : index
      %get3A_7 = arith.constant 0 : index
      %get3A_8 = vector.load %arg15[%get3A, %get3A_7] : memref<1x256xf32, #tpu.memory_space<vmem>>, vector<1x256xf32>
      %mul3A = arith.constant 9.99999974E-5 : f32
      %mul3A_9 = vector.broadcast %mul3A : f32 to vector<1x256xf32>
      %mul3A_10 = arith.mulf %get3A_8, %mul3A_9 : vector<1x256xf32>
      %get3A_11 = arith.constant 0 : index
      %get3A_12 = arith.constant 0 : index
      %get3A_13 = vector.load %arg16[%get3A_11, %get3A_12] : memref<1x256xf32, #tpu.memory_space<vmem>>, vector<1x256xf32>
      %mul3A_14 = arith.constant 9.99999974E-5 : f32
      %mul3A_15 = vector.broadcast %mul3A_14 : f32 to vector<1x256xf32>
      %mul3A_16 = arith.mulf %get3A_13, %mul3A_15 : vector<1x256xf32>
      %mul3A_17 = arith.mulf %mul3A_10, %mul3A_10 : vector<1x256xf32>
      %sub3A = arith.subf %mul3A_16, %mul3A_17 : vector<1x256xf32>
      %mul3A_18 = arith.constant 1000 : i32
      %mul3A_19 = arith.muli %arg1, %mul3A_18 : i32
      %get3A_20 = arith.index_cast %mul3A_19 : i32 to index
      %get3A_21 = arith.constant 0 : index
      %get3A_22 = vector.load %arg14[%get3A_20, %get3A_21] : memref<10000x256xf32, #tpu.memory_space<vmem>>, vector<1000x256xf32>
      %sub3A_23 = vector.broadcast %mul3A_10 : vector<1x256xf32> to vector<1000x256xf32>
      %sub3A_24 = arith.subf %get3A_22, %sub3A_23 : vector<1000x256xf32>
      %add3A = arith.constant 9.99999974E-6 : f32
      %add3A_25 = vector.broadcast %add3A : f32 to vector<1x256xf32>
      %add3A_26 = arith.addf %sub3A, %add3A_25 : vector<1x256xf32>
      %rsqrt3A = math.rsqrt %add3A_26 : vector<1x256xf32>
      %mul3A_27 = vector.broadcast %rsqrt3A : vector<1x256xf32> to vector<1000x256xf32>
      %mul3A_28 = arith.mulf %sub3A_24, %mul3A_27 : vector<1000x256xf32>
      %get3A_29 = arith.constant 0 : index
      %get3A_30 = arith.constant 0 : index
      %get3A_31 = vector.load %arg7[%get3A_29, %get3A_30] : memref<1x256xf32, #tpu.memory_space<vmem>>, vector<1x256xf32>
      %mul3A_32 = vector.broadcast %get3A_31 : vector<1x256xf32> to vector<1000x256xf32>
      %mul3A_33 = arith.mulf %mul3A_28, %mul3A_32 : vector<1000x256xf32>
      %get3A_34 = arith.constant 0 : index
      %get3A_35 = arith.constant 0 : index
      %get3A_36 = vector.load %arg8[%get3A_34, %get3A_35] : memref<1x256xf32, #tpu.memory_space<vmem>>, vector<1x256xf32>
      %add3A_37 = vector.broadcast %get3A_36 : vector<1x256xf32> to vector<1000x256xf32>
      %add3A_38 = arith.addf %mul3A_33, %add3A_37 : vector<1000x256xf32>
      %max3A = arith.constant 0.000000e+00 : f32
      %max3A_39 = vector.broadcast %max3A : f32 to vector<1000x256xf32>
      %max3A_40 = arith.maximumf %add3A_38, %max3A_39 : vector<1000x256xf32>
      %get3A_41 = arith.constant 0 : index
      %get3A_42 = arith.constant 0 : index
      %get3A_43 = vector.load %arg9[%get3A_41, %get3A_42] : memref<256x128xf32, #tpu.memory_space<vmem>>, vector<256x128xf32>
      %dot_general3A = arith.constant dense<0.000000e+00> : vector<1000x128xf32>
      %dot_general3A_44 = tpu.matmul %max3A_40, %get3A_43, %dot_general3A {dimension_numbers = #tpu.dot_dimension_numbers<[1], [0], [0], [1], [0, 0, 1, 1], [], []>, transpose_lhs_hint = false} : vector<1000x256xf32>, vector<256x128xf32>, vector<1000x128xf32> -> vector<1000x128xf32>
      %get3A_45 = arith.constant 0 : index
      %get3A_46 = arith.constant 0 : index
      %get3A_47 = vector.load %arg10[%get3A_45, %get3A_46] : memref<1x128xf32, #tpu.memory_space<vmem>>, vector<1x128xf32>
      %add3A_48 = vector.broadcast %get3A_47 : vector<1x128xf32> to vector<1000x128xf32>
      %add3A_49 = arith.addf %dot_general3A_44, %add3A_48 : vector<1000x128xf32>
      %reduce_sum3A = arith.constant dense<0.000000e+00> : vector<1000xf32>
      %reduce_sum3A_50 = vector.multi_reduction <add>, %add3A_49, %reduce_sum3A [1] : vector<1000x128xf32> to vector<1000xf32>
      %broadcast_in_dim3A = vector.shape_cast %reduce_sum3A_50 : vector<1000xf32> to vector<1000x1xf32>
      %div3A = arith.constant 1.280000e+02 : f32
      %div3A_51 = vector.broadcast %div3A : f32 to vector<1000x1xf32>
      %div3A_52 = arith.divf %broadcast_in_dim3A, %div3A_51 : vector<1000x1xf32>
      %sub3A_53 = vector.broadcast %div3A_52 : vector<1000x1xf32> to vector<1000x128xf32>
      %sub3A_54 = arith.subf %add3A_49, %sub3A_53 : vector<1000x128xf32>
      %integer_pow3A = arith.mulf %sub3A_54, %sub3A_54 : vector<1000x128xf32>
      %reduce_sum3A_55 = arith.constant dense<0.000000e+00> : vector<1000xf32>
      %reduce_sum3A_56 = vector.multi_reduction <add>, %integer_pow3A, %reduce_sum3A_55 [1] : vector<1000x128xf32> to vector<1000xf32>
      %broadcast_in_dim3A_57 = vector.shape_cast %reduce_sum3A_56 : vector<1000xf32> to vector<1000x1xf32>
      %div3A_58 = arith.constant 1.280000e+02 : f32
      %div3A_59 = vector.broadcast %div3A_58 : f32 to vector<1000x1xf32>
      %div3A_60 = arith.divf %broadcast_in_dim3A_57, %div3A_59 : vector<1000x1xf32>
      %sub3A_61 = vector.broadcast %div3A_52 : vector<1000x1xf32> to vector<1000x128xf32>
      %sub3A_62 = arith.subf %add3A_49, %sub3A_61 : vector<1000x128xf32>
      %add3A_63 = arith.constant 9.99999974E-6 : f32
      %add3A_64 = vector.broadcast %add3A_63 : f32 to vector<1000x1xf32>
      %add3A_65 = arith.addf %div3A_60, %add3A_64 : vector<1000x1xf32>
      %rsqrt3A_66 = math.rsqrt %add3A_65 : vector<1000x1xf32>
      %mul3A_67 = vector.broadcast %rsqrt3A_66 : vector<1000x1xf32> to vector<1000x128xf32>
      %mul3A_68 = arith.mulf %sub3A_62, %mul3A_67 : vector<1000x128xf32>
      %get3A_69 = arith.constant 0 : index
      %get3A_70 = arith.constant 0 : index
      %get3A_71 = vector.load %arg11[%get3A_69, %get3A_70] : memref<1x128xf32, #tpu.memory_space<vmem>>, vector<1x128xf32>
      %mul3A_72 = vector.broadcast %get3A_71 : vector<1x128xf32> to vector<1000x128xf32>
      %mul3A_73 = arith.mulf %mul3A_68, %mul3A_72 : vector<1000x128xf32>
      %get3A_74 = arith.constant 0 : index
      %get3A_75 = arith.constant 0 : index
      %get3A_76 = vector.load %arg12[%get3A_74, %get3A_75] : memref<1x128xf32, #tpu.memory_space<vmem>>, vector<1x128xf32>
      %add3A_77 = vector.broadcast %get3A_76 : vector<1x128xf32> to vector<1000x128xf32>
      %add3A_78 = arith.addf %mul3A_73, %add3A_77 : vector<1000x128xf32>
      %max3A_79 = arith.constant 0.000000e+00 : f32
      %max3A_80 = vector.broadcast %max3A_79 : f32 to vector<1000x128xf32>
      %max3A_81 = arith.maximumf %add3A_78, %max3A_80 : vector<1000x128xf32>
      %mul3A_82 = arith.constant 5.000000e-01 : f32
      %mul3A_83 = vector.broadcast %mul3A_82 : f32 to vector<1000x128xf32>
      %mul3A_84 = arith.mulf %mul3A_83, %max3A_81 : vector<1000x128xf32>
      %mul3A_85 = arith.constant 5.000000e-01 : f32
      %mul3A_86 = vector.broadcast %mul3A_85 : f32 to vector<1000x128xf32>
      %mul3A_87 = arith.mulf %mul3A_86, %add3A_78 : vector<1000x128xf32>
      %add3A_88 = arith.addf %mul3A_84, %mul3A_87 : vector<1000x128xf32>
      %get3A_89 = arith.constant 0 : index
      %get3A_90 = arith.constant 0 : index
      %get3A_91 = vector.load %arg4[%get3A_89, %get3A_90] : memref<1000x128xf32, #tpu.memory_space<vmem>>, vector<1000x128xf32>
      %mul3A_92 = arith.constant 5.000000e-01 : f32
      %mul3A_93 = vector.broadcast %mul3A_92 : f32 to vector<1000x128xf32>
      %mul3A_94 = arith.mulf %mul3A_93, %get3A_91 : vector<1000x128xf32>
      %add3A_95 = arith.addf %mul3A_94, %add3A_88 : vector<1000x128xf32>
      %swap3A = arith.constant 0 : index
      %swap3A_96 = arith.constant 0 : index
      %swap3A_97 = vector.load %arg13[%swap3A, %swap3A_96] : memref<1000x128xf32, #tpu.memory_space<vmem>>, vector<1000x128xf32>
      tpu.vector_store %arg13[%swap3A, %swap3A_96], %add3A_95 {strides = array<i32>} : memref<1000x128xf32, #tpu.memory_space<vmem>>, vector<1000x128xf32>,
    } else {
    }
    return
  }
  func.func @transform_0(%arg0: i32, %arg1: i32) -> (i32, i32) {
    %c0_i32 = arith.constant 0 : i32
    %c0_i32_0 = arith.constant 0 : i32
    return %arg1, %c0_i32 : i32, i32
  }
  func.func @transform_1(%arg0: i32, %arg1: i32) -> (i32, i32) {
    %add3A = arith.constant 10 : i32
    %add3A_0 = arith.addi %add3A, %arg1 : i32
    %c0_i32 = arith.constant 0 : i32
    %c0_i32_1 = arith.constant 0 : i32
    return %add3A_0, %c0_i32 : i32, i32
  }
  func.func @transform_2(%arg0: i32, %arg1: i32) -> (i32, i32) {
    %c0_i32 = arith.constant 0 : i32
    %c0_i32_0 = arith.constant 0 : i32
    return %arg1, %c0_i32 : i32, i32
  }
  func.func @transform_3(%arg0: i32, %arg1: i32) -> (i32, i32) {
    %c0_i32 = arith.constant 0 : i32
    %c0_i32_0 = arith.constant 0 : i32
    %c0_i32_1 = arith.constant 0 : i32
    return %c0_i32, %c0_i32_0 : i32, i32
  }
  func.func @transform_4(%arg0: i32, %arg1: i32) -> (i32, i32) {
    %c0_i32 = arith.constant 0 : i32
    %c0_i32_0 = arith.constant 0 : i32
    %c0_i32_1 = arith.constant 0 : i32
    return %c0_i32, %c0_i32_0 : i32, i32
  }
  func.func @transform_5(%arg0: i32, %arg1: i32) -> (i32, i32) {
    %c0_i32 = arith.constant 0 : i32
    %c0_i32_0 = arith.constant 0 : i32
    %c0_i32_1 = arith.constant 0 : i32
    return %c0_i32, %c0_i32_0 : i32, i32
  }
  func.func @transform_6(%arg0: i32, %arg1: i32) -> (i32, i32) {
    %c0_i32 = arith.constant 0 : i32
    %c0_i32_0 = arith.constant 0 : i32
    %c0_i32_1 = arith.constant 0 : i32
    return %c0_i32, %c0_i32_0 : i32, i32
  }
  func.func @transform_7(%arg0: i32, %arg1: i32) -> (i32, i32) {
    %c0_i32 = arith.constant 0 : i32
    %c0_i32_0 = arith.constant 0 : i32
    %c0_i32_1 = arith.constant 0 : i32
    return %c0_i32, %c0_i32_0 : i32, i32
  }
  func.func @transform_8(%arg0: i32, %arg1: i32) -> (i32, i32) {
    %c0_i32 = arith.constant 0 : i32
    %c0_i32_0 = arith.constant 0 : i32
    %c0_i32_1 = arith.constant 0 : i32
    return %c0_i32, %c0_i32_0 : i32, i32
  }
  func.func @transform_9(%arg0: i32, %arg1: i32) -> (i32, i32) {
    %c0_i32 = arith.constant 0 : i32
    %c0_i32_0 = arith.constant 0 : i32
    %c0_i32_1 = arith.constant 0 : i32
    return %c0_i32, %c0_i32_0 : i32, i32
  }
  func.func @transform_10(%arg0: i32, %arg1: i32) -> (i32, i32) {
    %c0_i32 = arith.constant 0 : i32
    %c0_i32_0 = arith.constant 0 : i32
    %c0_i32_1 = arith.constant 0 : i32
    return %c0_i32, %c0_i32_0 : i32, i32
  }
  func.func @transform_11(%arg0: i32, %arg1: i32) -> (i32, i32) {
    %mul3A = arith.muli %arg1, %arg0 : i32
    %c0_i32 = arith.constant 0 : i32
    %c0_i32_0 = arith.constant 0 : i32
    return %mul3A, %c0_i32 : i32, i32
  }
}

</mosaic_0001>

<sc_bundles>
// kernel: kernel.5.cloned.1.call-start
scs
__scs_entry_jumppad:
0x0: {  	(pc) =	sbr.rel $0x88, $3  }
0x1: {  	(tag) =	ssettag $0x0;
	lr =	simm.s32 $0x1  }
0x2: {  	[smem:$0x3F96] =	sst lr;
	_ =	strace $0xD0000000  }
0x3: {  	_ = 	snop  }
0x4: {  	_ = 	snop  }
0x5: {  	_ = 	snop  }
0x6: {  	_ = 	snop  }
0x7: {  	_ = 	snop  }
__scs_overlays_trampoline_lowered:
0x8: {  	[smem:$0x3FA5] =	sst s0  }
0x9: {  	[smem:$0x3FA6] =	sst s1  }
0xa: {  	[smem:$0x3FA7] =	sst s2  }
0xb: {  	[smem:$0x3FA8] =	sst s3  }
0xc: {  	[smem:$0x3FA9] =	sst s4  }
0xd: {  	[smem:$0x3FAA] =	sst s5  }
0xe: {  	[smem:$0x3FAB] =	sst s6  }
0xf: {  	[smem:$0x3FAC] =	sst s7  }
0x10: {  	[smem:$0x3FAD] =	sst s8  }
0x11: {  	[smem:$0x3FAE] =	sst s9;
	s0 =	simm.s32 @!p0 $0x0  }
0x12: {  	s1 =	sld [smem:$0x3F94];
	s0 =	simm.s32 @p0 $0x1  }
0x13: {  	[smem:$0x3FAF] =	sst s0;
	s0 =	simm.s32 @!p1 $0x0  }
0x14: {  	s2 =	sld [smem:$0x3F93];
	s0 =	simm.s32 @p1 $0x1  }
0x15: {  	[smem:$0x3FB0] =	sst s0;
	s0 =	simm.s32 @!p2 $0x0  }
0x16: {  	s3 =	sld [smem:$0x3FDB];
	s0 =	simm.s32 @p2 $0x1  }
0x17: {  	s4 =	simm.s32 $0x1BF5;
	[smem:$0x3FB2] =	sst s0  }
0x18: {  	s0 =	sld [smem:$0x3F95];
	_ =	swait.ge [sflag:s4], $0x0  }
0x19: {  	s7 =	sld [smem:$0x3F96]  }
0x1a: {  	s8 =	sadd.s32 $0xFFFFE003, lr  }
0x1b: {  	s9 =	sadd.s32 $0xFFFFFEF7, lr;
	s5 =	simm.s32 $0xFFFFFFFF;
	p2 =	slt.u32 s8, $0xFFFFF086  }
0x1c: {  	p1 =	slt.u32 s9, $0xF7A;
	s5 =	simm.s32 @!p2 $0x0  }
0x1d: {  	s5 =	simm.s32 @p1 $0x1;
	p0 =	seq.s32 s7, s2  }
0x1e: {  	s7 =	smul.u32 @!p0 $0xF7A, s2;
	p2 =	seq.s32 @!p0 s5, $0x0  }
0x1f: {  	s9 =	smul.u32 $0xF7A, s1;
	s8 =	simm.s32 @!p0 $0x1BF5;
	p2 =	por !p2, p0  }
0x20: {  	[sflag:s8] =	ssyncset.s32 @!p0 $0xFFFFF086;
	s6 =	sadd.s32 @!p0 s3, s7;
	s7 =	simm.s32 @!p0 $0x108  }
0x21: {  	s3 =	sadd.s32 s3, s9;
	s6 =	sadd.s32 @!p0 $0x88, s6;
	s7 =	simm.s32 @p2 $0x1082  }
0x22: {  	[simem:s7], [sflag:s8] =	dma.local @!p0 [hbm:s6], $0xF7A  }
0x23: {  	s9 =	sor.u32 $0xD0000000, s2;
	s6 =	simm.s32 $0x108;
	_ =	swait.ge @!p0 [sflag:s8], $0x0  }
0x24: {  	s3 =	sadd.s32 $0x88, s3;
	s6 =	simm.s32 @!p1 $0x1082;
	[sflag:s4] =	ssyncset.s32 $0xFFFFF086  }
0x25: {  	[simem:s6], [sflag:s4] =	dma.local [hbm:s3], $0xF7A  }
0x26: {  	[smem:$0x3F96] =	sst s1;
	(tag) =	ssettag s2;
	_ =	strace s9  }
0x27: {  	s1 =	sld [smem:$0x3FA6]  }
0x28: {  	s2 =	sld [smem:$0x3FA7]  }
0x29: {  	s4 =	sld [smem:$0x3FA9]  }
0x2a: {  	p0 =	seq.s32 s5, $0x0;
	s5 =	sld [smem:$0x3FAA]  }
0x2b: {  	s6 =	sld [smem:$0x3FAB]  }
0x2c: {  	s7 =	sld [smem:$0x3FAC]  }
0x2d: {  	s3 =	simm.s32 $0x108;
	s8 =	sld [smem:$0x3FAD]  }
0x2e: {  	s3 =	simm.s32 @!p0 $0x1082;
	s9 =	sld [smem:$0x3FAE]  }
0x2f: {  	lr =	sadd.s32 s0, s3;
	s0 =	sld [smem:$0x3FA5]  }
0x30: {  	s3 =	sld [smem:$0x3FA8]  }
0x31: {  	[smem:$0x3FB1] =	sst s10  }
0x32: {  	s10 =	sld [smem:$0x3FAF];
	_ =	sdelay $0x3  }
0x33: {  	p0 =	seq.s32 s10, $0x1;
	s10 =	sld [smem:$0x3FB1];
	_ =	sdelay $0x3  }
0x34: {  	[smem:$0x3FB1] =	sst s10  }
0x35: {  	s10 =	sld [smem:$0x3FB0];
	_ =	sdelay $0x3  }
0x36: {  	p1 =	seq.s32 s10, $0x1;
	s10 =	sld [smem:$0x3FB1];
	_ =	sdelay $0x3  }
0x37: {  	[smem:$0x3FB1] =	sst s10  }
0x38: {  	s10 =	sld [smem:$0x3FB2]  }
0x39: {  	_ = 	snop;
	(pc) =	sbr.ind lr, $3  }
0x3a: {  	_ = 	snop  }
0x3b: {  	_ = 	snop  }
0x3c: {  	p2 =	seq.s32 s10, $0x1;
	s10 =	sld [smem:$0x3FB1]  }
0x3d: {  	_ =	shalt  }
0x3e: {  	_ =	shalt  }
0x3f: {  	_ =	shalt  }
0x40: {  	_ =	shalt  }
0x41: {  	_ =	shalt  }
0x42: {  	_ =	shalt  }
0x43: {  	_ =	shalt  }
0x44: {  	_ =	shalt  }
0x45: {  	_ =	shalt  }
0x46: {  	_ =	shalt  }
0x47: {  	_ =	shalt  }
0x48: {  	_ =	shalt  }
0x49: {  	_ =	shalt  }
0x4a: {  	_ =	shalt  }
0x4b: {  	_ =	shalt  }
0x4c: {  	_ =	shalt  }
0x4d: {  	_ =	shalt  }
0x4e: {  	_ =	shalt  }
0x4f: {  	_ =	shalt  }
0x50: {  	_ =	shalt  }
0x51: {  	_ =	shalt  }
0x52: {  	_ =	shalt  }
0x53: {  	_ =	shalt  }
0x54: {  	_ =	shalt  }
0x55: {  	_ =	shalt  }
0x56: {  	_ =	shalt  }
0x57: {  	_ =	shalt  }
0x58: {  	_ =	shalt  }
0x59: {  	_ =	shalt  }
0x5a: {  	_ =	shalt  }
0x5b: {  	_ =	shalt  }
0x5c: {  	_ =	shalt  }
0x5d: {  	_ =	shalt  }
0x5e: {  	_ =	shalt  }
0x5f: {  	_ =	shalt  }
0x60: {  	_ =	shalt  }
0x61: {  	_ =	shalt  }
0x62: {  	_ =	shalt  }
0x63: {  	_ =	shalt  }
0x64: {  	_ =	shalt  }
0x65: {  	_ =	shalt  }
0x66: {  	_ =	shalt  }
0x67: {  	_ =	shalt  }
0x68: {  	_ =	shalt  }
0x69: {  	_ =	shalt  }
0x6a: {  	_ =	shalt  }
0x6b: {  	_ =	shalt  }
0x6c: {  	_ =	shalt  }
0x6d: {  	_ =	shalt  }
0x6e: {  	_ =	shalt  }
0x6f: {  	_ =	shalt  }
0x70: {  	_ =	shalt  }
0x71: {  	_ =	shalt  }
0x72: {  	_ =	shalt  }
0x73: {  	_ =	shalt  }
0x74: {  	_ =	shalt  }
0x75: {  	_ =	shalt  }
0x76: {  	_ =	shalt  }
0x77: {  	_ =	shalt  }
0x78: {  	_ =	shalt  }
0x79: {  	_ =	shalt  }
0x7a: {  	_ =	shalt  }
0x7b: {  	_ =	shalt  }
0x7c: {  	_ =	shalt  }
0x7d: {  	_ =	shalt  }
0x7e: {  	_ =	shalt  }
0x7f: {  	_ =	shalt  }
0x80: {  	_ =	shalt  }
0x81: {  	_ =	shalt  }
0x82: {  	_ =	shalt  }
0x83: {  	_ =	shalt  }
0x84: {  	_ =	shalt  }
0x85: {  	_ =	shalt  }
0x86: {  	_ =	shalt  }
0x87: {  	_ =	shalt  }
.Lfunc_end0:
.L_simem_size_0:
called_computation_lowered:
.L_overlay_start_0:
0x88: {  	s2 =	sld [smem:$0x3FD9]  }
0x89: {  	s3 =	sld [smem:$0x3FFE];
	_ =	sdelay $0x1  }
0x8a: {  	s1 =	srdreg.scid  }
0x8b: {  	s0 =	sand.u32 $0x1, s1  }
0x8c: {  	s17 =	sshll.u32 s0, $0xA;
	s2 =	sadd.s32 s3, s2  }
0x8d: {  	s2 =	sadd.s32 s2, s17  }
0x8e: {  	[smem:$0x3FBD] =	sst s2  }
0x8f: {  	_ = 	snop  }
0x90: {  	s2 =	sld [smem:$0x3FD0];
	(tm) =	ssettm $0x1  }
0x91: {  	s18 =	sld [smem:$0x3FFB];
	_ =	sdelay $0x3  }
0x92: {  	_ =	strace s18  }
0x93: {  	s3 =	sld [smem:$0x3FFC];
	_ =	sdelay $0x3  }
0x94: {  	_ =	strace s3  }
0x95: {  	s3 =	sld [smem:$0x3FFD];
	_ =	sdelay $0x3  }
0x96: {  	_ =	strace s3  }
0x97: {  	_ =	strace $0x8FFFFFFF  }
0x98: {  	s19 =	sld [smem:$0x3FDB];
	_ =	sdelay $0x1  }
0x99: {  	s4 =	simm.s32 $_scs_section_size  }
0x9a: {  	s5 =	simm.s32 $_size__tile_overlayer_lowered;
	s6 =	simm.s32 $_tile_overlayer_lowered  }
0x9b: {  	s22 =	simm.s32 $0x1BFF;
	s21 =	sshll.u32 s6, $0x1;
	s3 =	sadd.s32 s4, s19  }
0x9c: {  	s7 =	simm.s32 $0x0;
	s20 =	sshll.u32 s5, $0x1;
	s5 =	sadd.s32 s21, s3  }
0x9d: {  	[timem:s7], [sflag:s22] =	dma.local [hbm:s5], s20  }
0x9e: {  	_ =	swait.ge [sflag:s22], s20  }
0x9f: {  	s4 =	ssub.s32 $0x0, s20;
	[sflag:s22] =	ssyncset.done $0x0  }
0xa0: {  	[sflag:s22] =	ssyncadd.s32 s4;
	_ =	sdelay $0x1  }
0xa1: {  	s23 =	simm.s32 $0x1B8B  }
0xa2: {  	_ =	swait.ge [sflag:s23], $0x1  }
0xa3: {  	[sflag:s23] =	ssyncset.done $0x0  }
0xa4: {  	s25 =	simm.s32 $0x1B8E;
	s24 =	sld [smem:$0x3FFE];
	[sflag:s23] =	ssyncadd.s32 $0xFFFFFFFF  }
0xa5: {  	s26 =	simm.s32 $execute0_lowered;
	[smem:$0x3FD2] =	sst s25  }
0xa6: {  	s5 =	sshll.u32 s26, $0x1;
	_ =	strace $0x80000046;
	[dreg:$0x1] =	wrdreg $0xFFFFFFFF  }
0xa7: {  	s28 =	simm.s32 $_size_execute0_lowered;
	s3 =	sadd.s32 s3, s5;
	[dreg:$0x0] =	wrdreg $0x0  }
0xa8: {  	s5 =	sshll.u32 s28, $0x1;
	[dreg:$0x2] =	wrdreg s3  }
0xa9: {  	[dreg:$0x3] =	wrdreg s5  }
0xaa: {  	[dreg:$0x4] =	wrdreg $0xC0  }
0xab: {  	_ =	task [dreg:s7], $0x5FFFF  }
0xac: {  	[dreg:$0x1] =	wrdreg $0xFFFFFFFF  }
0xad: {  	[dreg:$0x0] =	wrdreg $0x60  }
0xae: {  	[dreg:$0x2] =	wrdreg s2  }
0xaf: {  	[dreg:$0x3] =	wrdreg s24  }
0xb0: {  	[dreg:$0x4] =	wrdreg $0xAA000  }
0xb1: {  	[dreg:$0x5] =	wrdreg $0x9  }
0xb2: {  	_ =	task.clear_ibuf [dreg:s7], $0x6FFFF;
	_ =	strace $0x90000046  }
0xb3: {  	s29 =	simm.s32 $0x9;
	_ =	strace $0x80000048  }
0xb4: {  	_ =	swait.ge [sflag:s29], $0x1  }
0xb5: {  	[sflag:s29] =	ssyncadd.s32 $0xFFFFFFFF  }
0xb6: {  	_ =	strace $0x90000048  }
0xb7: {  	_ =	sfence  }
0xb8: {  	s30 =	sld [smem:$0x0];
	_ =	sdelay $0x2  }
0xb9: {  	s31 =	sshll.u32 s1, $0xD;
	s1 =	sshrl.u32 s1, $0x2  }
0xba: {  	s3 =	sand.u32 $0x4000, s31;
	s1 =	sadd.s32 s1, s30  }
0xbb: {  	s0 =	sor.u32 s3, s0;
	s1 =	sshll.u32 s1, $0x11  }
0xbc: {  	s0 =	sor.u32 s1, s0  }
0xbd: {  	s0 =	sadd.s32 $0x8F2B, s0  }
0xbe: {  	[sflag:s0] =	ssyncadd.remote.s32 $0x1  }
0xbf: {  	_ =	sfence.sel $0xFFFF  }
0xc0: {  	[dreg:$0x0] =	wrdreg $0xFFFFFFFF;
	(pc) =	sbr.abs _section_cstart, $3  }
0xc1: {  	[dreg:$0x1] =	wrdreg $0xFFFFFFFF  }
0xc2: {  	_ =	task.clear_ibuf [dreg:s7], $0x2FFFF;
	_ =	strace $0x9FFFFFFF  }
0xc3: {  	(tm) =	ssettm $0x7FFFFFFF  }
tec
execute0_lowered:
.L_overlay_start_1:
0x0: {  	(tag) =	ssettag $0x1  }
0x1: {  	s0 =	rddreg [dreg:$0x0]  }
0x2: {  	s1 =	rddreg [dreg:$0x1]  }
0x3: {  	s2 =	rddreg [dreg:$0x2]  }
0x4: {  	s5 =	simm.s32 $0x0;
	s3 =	stileid.u32;
	s4 =	srdreg.scid  }
0x5: {  	s31 =	simm.s32 $0x900;
	s14 =	simm.s32 $0xA00;
	s28 =	simm.s32 $0x4A00  }
0x6: {  	s15 =	simm.s32 $0x8A00;
	[smem:$0x7FF] =	sst s5;
	s16 =	smul.u32 $0x2800, s3  }
0x7: {  	s7 =	sand.u32 $0x1, s4;
	s4 =	sadd.s32 $0x29C00, s1;
	s21 =	smul.u32 $0x2780, s3  }
0x8: {  	s9 =	sadd.s32 $0x50E00, s1;
	s23 =	smul.u32 $0x4F000, s3;
	s12 =	sshll.u32 s3, $0x6  }
0x9: {  	_ =	strace $0x80000047;
	s6 =	ssub.s32 $0x2, s7;
	s25 =	smul.u32 $0x27100, s7  }
0xa: {  	[dreg:$0x4] =	wrdreg s9;
	s13 =	smul.u32 $0x138800, s7;
	s12 =	sor.u32 $0x1C10, s12  }
0xb: {  	p0 =	seq.s32 s7, $0x0;
	s7 =	simm.s32 $0x0;
	s5 =	sadd.s32 s16, s1  }
0xc: {  	s8 =	sshrl.u32 s6, $0x1;
	[dreg:$0xf] =	wrdreg s12;
	s17 =	sadd.s32 $0x1C20, s5  }
0xd: {  	s1 =	sadd.s32 $0x53600, s1;
	s18 =	sadd.s32 $0x1C40, s5;
	[dreg:$0x5] =	wrdreg s17  }
0xe: {  	s4 =	smov.u32 @p0 s0;
	s19 =	sadd.s32 $0x1C60, s5;
	[dreg:$0x6] =	wrdreg s18  }
0xf: {  	p0 =	seq.s32 s3, $0xF;
	s20 =	sadd.s32 $0x1C80, s5;
	[dreg:$0x7] =	wrdreg s19  }
0x10: {  	s16 =	simm.s32 $0x9;
	s10 =	sadd.s32 $0x1CA0, s5;
	[dreg:$0x8] =	wrdreg s20  }
0x11: {  	s8 =	ssub.s32 s6, s8;
	s22 =	sadd.s32 $0x1CC0, s5;
	[dreg:$0x9] =	wrdreg s10  }
0x12: {  	s6 =	sadd.s32 $0x1C00, s5;
	s11 =	sadd.s32 $0x1CE0, s5;
	[dreg:$0xa] =	wrdreg s22  }
0x13: {  	s24 =	sadd.s32 $0x1D00, s5;
	s5 =	sadd.s32 $0x1D20, s5;
	[dreg:$0xb] =	wrdreg s11  }
0x14: {  	s26 =	sadd.s32 s21, s25;
	s29 =	sshrl.u32 s13, $0x3;
	[dreg:$0xc] =	wrdreg s24  }
0x15: {  	s25 =	simm.s32 $0xD;
	s10 =	sshrl.u32 s23, $0x2;
	[dreg:$0xd] =	wrdreg s5  }
0x16: {  	s5 =	sadd.s32 s1, s26;
	s1 =	sadd.s32 s1, s29;
	s30 =	smax.u32 s8, $0x1  }
0x17: {  	s22 =	simm.s32 $0x2A00;
	s23 =	simm.s32 $0x6A00;
	s18 =	simm.s32 $0xB  }
0x18: {  	s8 =	simm.s32 $0x8;
	s17 =	simm.s32 $0xF;
	s26 =	simm.s32 $0xA  }
.Ltmp0:
0x19: {  	s19 =	simm.s32 $0x4A00;
	[dreg:$0x10] =	wrdreg s5;
	(pc) =	sbr.rel .LBB2_1-.Ltmp0, $4  }
0x1a: {  	s11 =	simm.s32 $0x900;
	s1 =	sadd.s32 $0x25080, s1;
	[dreg:$0x12] =	wrdreg s30  }
0x1b: {  	s20 =	sadd.s32 s10, s2;
	s5 =	sadd.s32 $0x128400, s2;
	[dreg:$0x11] =	wrdreg s1  }
0x1c: {  	s10 =	simm.s32 $0xE;
	s0 =	sshrl.u32 @p0 s5, $0x3;
	[dreg:$0xe] =	wrdreg s20  }
0x1d: {  	s5 =	simm.s32 $0x40;
	[dreg:$0x13] =	wrdreg s0;
	s0 =	simm.s32 $0x10  }
.LBB2_4:
0x1e: {  	[bflag:$0x0] =	sbarrier.arrive $0xFFFF  }
0x1f: {  	s12 =	rddreg [dreg:$0xf]  }
0x20: {  	s1 =	rddreg [dreg:$0x11]  }
0x21: {  	s3 =	rddreg [dreg:$0x13]  }
0x22: {  	[hbm:s1], [sflag:s12] =	dma.local @p0 [spmem:s3], $0x2080  }
0x23: {  	s1 =	simm.s32 @p0 $0x10  }
0x24: {  	_ =	swait.ge @p0 [sflag:s1], $0x2080  }
0x25: {  	[sflag:s1] =	ssyncset.done @p0 $0x0;
	s20 =	rddreg [dreg:$0xe]  }
0x26: {  	s3 =	rddreg [dreg:$0x10];
	[sflag:s1] =	ssyncadd.s32 @p0 $0xFFFFDF80;
	s1 =	sshrl.u32 @!p0 s20, $0x3  }
0x27: {  	[hbm:s3], [sflag:s12] =	dma.local @!p0 [spmem:s1], $0x2780  }
0x28: {  	s1 =	simm.s32 @!p0 $0x10  }
0x29: {  	_ =	swait.ge @!p0 [sflag:s1], $0x2780  }
0x2a: {  	s7 =	rddreg [dreg:$0x14]  }
0x2b: {  	s30 =	rddreg [dreg:$0x12];
	s7 =	sadd.s32 $0x1, s7  }
0x2c: {  	p1 =	sne.s32 s7, s30  }
.Ltmp1:
0x2d: {  	_ = 	snop;
	(pc) =	sbr.rel @!p1 .LBB2_5-.Ltmp1, $3  }
0x2e: {  	_ =	sdelay $0x1  }
0x2f: {  	[sflag:s1] =	ssyncset.done @!p0 $0x0  }
0x30: {  	s31 =	simm.s32 $0x900;
	[sflag:s1] =	ssyncadd.s32 @!p0 $0xFFFFD880  }
.LBB2_1:
0x31: {  	[dreg:$0x14] =	wrdreg s7  }
0x32: {  	s3 =	simm.s32 $0x0;
	s1 =	rddreg [dreg:$0x5]  }
0x33: {  	[tilespmem:s3], [sflag:$0x1] =	stream.linear.gather [hbm4b:s6+s3], $0x100, $0x38;
	[tilespmem:$0x1E600] =	vst v63  }
0x34: {  	s9 =	simm.s32 $0x100;
	s29 =	rddreg [dreg:$0x6]  }
0x35: {  	[tilespmem:s9], [sflag:$0x2] =	stream.linear.gather [hbm4b:s1+s3], $0x100, $0x38;
	[tilespmem:$0x1E600] =	vst v63  }
0x36: {  	s13 =	simm.s32 $0x200;
	s30 =	rddreg [dreg:$0x7]  }
0x37: {  	[tilespmem:s13], [sflag:$0x3] =	stream.linear.gather [hbm4b:s29+s3], $0x100, $0x38;
	[tilespmem:$0x1E600] =	vst v63  }
0x38: {  	s21 =	simm.s32 $0x300;
	s7 =	rddreg [dreg:$0x8]  }
0x39: {  	[tilespmem:s21], [sflag:$0x4] =	stream.linear.gather [hbm4b:s30+s3], $0x100, $0x38;
	[tilespmem:$0x1E600] =	vst v63  }
0x3a: {  	s24 =	simm.s32 $0x400;
	s29 =	rddreg [dreg:$0x9]  }
0x3b: {  	[tilespmem:s24], [sflag:$0x5] =	stream.linear.gather [hbm4b:s7+s3], $0x100, $0x38;
	[tilespmem:$0x1E600] =	vst v63  }
0x3c: {  	s30 =	simm.s32 $0x500;
	s7 =	rddreg [dreg:$0xd]  }
0x3d: {  	[tilespmem:s30], [sflag:$0x6] =	stream.linear.gather [hbm4b:s29+s3], $0x100, $0x38;
	[tilespmem:$0x1E600] =	vst v63  }
0x3e: {  	s29 =	rddreg [dreg:$0xa];
	s30 =	simm.s32 $0x600  }
0x3f: {  	[tilespmem:s30], [sflag:$0x7] =	stream.linear.gather [hbm4b:s29+s3], $0x100, $0x38;
	[tilespmem:$0x1E600] =	vst v63  }
0x40: {  	s29 =	rddreg [dreg:$0xb];
	s30 =	simm.s32 $0x700  }
0x41: {  	[tilespmem:s30], [sflag:$0x8] =	stream.linear.gather [hbm4b:s29+s3], $0x100, $0x38;
	[tilespmem:$0x1E600] =	vst v63  }
0x42: {  	s29 =	rddreg [dreg:$0xc];
	s30 =	simm.s32 $0x800  }
0x43: {  	[tilespmem:s30], [sflag:$0x9] =	stream.linear.gather [hbm4b:s29+s3], $0x100, $0x38;
	[tilespmem:$0x1E600] =	vst v63  }
0x44: {  	s29 =	sshrl.u32 s20, $0x3;
	s30 =	rddreg [dreg:$0x4]  }
0x45: {  	[tilespmem:s31], [sflag:$0xA] =	stream.linear.gather [hbm4b:s7+s3], $0x100, $0x38;
	[tilespmem:$0x1E600] =	vst v63  }
0x46: {  	[spmem:s29], [sflag:s12] =	dma.local [hbm:s30], $0x2780  }
0x47: {  	_ =	swait.ge [sflag:s0], $0x2780  }
0x48: {  	[sflag:s0] =	ssyncset.done $0x0  }
0x49: {  	s12 =	simm.s32 $0x1;
	[sflag:s0] =	ssyncadd.s32 $0xFFFFD880  }
0x4a: {  	_ =	swait.ge [sflag:s12], $0x100  }
0x4b: {  	[sflag:s12] =	ssyncset.done $0x0  }
0x4c: {  	s20 =	simm.s32 $0x2;
	[sflag:s12] =	ssyncadd.s32 $0xFFFFFF00  }
0x4d: {  	[tilespmem:s14], [sflag:$0xB] =	stream.indirect.gather [hbm4b:s4+s5], $0x80, s3, s5, $0xb8;
	[tilespmem:$0x1E600] =	vst v63  }
0x4e: {  	_ =	swait.ge [sflag:s20], $0x100  }
0x4f: {  	[sflag:s20] =	ssyncset.done $0x0  }
0x50: {  	[sflag:s20] =	ssyncadd.s32 $0xFFFFFF00  }
0x51: {  	[tilespmem:s22], [sflag:$0xC] =	stream.indirect.gather [hbm4b:s4+s5], $0x80, s9, s5, $0xb8;
	[tilespmem:$0x1E600] =	vst v63  }
0x52: {  	s22 =	simm.s32 $0x3  }
0x53: {  	_ =	swait.ge [sflag:s22], $0x100  }
0x54: {  	[sflag:s22] =	ssyncset.done $0x0  }
0x55: {  	s29 =	simm.s32 $0x4;
	[sflag:s22] =	ssyncadd.s32 $0xFFFFFF00  }
0x56: {  	[tilespmem:s28], [sflag:$0xD] =	stream.indirect.gather [hbm4b:s4+s5], $0x80, s13, s5, $0xb8;
	[tilespmem:$0x1E600] =	vst v63  }
0x57: {  	_ =	swait.ge [sflag:s29], $0x100  }
0x58: {  	[sflag:s29] =	ssyncset.done $0x0  }
0x59: {  	s30 =	simm.s32 $0x5;
	[sflag:s29] =	ssyncadd.s32 $0xFFFFFF00  }
0x5a: {  	[tilespmem:s23], [sflag:$0xE] =	stream.indirect.gather [hbm4b:s4+s5], $0x80, s21, s5, $0xb8;
	[tilespmem:$0x1E600] =	vst v63  }
0x5b: {  	_ =	swait.ge [sflag:s30], $0x100  }
0x5c: {  	[sflag:s30] =	ssyncset.done $0x0  }
0x5d: {  	[sflag:s30] =	ssyncadd.s32 $0xFFFFFF00  }
0x5e: {  	[tilespmem:s15], [sflag:$0xF] =	stream.indirect.gather [hbm4b:s4+s5], $0x80, s24, s5, $0xb8;
	[tilespmem:$0x1E600] =	vst v63  }
0x5f: {  	s21 =	simm.s32 $0x0;
	[bflag:$0x0] =	sbarrier.arrive $0xFFFF  }
.LBB2_2:
0x60: {  	_ =	swait.ge [sflag:s18], $0x2000  }
0x61: {  	[sflag:s18] =	ssyncset.done $0x0  }
0x62: {  	s7 =	simm.s32 $0xA00;
	s1 =	simm.s32 $0x80;
	[sflag:s18] =	ssyncadd.s32 $0xFFFFE000  }
0x63: {  	[spmem:s2] =	stream.indirect.scatter.add.f32 [tilespmem:s7], [sflag:$0x10], $0x80, s1, s5, $0xb8;
	[tilespmem:$0x1E600] =	vst v63  }
0x64: {  	p1 =	seq.s32 s21, $0x26C0;
	_ =	swait.ge [sflag:s0], $0x2000  }
0x65: {  	s3 =	simm.s32 $0x6;
	s20 =	sadd.s32 @!p1 s21, s6;
	[sflag:s0] =	ssyncset.done $0x0  }
0x66: {  	s12 =	sadd.s32 @!p1 $0x140, s20;
	s1 =	simm.s32 @!p1 $0x0;
	[sflag:s0] =	ssyncadd.s32 $0xFFFFE000  }
0x67: {  	[tilespmem:s1], [sflag:$0x1] =	stream.linear.gather @!p1 [hbm4b:s12+s1], $0x100, $0x38;
	[tilespmem:$0x1E600] =	vst v63  }
0x68: {  	_ =	swait.ge [sflag:s3], $0x100  }
0x69: {  	[sflag:s3] =	ssyncset.done $0x0  }
0x6a: {  	s22 =	simm.s32 $0x500;
	s23 =	simm.s32 $0xC;
	[sflag:s3] =	ssyncadd.s32 $0xFFFFFF00  }
0x6b: {  	[tilespmem:s7], [sflag:$0xB] =	stream.indirect.gather [hbm4b:s4+s5], $0x80, s22, s5, $0xb8;
	[tilespmem:$0x1E600] =	vst v63  }
0x6c: {  	_ =	swait.ge [sflag:s23], $0x2000  }
0x6d: {  	[sflag:s23] =	ssyncset.done $0x0  }
0x6e: {  	s9 =	simm.s32 $0x2A00;
	s24 =	simm.s32 $0x180;
	[sflag:s23] =	ssyncadd.s32 $0xFFFFE000  }
0x6f: {  	[spmem:s2] =	stream.indirect.scatter.add.f32 [tilespmem:s9], [sflag:$0x10], $0x80, s24, s5, $0xb8;
	[tilespmem:$0x1E600] =	vst v63  }
0x70: {  	_ =	swait.ge [sflag:s0], $0x2000  }
0x71: {  	s29 =	simm.s32 $0x7;
	[sflag:s0] =	ssyncset.done $0x0  }
0x72: {  	s28 =	simm.s32 @!p1 $0x100;
	s12 =	sadd.s32 @!p1 $0x160, s20;
	[sflag:s0] =	ssyncadd.s32 $0xFFFFE000  }
0x73: {  	[tilespmem:s28], [sflag:$0x2] =	stream.linear.gather @!p1 [hbm4b:s12+s1], $0x100, $0x38;
	[tilespmem:$0x1E600] =	vst v63  }
0x74: {  	_ =	swait.ge [sflag:s29], $0x100  }
0x75: {  	[sflag:s29] =	ssyncset.done $0x0  }
0x76: {  	s30 =	simm.s32 $0x600;
	[sflag:s29] =	ssyncadd.s32 $0xFFFFFF00  }
0x77: {  	[tilespmem:s9], [sflag:$0xC] =	stream.indirect.gather [hbm4b:s4+s5], $0x80, s30, s5, $0xb8;
	[tilespmem:$0x1E600] =	vst v63  }
0x78: {  	_ =	swait.ge [sflag:s25], $0x2000  }
0x79: {  	[sflag:s25] =	ssyncset.done $0x0  }
0x7a: {  	s12 =	simm.s32 $0x280;
	[sflag:s25] =	ssyncadd.s32 $0xFFFFE000  }
0x7b: {  	[spmem:s2] =	stream.indirect.scatter.add.f32 [tilespmem:s19], [sflag:$0x10], $0x80, s12, s5, $0xb8;
	[tilespmem:$0x1E600] =	vst v63  }
0x7c: {  	_ =	swait.ge [sflag:s0], $0x2000  }
0x7d: {  	[sflag:s0] =	ssyncset.done $0x0  }
0x7e: {  	s24 =	simm.s32 @!p1 $0x200;
	s12 =	sadd.s32 @!p1 $0x180, s20;
	[sflag:s0] =	ssyncadd.s32 $0xFFFFE000  }
0x7f: {  	[tilespmem:s24], [sflag:$0x3] =	stream.linear.gather @!p1 [hbm4b:s12+s1], $0x100, $0x38;
	[tilespmem:$0x1E600] =	vst v63  }
0x80: {  	_ =	swait.ge [sflag:s8], $0x100  }
0x81: {  	[sflag:s8] =	ssyncset.done $0x0  }
0x82: {  	s13 =	simm.s32 $0x700;
	[sflag:s8] =	ssyncadd.s32 $0xFFFFFF00  }
0x83: {  	[tilespmem:s19], [sflag:$0xD] =	stream.indirect.gather [hbm4b:s4+s5], $0x80, s13, s5, $0xb8;
	[tilespmem:$0x1E600] =	vst v63  }
0x84: {  	_ =	swait.ge [sflag:s10], $0x2000  }
0x85: {  	[sflag:s10] =	ssyncset.done $0x0  }
0x86: {  	s14 =	simm.s32 $0x6A00;
	s23 =	simm.s32 $0x380;
	[sflag:s10] =	ssyncadd.s32 $0xFFFFE000  }
0x87: {  	[spmem:s2] =	stream.indirect.scatter.add.f32 [tilespmem:s14], [sflag:$0x10], $0x80, s23, s5, $0xb8;
	[tilespmem:$0x1E600] =	vst v63  }
0x88: {  	_ =	swait.ge [sflag:s0], $0x2000  }
0x89: {  	[sflag:s0] =	ssyncset.done $0x0  }
0x8a: {  	s29 =	sadd.s32 @!p1 $0x1A0, s20;
	s12 =	simm.s32 @!p1 $0x300;
	[sflag:s0] =	ssyncadd.s32 $0xFFFFE000  }
0x8b: {  	[tilespmem:s12], [sflag:$0x4] =	stream.linear.gather @!p1 [hbm4b:s29+s1], $0x100, $0x38;
	[tilespmem:$0x1E600] =	vst v63  }
0x8c: {  	_ =	swait.ge [sflag:s16], $0x100  }
0x8d: {  	[sflag:s16] =	ssyncset.done $0x0  }
0x8e: {  	s29 =	simm.s32 $0x800;
	[sflag:s16] =	ssyncadd.s32 $0xFFFFFF00  }
0x8f: {  	[tilespmem:s14], [sflag:$0xE] =	stream.indirect.gather [hbm4b:s4+s5], $0x80, s29, s5, $0xb8;
	[tilespmem:$0x1E600] =	vst v63  }
0x90: {  	_ =	swait.ge [sflag:s17], $0x2000  }
0x91: {  	[sflag:s17] =	ssyncset.done $0x0  }
0x92: {  	s30 =	simm.s32 $0x480;
	[sflag:s17] =	ssyncadd.s32 $0xFFFFE000  }
0x93: {  	[spmem:s2] =	stream.indirect.scatter.add.f32 [tilespmem:s15], [sflag:$0x10], $0x80, s30, s5, $0xb8;
	[tilespmem:$0x1E600] =	vst v63  }
0x94: {  	_ =	swait.ge [sflag:s0], $0x2000  }
0x95: {  	[sflag:s0] =	ssyncset.done $0x0  }
0x96: {  	s29 =	sadd.s32 @!p1 $0x1C0, s20;
	s30 =	simm.s32 @!p1 $0x400;
	[sflag:s0] =	ssyncadd.s32 $0xFFFFE000  }
0x97: {  	[tilespmem:s30], [sflag:$0x5] =	stream.linear.gather @!p1 [hbm4b:s29+s1], $0x100, $0x38;
	[tilespmem:$0x1E600] =	vst v63  }
0x98: {  	_ =	swait.ge [sflag:s26], $0x100  }
0x99: {  	[sflag:s26] =	ssyncset.done $0x0  }
0x9a: {  	[sflag:s26] =	ssyncadd.s32 $0xFFFFFF00  }
0x9b: {  	[tilespmem:s15], [sflag:$0xF] =	stream.indirect.gather [hbm4b:s4+s5], $0x80, s31, s5, $0xb8;
	[tilespmem:$0x1E600] =	vst v63  }
0x9c: {  	_ =	swait.ge [sflag:s18], $0x2000  }
0x9d: {  	[sflag:s18] =	ssyncset.done $0x0  }
0x9e: {  	s9 =	simm.s32 $0x580;
	[sflag:s18] =	ssyncadd.s32 $0xFFFFE000  }
0x9f: {  	[spmem:s2] =	stream.indirect.scatter.add.f32 [tilespmem:s7], [sflag:$0x10], $0x80, s9, s5, $0xb8;
	[tilespmem:$0x1E600] =	vst v63  }
0xa0: {  	_ =	swait.ge [sflag:s0], $0x2000  }
0xa1: {  	[sflag:s0] =	ssyncset.done $0x0  }
0xa2: {  	s29 =	simm.s32 @p1 $0xC;
	[sflag:s0] =	ssyncadd.s32 $0xFFFFE000  }
0xa3: {  	_ =	swait.ge @p1 [sflag:s29], $0x2000  }
0xa4: {  	s3 =	simm.s32 @p1 $0x2A00;
	[sflag:s29] =	ssyncset.done @p1 $0x0  }
0xa5: {  	s30 =	simm.s32 @p1 $0x40;
	[sflag:s29] =	ssyncadd.s32 @p1 $0xFFFFE000;
	s29 =	simm.s32 @p1 $0x680  }
0xa6: {  	[spmem:s2] =	stream.indirect.scatter.add.f32 @p1 [tilespmem:s3], [sflag:$0x10], $0x80, s29, s30, $0xb8;
	[tilespmem:$0x1E600] =	vst v63  }
0xa7: {  	s3 =	simm.s32 @p1 $0x10  }
0xa8: {  	_ =	swait.ge @p1 [sflag:s3], $0x2000  }
0xa9: {  	[sflag:s3] =	ssyncset.done @p1 $0x0  }
0xaa: {  	s31 =	simm.s32 @!p1 $0x500;
	s29 =	sadd.s32 @!p1 $0x1E0, s20;
	[sflag:s3] =	ssyncadd.s32 @p1 $0xFFFFE000  }
0xab: {  	[tilespmem:s31], [sflag:$0x6] =	stream.linear.gather @!p1 [hbm4b:s29+s1], $0x100, $0x38;
	[tilespmem:$0x1E600] =	vst v63  }
0xac: {  	s29 =	simm.s32 @!p1 $0x1  }
0xad: {  	_ =	swait.ge @!p1 [sflag:s29], $0x100  }
0xae: {  	[sflag:s29] =	ssyncset.done @!p1 $0x0  }
0xaf: {  	s31 =	simm.s32 @!p1 $0xA00;
	[sflag:s29] =	ssyncadd.s32 @!p1 $0xFFFFFF00;
	s29 =	simm.s32 @!p1 $0x40  }
0xb0: {  	[tilespmem:s31], [sflag:$0xB] =	stream.indirect.gather @!p1 [hbm4b:s4+s29], $0x80, s1, s29, $0xb8;
	[tilespmem:$0x1E600] =	vst v63  }
0xb1: {  	s31 =	simm.s32 @!p1 $0xC  }
0xb2: {  	_ =	swait.ge @!p1 [sflag:s31], $0x2000  }
0xb3: {  	[sflag:s31] =	ssyncset.done @!p1 $0x0  }
0xb4: {  	s9 =	simm.s32 @!p1 $0x2A00;
	[sflag:s31] =	ssyncadd.s32 @!p1 $0xFFFFE000;
	s31 =	simm.s32 @!p1 $0x680  }
0xb5: {  	[spmem:s2] =	stream.indirect.scatter.add.f32 @!p1 [tilespmem:s9], [sflag:$0x10], $0x80, s31, s29, $0xb8;
	[tilespmem:$0x1E600] =	vst v63  }
0xb6: {  	s31 =	simm.s32 @!p1 $0x10  }
0xb7: {  	_ =	swait.ge @!p1 [sflag:s31], $0x2000  }
0xb8: {  	[sflag:s31] =	ssyncset.done @!p1 $0x0  }
0xb9: {  	s13 =	sadd.s32 @!p1 $0x200, s20;
	s7 =	simm.s32 @!p1 $0x600;
	[sflag:s31] =	ssyncadd.s32 @!p1 $0xFFFFE000  }
0xba: {  	[tilespmem:s7], [sflag:$0x7] =	stream.linear.gather @!p1 [hbm4b:s13+s1], $0x100, $0x38;
	[tilespmem:$0x1E600] =	vst v63  }
0xbb: {  	s7 =	simm.s32 @!p1 $0x2  }
0xbc: {  	_ =	swait.ge @!p1 [sflag:s7], $0x100  }
0xbd: {  	[sflag:s7] =	ssyncset.done @!p1 $0x0  }
0xbe: {  	[sflag:s7] =	ssyncadd.s32 @!p1 $0xFFFFFF00  }
0xbf: {  	[tilespmem:s9], [sflag:$0xC] =	stream.indirect.gather @!p1 [hbm4b:s4+s29], $0x80, s28, s29, $0xb8;
	[tilespmem:$0x1E600] =	vst v63  }
0xc0: {  	_ =	swait.ge [sflag:s25], $0x2000  }
0xc1: {  	[sflag:s25] =	ssyncset.done $0x0  }
0xc2: {  	s13 =	simm.s32 $0x780;
	[sflag:s25] =	ssyncadd.s32 $0xFFFFE000  }
0xc3: {  	[spmem:s2] =	stream.indirect.scatter.add.f32 [tilespmem:s19], [sflag:$0x10], $0x80, s13, s5, $0xb8;
	[tilespmem:$0x1E600] =	vst v63  }
0xc4: {  	_ =	swait.ge [sflag:s0], $0x2000  }
0xc5: {  	[sflag:s0] =	ssyncset.done $0x0  }
0xc6: {  	s7 =	simm.s32 @p1 $0xE;
	[sflag:s0] =	ssyncadd.s32 $0xFFFFE000  }
0xc7: {  	_ =	swait.ge @p1 [sflag:s7], $0x2000  }
0xc8: {  	[sflag:s7] =	ssyncset.done @p1 $0x0  }
0xc9: {  	s9 =	simm.s32 @p1 $0x6A00;
	[sflag:s7] =	ssyncadd.s32 @p1 $0xFFFFE000;
	s7 =	simm.s32 @p1 $0x880  }
0xca: {  	[spmem:s2] =	stream.indirect.scatter.add.f32 @p1 [tilespmem:s9], [sflag:$0x10], $0x80, s7, s30, $0xb8;
	[tilespmem:$0x1E600] =	vst v63  }
0xcb: {  	_ =	swait.ge @p1 [sflag:s3], $0x2000  }
0xcc: {  	[sflag:s3] =	ssyncset.done @p1 $0x0  }
0xcd: {  	s7 =	simm.s32 @!p1 $0x700;
	[sflag:s3] =	ssyncadd.s32 @p1 $0xFFFFE000;
	s3 =	sadd.s32 @!p1 $0x220, s20  }
0xce: {  	[tilespmem:s7], [sflag:$0x8] =	stream.linear.gather @!p1 [hbm4b:s3+s1], $0x100, $0x38;
	[tilespmem:$0x1E600] =	vst v63  }
0xcf: {  	s3 =	simm.s32 @!p1 $0x3  }
0xd0: {  	_ =	swait.ge @!p1 [sflag:s3], $0x100  }
0xd1: {  	[sflag:s3] =	ssyncset.done @!p1 $0x0  }
0xd2: {  	[sflag:s3] =	ssyncadd.s32 @!p1 $0xFFFFFF00;
	s3 =	simm.s32 @!p1 $0x4A00  }
0xd3: {  	[tilespmem:s3], [sflag:$0xD] =	stream.indirect.gather @!p1 [hbm4b:s4+s29], $0x80, s24, s29, $0xb8;
	[tilespmem:$0x1E600] =	vst v63  }
0xd4: {  	s3 =	simm.s32 @!p1 $0xE  }
0xd5: {  	_ =	swait.ge @!p1 [sflag:s3], $0x2000  }
0xd6: {  	[sflag:s3] =	ssyncset.done @!p1 $0x0  }
0xd7: {  	s7 =	simm.s32 @!p1 $0x6A00;
	[sflag:s3] =	ssyncadd.s32 @!p1 $0xFFFFE000;
	s3 =	simm.s32 @!p1 $0x880  }
0xd8: {  	[spmem:s2] =	stream.indirect.scatter.add.f32 @!p1 [tilespmem:s7], [sflag:$0x10], $0x80, s3, s29, $0xb8;
	[tilespmem:$0x1E600] =	vst v63  }
0xd9: {  	_ =	swait.ge @!p1 [sflag:s31], $0x2000  }
0xda: {  	[sflag:s31] =	ssyncset.done @!p1 $0x0  }
0xdb: {  	s9 =	simm.s32 @!p1 $0x800;
	s3 =	sadd.s32 @!p1 $0x240, s20;
	[sflag:s31] =	ssyncadd.s32 @!p1 $0xFFFFE000  }
0xdc: {  	[tilespmem:s9], [sflag:$0x9] =	stream.linear.gather @!p1 [hbm4b:s3+s1], $0x100, $0x38;
	[tilespmem:$0x1E600] =	vst v63  }
0xdd: {  	s1 =	simm.s32 @!p1 $0x4  }
0xde: {  	_ =	swait.ge @!p1 [sflag:s1], $0x100  }
0xdf: {  	[sflag:s1] =	ssyncset.done @!p1 $0x0  }
0xe0: {  	[sflag:s1] =	ssyncadd.s32 @!p1 $0xFFFFFF00  }
0xe1: {  	[tilespmem:s7], [sflag:$0xE] =	stream.indirect.gather @!p1 [hbm4b:s4+s29], $0x80, s12, s29, $0xb8;
	[tilespmem:$0x1E600] =	vst v63  }
0xe2: {  	_ =	swait.ge [sflag:s17], $0x2000  }
0xe3: {  	[sflag:s17] =	ssyncset.done $0x0  }
.Ltmp2:
0xe4: {  	s31 =	simm.s32 $0x980;
	[sflag:s17] =	ssyncadd.s32 $0xFFFFE000;
	(pc) =	sbr.rel @p1 .LBB2_4-.Ltmp2, $4  }
0xe5: {  	[spmem:s2] =	stream.indirect.scatter.add.f32 [tilespmem:s15], [sflag:$0x10], $0x80, s31, s5, $0xb8;
	[tilespmem:$0x1E600] =	vst v63  }
0xe6: {  	_ =	swait.ge [sflag:s0], $0x2000  }
0xe7: {  	s22 =	simm.s32 $0x2A00;
	s23 =	simm.s32 $0x6A00;
	[sflag:s0] =	ssyncset.done $0x0  }
0xe8: {  	s14 =	simm.s32 $0xA00;
	s28 =	simm.s32 $0x4A00;
	[sflag:s0] =	ssyncadd.s32 $0xFFFFE000  }
0xe9: {  	s1 =	sadd.s32 s21, s6  }
0xea: {  	s3 =	simm.s32 $0x0;
	s1 =	sadd.s32 $0x260, s1  }
0xeb: {  	[tilespmem:s11], [sflag:$0xA] =	stream.linear.gather [hbm4b:s1+s3], $0x100, $0x38;
	[tilespmem:$0x1E600] =	vst v63  }
.Ltmp3:
0xec: {  	s29 =	simm.s32 $0x5;
	(pc) =	sbr.rel .LBB2_2-.Ltmp3, $4  }
0xed: {  	_ =	swait.ge [sflag:s29], $0x100  }
0xee: {  	s30 =	simm.s32 $0x400;
	[sflag:s29] =	ssyncset.done $0x0  }
0xef: {  	s21 =	sadd.s32 $0x140, s21;
	s31 =	simm.s32 $0x900;
	[sflag:s29] =	ssyncadd.s32 $0xFFFFFF00  }
0xf0: {  	[tilespmem:s15], [sflag:$0xF] =	stream.indirect.gather [hbm4b:s4+s5], $0x80, s30, s5, $0xb8;
	[tilespmem:$0x1E600] =	vst v63  }
.LBB2_5:
0xf1: {  	_ =	sfence.sel $0x180000  }
0xf2: {  	[bflag:$0x0] =	sbarrier.arrive $0xFFFF  }
0xf3: {  	_ =	strace $0x90000047  }
0xf4: {  	s0 =	stileid.u32;
	[bflag:$0x2] =	sbarrier.arrive $0xFFFF  }
0xf5: {  	p0 =	sne.s32 s0, $0x0;
	s0 =	rddreg [dreg:$0x3]  }
0xf6: {  	s0 =	sadd.s32 @!p0 $0x100000, s0  }
0xf7: {  	[sflag:s0] =	ssyncadd.tile.s32 @!p0 $0x1;
	_ =	shalt  }
.Lfunc_end2:
_tile_overlayer_lowered:
.L_overlay_start_2:
0xf8: {  	(tag) =	ssettag $0x2  }
0xf9: {  	s0 =	rddreg [dreg:$0x0];
	s2 =	stileid.u32  }
0xfa: {  	s1 =	rddreg [dreg:$0x1];
	p0 =	sne.s32 s2, $0x0  }
0xfb: {  	s3 =	rddreg [dreg:$0x2];
	[bflag:$0x3] =	sbarrier.arrive $0xFFFF;
	s2 =	simm.s32 @!p0 $0x1C10  }
0xfc: {  	[timem:s3], [sflag:s2] =	dma.local @!p0 [hbm:s0], s1  }
0xfd: {  	s0 =	simm.s32 @!p0 $0x10  }
0xfe: {  	_ =	swait.ge @!p0 [sflag:s0], s1  }
0xff: {  	s1 =	ssub.s32 @!p0 $0x0, s1;
	[sflag:s0] =	ssyncset.done @!p0 $0x0  }
0x100: {  	[sflag:s0] =	ssyncadd.s32 @!p0 s1  }
0x101: {  	[bflag:$0x3] =	sbarrier.arrive $0xFFFF  }
0x102: {  	_ =	shalt  }

</sc_bundles>
